<compile_context>
chip_gen: v7x
topology: tpu7x:2x2x1
jax: 0.10.2.dev20260603
libtpu: 0.0.44.dev20260713+nightly
codegen_flags: <defaults>
</compile_context>

<pallas_src>
import functools

import jax
import jax.numpy as jnp
from jax import lax
from jax.experimental import pallas as pl
from jax.experimental.pallas import tpu as pltpu
from jax.experimental.pallas import tpu_sc as plsc

B = 4
S = 2048
D = 1024
SUB = 16
LANE = 128
V0 = 2050
ROWS = B * S
NW = 32
RPW = ROWS // NW
CH = 64
NCH = RPW // CH


def _shift_lane(x, k, fill):
    pad = jnp.full((x.shape[0], k), fill, x.dtype)
    return jnp.concatenate([pad, x[:, : x.shape[1] - k]], axis=1)


def _shift_sub(x, k, fill):
    pad = jnp.full((k, x.shape[1]), fill, x.dtype)
    return jnp.concatenate([pad, x[: x.shape[0] - k, :]], axis=0)


def _scan_flat(x, op, fill):
    m = x
    k = 1
    while k < LANE:
        m = op(m, _shift_lane(m, k, fill))
        k *= 2
    r = jnp.broadcast_to(m[:, LANE - 1 : LANE], (SUB, LANE))
    r = _shift_sub(r, 1, fill)
    k = 1
    while k < SUB:
        r = op(r, _shift_sub(r, k, fill))
        k *= 2
    return op(m, r)


def _cumsum(x):
    return _scan_flat(x, jnp.add, jnp.int32(0))


def _cummax(x, fill):
    return _scan_flat(x, jnp.maximum, jnp.int32(fill))


def _maps_body(ids_ref, m0_ref, m12_ref, ctr_ref):
    t = ids_ref[0]
    sub = lax.broadcasted_iota(jnp.int32, (SUB, LANE), 0)
    lane = lax.broadcasted_iota(jnp.int32, (SUB, LANE), 1)
    pos = sub * LANE + lane

    c1e = jnp.logical_and(t >= 5, t <= 8)
    c2e = jnp.logical_or(t == 9, t == 10)
    eos = t == 1

    s1 = _cumsum(c1e.astype(jnp.int32))
    s2 = _cumsum(c2e.astype(jnp.int32))
    done = _cumsum(eos.astype(jnp.int32)) >= 1

    e12 = jnp.logical_or(c1e, c2e)
    L1 = _cummax(jnp.where(e12, pos, -1), -1)
    val0 = jnp.where(L1 >= 0, pos - L1, pos + 3)
    carry0 = (val0 >= V0).astype(jnp.int32)
    ctr0 = val0 - V0 * carry0

    M1 = _cummax(jnp.where(c2e, s1, 0), 0)
    prevlast = _shift_sub(M1[:, LANE - 1 : LANE], 1, jnp.int32(0))
    m1x = jnp.concatenate([prevlast, M1[:, : LANE - 1]], axis=1)
    a = jnp.where(c2e, (s1 - m1x) >> 6, 0)
    acc = _cumsum(a)

    raw1 = s1 - M1 + carry0
    ctr1 = raw1 & 63
    pc1 = raw1 >> 6
    ctr2 = (s2 + acc + pc1) & 63

    m0_ref[0] = jnp.where(done, V0 - 1, ctr0)
    m1v = jnp.where(done, 63, ctr1)
    m2v = jnp.where(done, 63, ctr2)
    m12_ref[0] = m1v * 64 + m2v

    nvalid = S - jnp.sum(done.astype(jnp.int32))
    selv = pos == nvalid - 1
    c0f = jnp.where(nvalid == 0, 2, jnp.sum(jnp.where(selv, ctr0, 0)))
    c1f = jnp.where(nvalid == 0, 0, jnp.sum(jnp.where(selv, ctr1, 0)))
    c2f = jnp.where(nvalid == 0, 0, jnp.sum(jnp.where(selv, ctr2, 0)))
    sub8 = lax.broadcasted_iota(jnp.int32, (8, LANE), 0)
    lane8 = lax.broadcasted_iota(jnp.int32, (8, LANE), 1)
    first = sub8 == 0
    arr = (jnp.where(jnp.logical_and(first, lane8 == 0), c0f, 0)
           + jnp.where(jnp.logical_and(first, lane8 == 1), c1f, 0)
           + jnp.where(jnp.logical_and(first, lane8 == 2), c2f, 0))
    ctr_ref[0] = arr


def _compute_maps(ids3):
    return pl.pallas_call(
        _maps_body,
        grid=(B,),
        in_specs=[pl.BlockSpec((1, SUB, LANE), lambda b: (b, 0, 0))],
        out_specs=[
            pl.BlockSpec((1, SUB, LANE), lambda b: (b, 0, 0)),
            pl.BlockSpec((1, SUB, LANE), lambda b: (b, 0, 0)),
            pl.BlockSpec((1, 8, LANE), lambda b: (b, 0, 0)),
        ],
        out_shape=[
            jax.ShapeDtypeStruct((B, SUB, LANE), jnp.int32),
            jax.ShapeDtypeStruct((B, SUB, LANE), jnp.int32),
            jax.ShapeDtypeStruct((B, 8, LANE), jnp.int32),
        ],
    )(ids3)


def _gather_body(rpw, emb0_hbm, idx_hbm, out_hbm, idx_v, rows_v, g0, g1, w0, w1):
    nch = rpw // CH
    wid = lax.axis_index("s") * 2 + lax.axis_index("c")
    pltpu.sync_copy(idx_hbm.at[wid], idx_v)
    base = wid * rpw
    gsem = (g0, g1)
    wsem = (w0, w1)

    def gather(k):
        return pltpu.async_copy(
            emb0_hbm.at[idx_v.at[k]], rows_v.at[k % 2], gsem[k % 2])

    def writeout(k):
        return pltpu.async_copy(
            rows_v.at[k % 2], out_hbm.at[pl.ds(base + k * CH, CH)],
            wsem[k % 2])

    if nch == 1:
        gather(0)
        pltpu.make_async_copy(
            emb0_hbm.at[idx_v.at[0]], rows_v.at[0], gsem[0]).wait()
        writeout(0)
        pltpu.make_async_copy(
            rows_v.at[0], out_hbm.at[pl.ds(base, CH)], wsem[0]).wait()
        return
    gather(0)
    for k in range(nch):
        pltpu.make_async_copy(
            emb0_hbm.at[idx_v.at[k]], rows_v.at[k % 2], gsem[k % 2]).wait()
        if k + 1 < nch:
            if k >= 1:
                pltpu.make_async_copy(
                    rows_v.at[(k + 1) % 2],
                    out_hbm.at[pl.ds(base + (k - 1) * CH, CH)],
                    wsem[(k + 1) % 2]).wait()
            gather(k + 1)
        writeout(k)
    pltpu.make_async_copy(
        rows_v.at[(nch - 2) % 2],
        out_hbm.at[pl.ds(base + (nch - 2) * CH, CH)],
        wsem[(nch - 2) % 2]).wait()
    pltpu.make_async_copy(
        rows_v.at[(nch - 1) % 2],
        out_hbm.at[pl.ds(base + (nch - 1) * CH, CH)],
        wsem[(nch - 1) % 2]).wait()


def _gather_emb0(emb0, idx, nrows):
    mesh = plsc.VectorSubcoreMesh(core_axis_name="c", subcore_axis_name="s")
    f = functools.partial(
        pl.kernel,
        mesh=mesh,
        out_type=jax.ShapeDtypeStruct((nrows, D), jnp.float32),
        scratch_types=[
            pltpu.VMEM((nrows // NW // CH, CH), jnp.int32),
            pltpu.VMEM((1 if nrows // NW == CH else 2, CH, D), jnp.float32),
            pltpu.SemaphoreType.DMA,
            pltpu.SemaphoreType.DMA,
            pltpu.SemaphoreType.DMA,
            pltpu.SemaphoreType.DMA,
        ],
    )(functools.partial(_gather_body, nrows // NW))
    return f(emb0, idx)


def _onehot_dot(g_ref, m12_ref, t12_ref, out_ref):
    mm = jnp.broadcast_to(m12_ref[:, 0:1], (m12_ref.shape[0], 128))
    lane = lax.broadcasted_iota(jnp.int32, mm.shape, 1)
    islo = lane < 64
    hit = jnp.logical_or(
        jnp.logical_and(islo, lane == (mm >> 6)),
        jnp.logical_and(jnp.logical_not(islo), (lane - 64) == (mm & 63)))
    oh = jnp.where(hit, jnp.float32(1), jnp.float32(0)).astype(jnp.bfloat16)
    out_ref[...] = g_ref[...] + jnp.dot(
        oh, t12_ref[...], preferred_element_type=jnp.float32)


def _combine_body_first(g_ref, m12_ref, t12_ref, out_ref):
    _onehot_dot(g_ref, m12_ref, t12_ref, out_ref)


def _combine_body_next(prev_ref, g_ref, m12_ref, t12_ref, out_ref):
    del prev_ref
    _onehot_dot(g_ref, m12_ref, t12_ref, out_ref)


_BLK = 1024
NSPLIT = 4
_NBS = (ROWS // NSPLIT) // _BLK


def _combine_split(prev, g, m12b, t12, split):
    off = split * _NBS
    g_spec = pl.BlockSpec((_BLK, D), lambda i: (i, 0))
    m_spec = pl.BlockSpec((_BLK, 8), lambda i: (i + off, 0))
    t_spec = pl.BlockSpec((128, D), lambda i: (0, 0))
    o_spec = pl.BlockSpec((_BLK, D), lambda i: (i + off, 0))
    oshape = jax.ShapeDtypeStruct((ROWS, D), jnp.float32)
    if prev is None:
        return pl.pallas_call(
            _combine_body_first,
            grid=(_NBS,),
            in_specs=[g_spec, m_spec, t_spec],
            out_specs=o_spec,
            out_shape=oshape,
        )(g, m12b, t12)
    return pl.pallas_call(
        _combine_body_next,
        grid=(_NBS,),
        in_specs=[pl.BlockSpec(memory_space=pl.ANY), g_spec, m_spec, t_spec],
        out_specs=o_spec,
        out_shape=oshape,
        input_output_aliases={0: 0},
    )(prev, g, m12b, t12)


def kernel(input_ids, emb0, emb1, emb2):
    ids3 = input_ids.reshape(B, SUB, LANE)
    m0, m12, ctr = _compute_maps(ids3)
    rps = ROWS // NSPLIT
    m0h = m0.reshape(NSPLIT, rps)
    gs = [_gather_emb0(emb0, m0h[s].reshape(NW, -1, CH), rps)
          for s in range(NSPLIT)]
    m12b = jnp.broadcast_to(m12.reshape(ROWS, 1), (ROWS, 8))
    t12 = jnp.concatenate([emb1, emb2], axis=0).astype(jnp.bfloat16)
    out = None
    for s in range(NSPLIT):
        out = _combine_split(out, gs[s], m12b, t12, s)
    counters = ctr.reshape(B, 8 * LANE)[:, :3]
    return out.reshape(B, S, D), counters

# --- scband reference (transcript-rebuilt; emitter-appended) ---
"""Pipeline reference for scband-dim-positional-embedding-15676630631236 (READ-ONLY COPY).

The authoritative reference and input builder live on the scoring server;
editing this copy changes nothing except your own understanding.
"""

import jax, jax.numpy as jnp
import numpy as np

OFFSET = 2
MAX_DIM_LENS = [2050, 64, 64]  # max_dim_lens after __init__ applies offset to dim 0
COUNTER_DIM = 3
EMB_D = 1024
VOCAB = 32000
BATCH = 4
SEQ = 2048

_lut = np.zeros((VOCAB,), dtype=np.int32)
for _i, _keys in enumerate([[5, 6, 7, 8], [9, 10]]):
    for _k in _keys:
        _lut[_k] = _i + 1
KEY_LUT = jnp.asarray(_lut)
MD = jnp.asarray(np.array(MAX_DIM_LENS, dtype=np.int32))


def setup_inputs(seed: int = 0) -> dict:
    key = jax.random.key(seed)
    k1, k2, k3, k4 = jax.random.split(key, 4)
    input_ids = jax.random.randint(k1, (BATCH, SEQ), 0, VOCAB, dtype=jnp.int32)
    emb0 = jax.random.normal(k2, (MAX_DIM_LENS[0], EMB_D), dtype=jnp.float32) * 0.02
    emb1 = jax.random.normal(k3, (MAX_DIM_LENS[1], EMB_D), dtype=jnp.float32) * 0.02
    emb2 = jax.random.normal(k4, (MAX_DIM_LENS[2], EMB_D), dtype=jnp.float32) * 0.02
    return {"input_ids": input_ids, "emb0": emb0, "emb1": emb1, "emb2": emb2}


def _token_step(state, token):
    counters, done = state
    done = jnp.logical_or(done, token == 1)  # break on EOS token id 1
    c = KEY_LUT[token]
    nc = counters.at[c].add(1)
    idxs = jnp.arange(COUNTER_DIM)
    nc = jnp.where(idxs < c, 0, nc)  # zero counters below the triggered one
    carry = jnp.int32(0)
    vals = []
    for j in range(COUNTER_DIM):
        active = j >= c
        v = nc[j] + carry
        overflow = jnp.logical_and(active, v >= MD[j])
        vj = jnp.where(active, jnp.where(overflow, jnp.int32(0), v), nc[j])
        carry = jnp.where(active, jnp.where(overflow, jnp.int32(1), jnp.int32(0)), carry)
        vals.append(vj)
    nc = jnp.stack(vals)
    out_map = jnp.where(done, MD - 1, nc)  # default index max_dim_lens[j]-1 after break
    counters_out = jnp.where(done, counters, nc)
    return (counters_out, done), out_map


def _seq_maps(seq):
    init = (jnp.array([OFFSET, 0, 0], dtype=jnp.int32), jnp.array(False))
    (final_counters, _), maps = jax.lax.scan(_token_step, init, seq)
    return maps, final_counters


def reference(input_ids, emb0, emb1, emb2):
    # maps: [B, S, COUNTER_DIM]; counters: [B, COUNTER_DIM]
    maps, counters = jax.vmap(_seq_maps)(input_ids)
    # dropout is identity in eval mode; sum the three positional embedding lookups
    out = emb0[maps[..., 0]] + emb1[maps[..., 1]] + emb2[maps[..., 2]]
    return out, counters

if __name__ == "__main__":
    import jax
    _d = setup_inputs()
    print(jax.jit(kernel)(*tuple(_d.values())))

</pallas_src>

<mosaic_0001>
#map = affine_map<(d0, d1) -> (0, 0)>
#map1 = affine_map<(d0, d1) -> (0, 0, 0)>
module attributes {stable_mosaic.version = 14 : i64} {
  func.func @_gather_body(%arg0: i32, %arg1: i32, %arg2: memref<2050x1024xf32, #tpu.memory_space<hbm>>, %arg3: memref<32x1x64xi32, #tpu.memory_space<hbm>>, %arg4: memref<2048x1024xf32, #tpu.memory_space<hbm>>, %arg5: memref<1x64xi32, #tpu.memory_space<vmem>>, %arg6: memref<1x64x1024xf32, #tpu.memory_space<vmem>>, %arg7: memref<!tpu.dma_semaphore, #tpu.memory_space<semaphore_mem>>, %arg8: memref<!tpu.dma_semaphore, #tpu.memory_space<semaphore_mem>>, %arg9: memref<!tpu.dma_semaphore, #tpu.memory_space<semaphore_mem>>, %arg10: memref<!tpu.dma_semaphore, #tpu.memory_space<semaphore_mem>>) attributes {dimension_semantics = [#tpu.dimension_semantics<core_parallel>, #tpu.dimension_semantics<subcore_parallel>], iteration_bounds = array<i64: 2, 16>, scalar_prefetch = 0 : i64, scratch_operands = 6 : i64, tpu.core_type = #tpu.core_type<sc_vector_subcore>, window_params = [{transform_indices = #map}, {transform_indices = #map1}, {transform_indices = #map}]} {
    %mul3A = arith.constant 2 : i32
    %mul3A_0 = arith.muli %arg1, %mul3A : i32
    %add3A = arith.addi %mul3A_0, %arg0 : i32
    "tpu.region"() ({
      %run_scoped3A = tpu.sem_alloc : memref<!tpu.dma_semaphore, #tpu.memory_space<semaphore_mem>>
      %dma_start3A_53 = arith.constant 0 : i32
      %dma_start3A_54 = arith.constant 0 : i32
      %dma_start3A_55 = tpu.memref_slice %arg3[%add3A, %dma_start3A_53, %dma_start3A_54] : memref<32x1x64xi32, #tpu.memory_space<hbm>> -> memref<1x1x64xi32, #tpu.memory_space<hbm>>
      %dma_start3A_56 = tpu.memref_squeeze %dma_start3A_55 : memref<1x1x64xi32, #tpu.memory_space<hbm>> -> memref<1x64xi32, #tpu.memory_space<hbm>>
      %dma_start3A_57 = arith.constant 0 : i32
      %dma_start3A_58 = arith.constant 0 : i32
      %dma_start3A_59 = tpu.memref_slice %arg3[%add3A, %dma_start3A_57, %dma_start3A_58] : memref<32x1x64xi32, #tpu.memory_space<hbm>> -> memref<1x1x64xi32, #tpu.memory_space<hbm>>
      %dma_start3A_60 = tpu.memref_squeeze %dma_start3A_59 : memref<1x1x64xi32, #tpu.memory_space<hbm>> -> memref<1x64xi32, #tpu.memory_space<hbm>>
      tpu.enqueue_dma source(%dma_start3A_60 : memref<1x64xi32, #tpu.memory_space<hbm>>) target(%arg5 : memref<1x64xi32, #tpu.memory_space<vmem>>) target_semaphore(%run_scoped3A : memref<!tpu.dma_semaphore, #tpu.memory_space<semaphore_mem>>)
      %dma_wait3A_61 = arith.constant 0 : i32
      %dma_wait3A_62 = arith.constant 0 : i32
      %dma_wait3A_63 = tpu.memref_slice %arg3[%add3A, %dma_wait3A_61, %dma_wait3A_62] : memref<32x1x64xi32, #tpu.memory_space<hbm>> -> memref<1x1x64xi32, #tpu.memory_space<hbm>>
      %dma_wait3A_64 = tpu.memref_squeeze %dma_wait3A_63 : memref<1x1x64xi32, #tpu.memory_space<hbm>> -> memref<1x64xi32, #tpu.memory_space<hbm>>
      %dma_wait3A_65 = arith.constant 0 : i32
      %dma_wait3A_66 = arith.constant 0 : i32
      %dma_wait3A_67 = tpu.memref_slice %arg3[%add3A, %dma_wait3A_65, %dma_wait3A_66] : memref<32x1x64xi32, #tpu.memory_space<hbm>> -> memref<1x1x64xi32, #tpu.memory_space<hbm>>
      %dma_wait3A_68 = tpu.memref_squeeze %dma_wait3A_67 : memref<1x1x64xi32, #tpu.memory_space<hbm>> -> memref<1x64xi32, #tpu.memory_space<hbm>>
      tpu.wait_dma2 semaphore(%run_scoped3A : memref<!tpu.dma_semaphore, #tpu.memory_space<semaphore_mem>>) src(%dma_wait3A_68 : memref<1x64xi32, #tpu.memory_space<hbm>>) dst(%arg5 : memref<1x64xi32, #tpu.memory_space<vmem>>)
      tpu.yield
    }) : () -> ()
    %mul3A_1 = arith.constant 64 : i32
    %mul3A_2 = arith.muli %add3A, %mul3A_1 : i32
    %dma_start3A = arith.constant 0 : i32
    %dma_start3A_3 = arith.constant 0 : i32
    %dma_start3A_4 = arith.constant 0 : i32
    %dma_start3A_5 = arith.constant 0 : i32
    %dma_start3A_6 = tpu.memref_slice %arg6[%dma_start3A_3, %dma_start3A_4, %dma_start3A_5] : memref<1x64x1024xf32, #tpu.memory_space<vmem>> -> memref<1x64x1024xf32, #tpu.memory_space<vmem>>
    %dma_start3A_7 = tpu.memref_squeeze %dma_start3A_6 : memref<1x64x1024xf32, #tpu.memory_space<vmem>> -> memref<64x1024xf32, #tpu.memory_space<vmem>>
    %dma_start3A_8 = arith.constant 0 : i32
    %dma_start3A_9 = tpu.memref_slice %arg5[%dma_start3A, %dma_start3A_8] : memref<1x64xi32, #tpu.memory_space<vmem>> -> memref<1x64xi32, #tpu.memory_space<vmem>>
    %dma_start3A_10 = tpu.memref_squeeze %dma_start3A_9 : memref<1x64xi32, #tpu.memory_space<vmem>> -> memref<64xi32, #tpu.memory_space<vmem>>
    %dma_start3A_11 = arith.constant 0 : i32
    %dma_start3A_12 = arith.constant 0 : i32
    %dma_start3A_13 = tpu.memref_slice %arg2[%dma_start3A_11, %dma_start3A_12] : memref<2050x1024xf32, #tpu.memory_space<hbm>> -> memref<2050x1024xf32, #tpu.memory_space<hbm>>
    tpu.enqueue_indirect_dma source(%dma_start3A_13 : memref<2050x1024xf32, #tpu.memory_space<hbm>>) target(%dma_start3A_7 : memref<64x1024xf32, #tpu.memory_space<vmem>>) offsets(%dma_start3A_10 : memref<64xi32, #tpu.memory_space<vmem>>) semaphore(%arg7 : memref<!tpu.dma_semaphore, #tpu.memory_space<semaphore_mem>>)
    %dma_wait3A = arith.constant 0 : i32
    %dma_wait3A_14 = arith.constant 0 : i32
    %dma_wait3A_15 = arith.constant 0 : i32
    %dma_wait3A_16 = arith.constant 0 : i32
    %dma_wait3A_17 = tpu.memref_slice %arg6[%dma_wait3A_14, %dma_wait3A_15, %dma_wait3A_16] : memref<1x64x1024xf32, #tpu.memory_space<vmem>> -> memref<1x64x1024xf32, #tpu.memory_space<vmem>>
    %dma_wait3A_18 = tpu.memref_squeeze %dma_wait3A_17 : memref<1x64x1024xf32, #tpu.memory_space<vmem>> -> memref<64x1024xf32, #tpu.memory_space<vmem>>
    %dma_wait3A_19 = arith.constant 0 : i32
    %dma_wait3A_20 = tpu.memref_slice %arg5[%dma_wait3A, %dma_wait3A_19] : memref<1x64xi32, #tpu.memory_space<vmem>> -> memref<1x64xi32, #tpu.memory_space<vmem>>
    %dma_wait3A_21 = tpu.memref_squeeze %dma_wait3A_20 : memref<1x64xi32, #tpu.memory_space<vmem>> -> memref<64xi32, #tpu.memory_space<vmem>>
    %dma_wait3A_22 = arith.constant 0 : i32
    %dma_wait3A_23 = arith.constant 0 : i32
    %dma_wait3A_24 = tpu.memref_slice %arg2[%dma_wait3A_22, %dma_wait3A_23] : memref<2050x1024xf32, #tpu.memory_space<hbm>> -> memref<2050x1024xf32, #tpu.memory_space<hbm>>
    tpu.wait_indirect_dma semaphore(%arg7 : memref<!tpu.dma_semaphore, #tpu.memory_space<semaphore_mem>>) src(%dma_wait3A_24 : memref<2050x1024xf32, #tpu.memory_space<hbm>>) dst(%dma_wait3A_18 : memref<64x1024xf32, #tpu.memory_space<vmem>>)
    %add3A_25 = arith.constant 0 : i32
    %add3A_26 = arith.addi %mul3A_2, %add3A_25 : i32
    %dma_start3A_27 = arith.constant 0 : i32
    %dma_start3A_28 = arith.constant 0 : i32
    %dma_start3A_29 = arith.constant 0 : i32
    %dma_start3A_30 = tpu.memref_slice %arg6[%dma_start3A_27, %dma_start3A_28, %dma_start3A_29] : memref<1x64x1024xf32, #tpu.memory_space<vmem>> -> memref<1x64x1024xf32, #tpu.memory_space<vmem>>
    %dma_start3A_31 = tpu.memref_squeeze %dma_start3A_30 : memref<1x64x1024xf32, #tpu.memory_space<vmem>> -> memref<64x1024xf32, #tpu.memory_space<vmem>>
    %dma_start3A_32 = arith.constant 0 : i32
    %dma_start3A_33 = tpu.memref_slice %arg4[%add3A_26, %dma_start3A_32] : memref<2048x1024xf32, #tpu.memory_space<hbm>> -> memref<64x1024xf32, #tpu.memory_space<hbm>>
    %dma_start3A_34 = arith.constant 0 : i32
    %dma_start3A_35 = tpu.memref_slice %arg4[%add3A_26, %dma_start3A_34] : memref<2048x1024xf32, #tpu.memory_space<hbm>> -> memref<64x1024xf32, #tpu.memory_space<hbm>>
    %dma_start3A_36 = arith.constant 0 : i32
    %dma_start3A_37 = arith.constant 0 : i32
    %dma_start3A_38 = tpu.memref_slice %arg6[%dma_start3A_27, %dma_start3A_36, %dma_start3A_37] : memref<1x64x1024xf32, #tpu.memory_space<vmem>> -> memref<1x64x1024xf32, #tpu.memory_space<vmem>>
    %dma_start3A_39 = tpu.memref_squeeze %dma_start3A_38 : memref<1x64x1024xf32, #tpu.memory_space<vmem>> -> memref<64x1024xf32, #tpu.memory_space<vmem>>
    tpu.enqueue_dma source(%dma_start3A_39 : memref<64x1024xf32, #tpu.memory_space<vmem>>) target(%dma_start3A_35 : memref<64x1024xf32, #tpu.memory_space<hbm>>) target_semaphore(%arg9 : memref<!tpu.dma_semaphore, #tpu.memory_space<semaphore_mem>>)
    %dma_wait3A_40 = arith.constant 0 : i32
    %dma_wait3A_41 = arith.constant 0 : i32
    %dma_wait3A_42 = arith.constant 0 : i32
    %dma_wait3A_43 = tpu.memref_slice %arg6[%dma_wait3A_40, %dma_wait3A_41, %dma_wait3A_42] : memref<1x64x1024xf32, #tpu.memory_space<vmem>> -> memref<1x64x1024xf32, #tpu.memory_space<vmem>>
    %dma_wait3A_44 = tpu.memref_squeeze %dma_wait3A_43 : memref<1x64x1024xf32, #tpu.memory_space<vmem>> -> memref<64x1024xf32, #tpu.memory_space<vmem>>
    %dma_wait3A_45 = arith.constant 0 : i32
    %dma_wait3A_46 = tpu.memref_slice %arg4[%mul3A_2, %dma_wait3A_45] : memref<2048x1024xf32, #tpu.memory_space<hbm>> -> memref<64x1024xf32, #tpu.memory_space<hbm>>
    %dma_wait3A_47 = arith.constant 0 : i32
    %dma_wait3A_48 = tpu.memref_slice %arg4[%mul3A_2, %dma_wait3A_47] : memref<2048x1024xf32, #tpu.memory_space<hbm>> -> memref<64x1024xf32, #tpu.memory_space<hbm>>
    %dma_wait3A_49 = arith.constant 0 : i32
    %dma_wait3A_50 = arith.constant 0 : i32
    %dma_wait3A_51 = tpu.memref_slice %arg6[%dma_wait3A_40, %dma_wait3A_49, %dma_wait3A_50] : memref<1x64x1024xf32, #tpu.memory_space<vmem>> -> memref<1x64x1024xf32, #tpu.memory_space<vmem>>
    %dma_wait3A_52 = tpu.memref_squeeze %dma_wait3A_51 : memref<1x64x1024xf32, #tpu.memory_space<vmem>> -> memref<64x1024xf32, #tpu.memory_space<vmem>>
    tpu.wait_dma2 semaphore(%arg9 : memref<!tpu.dma_semaphore, #tpu.memory_space<semaphore_mem>>) src(%dma_wait3A_52 : memref<64x1024xf32, #tpu.memory_space<vmem>>) dst(%dma_wait3A_48 : memref<64x1024xf32, #tpu.memory_space<hbm>>)
    return
  }
}

#map = affine_map<(d0, d1) -> (0, 0)>
#map1 = affine_map<(d0, d1) -> (0, 0, 0)>
module attributes {stable_mosaic.version = 14 : i64} {
  func.func @_gather_body(%arg0: i32, %arg1: i32, %arg2: memref<2050x1024xf32, #tpu.memory_space<hbm>>, %arg3: memref<32x1x64xi32, #tpu.memory_space<hbm>>, %arg4: memref<2048x1024xf32, #tpu.memory_space<hbm>>, %arg5: memref<1x64xi32, #tpu.memory_space<vmem>>, %arg6: memref<1x64x1024xf32, #tpu.memory_space<vmem>>, %arg7: memref<!tpu.dma_semaphore, #tpu.memory_space<semaphore_mem>>, %arg8: memref<!tpu.dma_semaphore, #tpu.memory_space<semaphore_mem>>, %arg9: memref<!tpu.dma_semaphore, #tpu.memory_space<semaphore_mem>>, %arg10: memref<!tpu.dma_semaphore, #tpu.memory_space<semaphore_mem>>) attributes {dimension_semantics = [#tpu.dimension_semantics<core_parallel>, #tpu.dimension_semantics<subcore_parallel>], iteration_bounds = array<i64: 2, 16>, scalar_prefetch = 0 : i64, scratch_operands = 6 : i64, tpu.core_type = #tpu.core_type<sc_vector_subcore>, window_params = [{transform_indices = #map}, {transform_indices = #map1}, {transform_indices = #map}]} {
    %mul3A = arith.constant 2 : i32
    %mul3A_0 = arith.muli %arg1, %mul3A : i32
    %add3A = arith.addi %mul3A_0, %arg0 : i32
    "tpu.region"() ({
      %run_scoped3A = tpu.sem_alloc : memref<!tpu.dma_semaphore, #tpu.memory_space<semaphore_mem>>
      %dma_start3A_53 = arith.constant 0 : i32
      %dma_start3A_54 = arith.constant 0 : i32
      %dma_start3A_55 = tpu.memref_slice %arg3[%add3A, %dma_start3A_53, %dma_start3A_54] : memref<32x1x64xi32, #tpu.memory_space<hbm>> -> memref<1x1x64xi32, #tpu.memory_space<hbm>>
      %dma_start3A_56 = tpu.memref_squeeze %dma_start3A_55 : memref<1x1x64xi32, #tpu.memory_space<hbm>> -> memref<1x64xi32, #tpu.memory_space<hbm>>
      %dma_start3A_57 = arith.constant 0 : i32
      %dma_start3A_58 = arith.constant 0 : i32
      %dma_start3A_59 = tpu.memref_slice %arg3[%add3A, %dma_start3A_57, %dma_start3A_58] : memref<32x1x64xi32, #tpu.memory_space<hbm>> -> memref<1x1x64xi32, #tpu.memory_space<hbm>>
      %dma_start3A_60 = tpu.memref_squeeze %dma_start3A_59 : memref<1x1x64xi32, #tpu.memory_space<hbm>> -> memref<1x64xi32, #tpu.memory_space<hbm>>
      tpu.enqueue_dma source(%dma_start3A_60 : memref<1x64xi32, #tpu.memory_space<hbm>>) target(%arg5 : memref<1x64xi32, #tpu.memory_space<vmem>>) target_semaphore(%run_scoped3A : memref<!tpu.dma_semaphore, #tpu.memory_space<semaphore_mem>>)
      %dma_wait3A_61 = arith.constant 0 : i32
      %dma_wait3A_62 = arith.constant 0 : i32
      %dma_wait3A_63 = tpu.memref_slice %arg3[%add3A, %dma_wait3A_61, %dma_wait3A_62] : memref<32x1x64xi32, #tpu.memory_space<hbm>> -> memref<1x1x64xi32, #tpu.memory_space<hbm>>
      %dma_wait3A_64 = tpu.memref_squeeze %dma_wait3A_63 : memref<1x1x64xi32, #tpu.memory_space<hbm>> -> memref<1x64xi32, #tpu.memory_space<hbm>>
      %dma_wait3A_65 = arith.constant 0 : i32
      %dma_wait3A_66 = arith.constant 0 : i32
      %dma_wait3A_67 = tpu.memref_slice %arg3[%add3A, %dma_wait3A_65, %dma_wait3A_66] : memref<32x1x64xi32, #tpu.memory_space<hbm>> -> memref<1x1x64xi32, #tpu.memory_space<hbm>>
      %dma_wait3A_68 = tpu.memref_squeeze %dma_wait3A_67 : memref<1x1x64xi32, #tpu.memory_space<hbm>> -> memref<1x64xi32, #tpu.memory_space<hbm>>
      tpu.wait_dma2 semaphore(%run_scoped3A : memref<!tpu.dma_semaphore, #tpu.memory_space<semaphore_mem>>) src(%dma_wait3A_68 : memref<1x64xi32, #tpu.memory_space<hbm>>) dst(%arg5 : memref<1x64xi32, #tpu.memory_space<vmem>>)
      tpu.yield
    }) : () -> ()
    %mul3A_1 = arith.constant 64 : i32
    %mul3A_2 = arith.muli %add3A, %mul3A_1 : i32
    %dma_start3A = arith.constant 0 : i32
    %dma_start3A_3 = arith.constant 0 : i32
    %dma_start3A_4 = arith.constant 0 : i32
    %dma_start3A_5 = arith.constant 0 : i32
    %dma_start3A_6 = tpu.memref_slice %arg6[%dma_start3A_3, %dma_start3A_4, %dma_start3A_5] : memref<1x64x1024xf32, #tpu.memory_space<vmem>> -> memref<1x64x1024xf32, #tpu.memory_space<vmem>>
    %dma_start3A_7 = tpu.memref_squeeze %dma_start3A_6 : memref<1x64x1024xf32, #tpu.memory_space<vmem>> -> memref<64x1024xf32, #tpu.memory_space<vmem>>
    %dma_start3A_8 = arith.constant 0 : i32
    %dma_start3A_9 = tpu.memref_slice %arg5[%dma_start3A, %dma_start3A_8] : memref<1x64xi32, #tpu.memory_space<vmem>> -> memref<1x64xi32, #tpu.memory_space<vmem>>
    %dma_start3A_10 = tpu.memref_squeeze %dma_start3A_9 : memref<1x64xi32, #tpu.memory_space<vmem>> -> memref<64xi32, #tpu.memory_space<vmem>>
    %dma_start3A_11 = arith.constant 0 : i32
    %dma_start3A_12 = arith.constant 0 : i32
    %dma_start3A_13 = tpu.memref_slice %arg2[%dma_start3A_11, %dma_start3A_12] : memref<2050x1024xf32, #tpu.memory_space<hbm>> -> memref<2050x1024xf32, #tpu.memory_space<hbm>>
    tpu.enqueue_indirect_dma source(%dma_start3A_13 : memref<2050x1024xf32, #tpu.memory_space<hbm>>) target(%dma_start3A_7 : memref<64x1024xf32, #tpu.memory_space<vmem>>) offsets(%dma_start3A_10 : memref<64xi32, #tpu.memory_space<vmem>>) semaphore(%arg7 : memref<!tpu.dma_semaphore, #tpu.memory_space<semaphore_mem>>)
    %dma_wait3A = arith.constant 0 : i32
    %dma_wait3A_14 = arith.constant 0 : i32
    %dma_wait3A_15 = arith.constant 0 : i32
    %dma_wait3A_16 = arith.constant 0 : i32
    %dma_wait3A_17 = tpu.memref_slice %arg6[%dma_wait3A_14, %dma_wait3A_15, %dma_wait3A_16] : memref<1x64x1024xf32, #tpu.memory_space<vmem>> -> memref<1x64x1024xf32, #tpu.memory_space<vmem>>
    %dma_wait3A_18 = tpu.memref_squeeze %dma_wait3A_17 : memref<1x64x1024xf32, #tpu.memory_space<vmem>> -> memref<64x1024xf32, #tpu.memory_space<vmem>>
    %dma_wait3A_19 = arith.constant 0 : i32
    %dma_wait3A_20 = tpu.memref_slice %arg5[%dma_wait3A, %dma_wait3A_19] : memref<1x64xi32, #tpu.memory_space<vmem>> -> memref<1x64xi32, #tpu.memory_space<vmem>>
    %dma_wait3A_21 = tpu.memref_squeeze %dma_wait3A_20 : memref<1x64xi32, #tpu.memory_space<vmem>> -> memref<64xi32, #tpu.memory_space<vmem>>
    %dma_wait3A_22 = arith.constant 0 : i32
    %dma_wait3A_23 = arith.constant 0 : i32
    %dma_wait3A_24 = tpu.memref_slice %arg2[%dma_wait3A_22, %dma_wait3A_23] : memref<2050x1024xf32, #tpu.memory_space<hbm>> -> memref<2050x1024xf32, #tpu.memory_space<hbm>>
    tpu.wait_indirect_dma semaphore(%arg7 : memref<!tpu.dma_semaphore, #tpu.memory_space<semaphore_mem>>) src(%dma_wait3A_24 : memref<2050x1024xf32, #tpu.memory_space<hbm>>) dst(%dma_wait3A_18 : memref<64x1024xf32, #tpu.memory_space<vmem>>)
    %add3A_25 = arith.constant 0 : i32
    %add3A_26 = arith.addi %mul3A_2, %add3A_25 : i32
    %dma_start3A_27 = arith.constant 0 : i32
    %dma_start3A_28 = arith.constant 0 : i32
    %dma_start3A_29 = arith.constant 0 : i32
    %dma_start3A_30 = tpu.memref_slice %arg6[%dma_start3A_27, %dma_start3A_28, %dma_start3A_29] : memref<1x64x1024xf32, #tpu.memory_space<vmem>> -> memref<1x64x1024xf32, #tpu.memory_space<vmem>>
    %dma_start3A_31 = tpu.memref_squeeze %dma_start3A_30 : memref<1x64x1024xf32, #tpu.memory_space<vmem>> -> memref<64x1024xf32, #tpu.memory_space<vmem>>
    %dma_start3A_32 = arith.constant 0 : i32
    %dma_start3A_33 = tpu.memref_slice %arg4[%add3A_26, %dma_start3A_32] : memref<2048x1024xf32, #tpu.memory_space<hbm>> -> memref<64x1024xf32, #tpu.memory_space<hbm>>
    %dma_start3A_34 = arith.constant 0 : i32
    %dma_start3A_35 = tpu.memref_slice %arg4[%add3A_26, %dma_start3A_34] : memref<2048x1024xf32, #tpu.memory_space<hbm>> -> memref<64x1024xf32, #tpu.memory_space<hbm>>
    %dma_start3A_36 = arith.constant 0 : i32
    %dma_start3A_37 = arith.constant 0 : i32
    %dma_start3A_38 = tpu.memref_slice %arg6[%dma_start3A_27, %dma_start3A_36, %dma_start3A_37] : memref<1x64x1024xf32, #tpu.memory_space<vmem>> -> memref<1x64x1024xf32, #tpu.memory_space<vmem>>
    %dma_start3A_39 = tpu.memref_squeeze %dma_start3A_38 : memref<1x64x1024xf32, #tpu.memory_space<vmem>> -> memref<64x1024xf32, #tpu.memory_space<vmem>>
    tpu.enqueue_dma source(%dma_start3A_39 : memref<64x1024xf32, #tpu.memory_space<vmem>>) target(%dma_start3A_35 : memref<64x1024xf32, #tpu.memory_space<hbm>>) target_semaphore(%arg9 : memref<!tpu.dma_semaphore, #tpu.memory_space<semaphore_mem>>)
    %dma_wait3A_40 = arith.constant 0 : i32
    %dma_wait3A_41 = arith.constant 0 : i32
    %dma_wait3A_42 = arith.constant 0 : i32
    %dma_wait3A_43 = tpu.memref_slice %arg6[%dma_wait3A_40, %dma_wait3A_41, %dma_wait3A_42] : memref<1x64x1024xf32, #tpu.memory_space<vmem>> -> memref<1x64x1024xf32, #tpu.memory_space<vmem>>
    %dma_wait3A_44 = tpu.memref_squeeze %dma_wait3A_43 : memref<1x64x1024xf32, #tpu.memory_space<vmem>> -> memref<64x1024xf32, #tpu.memory_space<vmem>>
    %dma_wait3A_45 = arith.constant 0 : i32
    %dma_wait3A_46 = tpu.memref_slice %arg4[%mul3A_2, %dma_wait3A_45] : memref<2048x1024xf32, #tpu.memory_space<hbm>> -> memref<64x1024xf32, #tpu.memory_space<hbm>>
    %dma_wait3A_47 = arith.constant 0 : i32
    %dma_wait3A_48 = tpu.memref_slice %arg4[%mul3A_2, %dma_wait3A_47] : memref<2048x1024xf32, #tpu.memory_space<hbm>> -> memref<64x1024xf32, #tpu.memory_space<hbm>>
    %dma_wait3A_49 = arith.constant 0 : i32
    %dma_wait3A_50 = arith.constant 0 : i32
    %dma_wait3A_51 = tpu.memref_slice %arg6[%dma_wait3A_40, %dma_wait3A_49, %dma_wait3A_50] : memref<1x64x1024xf32, #tpu.memory_space<vmem>> -> memref<1x64x1024xf32, #tpu.memory_space<vmem>>
    %dma_wait3A_52 = tpu.memref_squeeze %dma_wait3A_51 : memref<1x64x1024xf32, #tpu.memory_space<vmem>> -> memref<64x1024xf32, #tpu.memory_space<vmem>>
    tpu.wait_dma2 semaphore(%arg9 : memref<!tpu.dma_semaphore, #tpu.memory_space<semaphore_mem>>) src(%dma_wait3A_52 : memref<64x1024xf32, #tpu.memory_space<vmem>>) dst(%dma_wait3A_48 : memref<64x1024xf32, #tpu.memory_space<hbm>>)
    return
  }
}

#map = affine_map<(d0, d1) -> (0, 0)>
#map1 = affine_map<(d0, d1) -> (0, 0, 0)>
module attributes {stable_mosaic.version = 14 : i64} {
  func.func @_gather_body(%arg0: i32, %arg1: i32, %arg2: memref<2050x1024xf32, #tpu.memory_space<hbm>>, %arg3: memref<32x1x64xi32, #tpu.memory_space<hbm>>, %arg4: memref<2048x1024xf32, #tpu.memory_space<hbm>>, %arg5: memref<1x64xi32, #tpu.memory_space<vmem>>, %arg6: memref<1x64x1024xf32, #tpu.memory_space<vmem>>, %arg7: memref<!tpu.dma_semaphore, #tpu.memory_space<semaphore_mem>>, %arg8: memref<!tpu.dma_semaphore, #tpu.memory_space<semaphore_mem>>, %arg9: memref<!tpu.dma_semaphore, #tpu.memory_space<semaphore_mem>>, %arg10: memref<!tpu.dma_semaphore, #tpu.memory_space<semaphore_mem>>) attributes {dimension_semantics = [#tpu.dimension_semantics<core_parallel>, #tpu.dimension_semantics<subcore_parallel>], iteration_bounds = array<i64: 2, 16>, scalar_prefetch = 0 : i64, scratch_operands = 6 : i64, tpu.core_type = #tpu.core_type<sc_vector_subcore>, window_params = [{transform_indices = #map}, {transform_indices = #map1}, {transform_indices = #map}]} {
    %mul3A = arith.constant 2 : i32
    %mul3A_0 = arith.muli %arg1, %mul3A : i32
    %add3A = arith.addi %mul3A_0, %arg0 : i32
    "tpu.region"() ({
      %run_scoped3A = tpu.sem_alloc : memref<!tpu.dma_semaphore, #tpu.memory_space<semaphore_mem>>
      %dma_start3A_53 = arith.constant 0 : i32
      %dma_start3A_54 = arith.constant 0 : i32
      %dma_start3A_55 = tpu.memref_slice %arg3[%add3A, %dma_start3A_53, %dma_start3A_54] : memref<32x1x64xi32, #tpu.memory_space<hbm>> -> memref<1x1x64xi32, #tpu.memory_space<hbm>>
      %dma_start3A_56 = tpu.memref_squeeze %dma_start3A_55 : memref<1x1x64xi32, #tpu.memory_space<hbm>> -> memref<1x64xi32, #tpu.memory_space<hbm>>
      %dma_start3A_57 = arith.constant 0 : i32
      %dma_start3A_58 = arith.constant 0 : i32
      %dma_start3A_59 = tpu.memref_slice %arg3[%add3A, %dma_start3A_57, %dma_start3A_58] : memref<32x1x64xi32, #tpu.memory_space<hbm>> -> memref<1x1x64xi32, #tpu.memory_space<hbm>>
      %dma_start3A_60 = tpu.memref_squeeze %dma_start3A_59 : memref<1x1x64xi32, #tpu.memory_space<hbm>> -> memref<1x64xi32, #tpu.memory_space<hbm>>
      tpu.enqueue_dma source(%dma_start3A_60 : memref<1x64xi32, #tpu.memory_space<hbm>>) target(%arg5 : memref<1x64xi32, #tpu.memory_space<vmem>>) target_semaphore(%run_scoped3A : memref<!tpu.dma_semaphore, #tpu.memory_space<semaphore_mem>>)
      %dma_wait3A_61 = arith.constant 0 : i32
      %dma_wait3A_62 = arith.constant 0 : i32
      %dma_wait3A_63 = tpu.memref_slice %arg3[%add3A, %dma_wait3A_61, %dma_wait3A_62] : memref<32x1x64xi32, #tpu.memory_space<hbm>> -> memref<1x1x64xi32, #tpu.memory_space<hbm>>
      %dma_wait3A_64 = tpu.memref_squeeze %dma_wait3A_63 : memref<1x1x64xi32, #tpu.memory_space<hbm>> -> memref<1x64xi32, #tpu.memory_space<hbm>>
      %dma_wait3A_65 = arith.constant 0 : i32
      %dma_wait3A_66 = arith.constant 0 : i32
      %dma_wait3A_67 = tpu.memref_slice %arg3[%add3A, %dma_wait3A_65, %dma_wait3A_66] : memref<32x1x64xi32, #tpu.memory_space<hbm>> -> memref<1x1x64xi32, #tpu.memory_space<hbm>>
      %dma_wait3A_68 = tpu.memref_squeeze %dma_wait3A_67 : memref<1x1x64xi32, #tpu.memory_space<hbm>> -> memref<1x64xi32, #tpu.memory_space<hbm>>
      tpu.wait_dma2 semaphore(%run_scoped3A : memref<!tpu.dma_semaphore, #tpu.memory_space<semaphore_mem>>) src(%dma_wait3A_68 : memref<1x64xi32, #tpu.memory_space<hbm>>) dst(%arg5 : memref<1x64xi32, #tpu.memory_space<vmem>>)
      tpu.yield
    }) : () -> ()
    %mul3A_1 = arith.constant 64 : i32
    %mul3A_2 = arith.muli %add3A, %mul3A_1 : i32
    %dma_start3A = arith.constant 0 : i32
    %dma_start3A_3 = arith.constant 0 : i32
    %dma_start3A_4 = arith.constant 0 : i32
    %dma_start3A_5 = arith.constant 0 : i32
    %dma_start3A_6 = tpu.memref_slice %arg6[%dma_start3A_3, %dma_start3A_4, %dma_start3A_5] : memref<1x64x1024xf32, #tpu.memory_space<vmem>> -> memref<1x64x1024xf32, #tpu.memory_space<vmem>>
    %dma_start3A_7 = tpu.memref_squeeze %dma_start3A_6 : memref<1x64x1024xf32, #tpu.memory_space<vmem>> -> memref<64x1024xf32, #tpu.memory_space<vmem>>
    %dma_start3A_8 = arith.constant 0 : i32
    %dma_start3A_9 = tpu.memref_slice %arg5[%dma_start3A, %dma_start3A_8] : memref<1x64xi32, #tpu.memory_space<vmem>> -> memref<1x64xi32, #tpu.memory_space<vmem>>
    %dma_start3A_10 = tpu.memref_squeeze %dma_start3A_9 : memref<1x64xi32, #tpu.memory_space<vmem>> -> memref<64xi32, #tpu.memory_space<vmem>>
    %dma_start3A_11 = arith.constant 0 : i32
    %dma_start3A_12 = arith.constant 0 : i32
    %dma_start3A_13 = tpu.memref_slice %arg2[%dma_start3A_11, %dma_start3A_12] : memref<2050x1024xf32, #tpu.memory_space<hbm>> -> memref<2050x1024xf32, #tpu.memory_space<hbm>>
    tpu.enqueue_indirect_dma source(%dma_start3A_13 : memref<2050x1024xf32, #tpu.memory_space<hbm>>) target(%dma_start3A_7 : memref<64x1024xf32, #tpu.memory_space<vmem>>) offsets(%dma_start3A_10 : memref<64xi32, #tpu.memory_space<vmem>>) semaphore(%arg7 : memref<!tpu.dma_semaphore, #tpu.memory_space<semaphore_mem>>)
    %dma_wait3A = arith.constant 0 : i32
    %dma_wait3A_14 = arith.constant 0 : i32
    %dma_wait3A_15 = arith.constant 0 : i32
    %dma_wait3A_16 = arith.constant 0 : i32
    %dma_wait3A_17 = tpu.memref_slice %arg6[%dma_wait3A_14, %dma_wait3A_15, %dma_wait3A_16] : memref<1x64x1024xf32, #tpu.memory_space<vmem>> -> memref<1x64x1024xf32, #tpu.memory_space<vmem>>
    %dma_wait3A_18 = tpu.memref_squeeze %dma_wait3A_17 : memref<1x64x1024xf32, #tpu.memory_space<vmem>> -> memref<64x1024xf32, #tpu.memory_space<vmem>>
    %dma_wait3A_19 = arith.constant 0 : i32
    %dma_wait3A_20 = tpu.memref_slice %arg5[%dma_wait3A, %dma_wait3A_19] : memref<1x64xi32, #tpu.memory_space<vmem>> -> memref<1x64xi32, #tpu.memory_space<vmem>>
    %dma_wait3A_21 = tpu.memref_squeeze %dma_wait3A_20 : memref<1x64xi32, #tpu.memory_space<vmem>> -> memref<64xi32, #tpu.memory_space<vmem>>
    %dma_wait3A_22 = arith.constant 0 : i32
    %dma_wait3A_23 = arith.constant 0 : i32
    %dma_wait3A_24 = tpu.memref_slice %arg2[%dma_wait3A_22, %dma_wait3A_23] : memref<2050x1024xf32, #tpu.memory_space<hbm>> -> memref<2050x1024xf32, #tpu.memory_space<hbm>>
    tpu.wait_indirect_dma semaphore(%arg7 : memref<!tpu.dma_semaphore, #tpu.memory_space<semaphore_mem>>) src(%dma_wait3A_24 : memref<2050x1024xf32, #tpu.memory_space<hbm>>) dst(%dma_wait3A_18 : memref<64x1024xf32, #tpu.memory_space<vmem>>)
    %add3A_25 = arith.constant 0 : i32
    %add3A_26 = arith.addi %mul3A_2, %add3A_25 : i32
    %dma_start3A_27 = arith.constant 0 : i32
    %dma_start3A_28 = arith.constant 0 : i32
    %dma_start3A_29 = arith.constant 0 : i32
    %dma_start3A_30 = tpu.memref_slice %arg6[%dma_start3A_27, %dma_start3A_28, %dma_start3A_29] : memref<1x64x1024xf32, #tpu.memory_space<vmem>> -> memref<1x64x1024xf32, #tpu.memory_space<vmem>>
    %dma_start3A_31 = tpu.memref_squeeze %dma_start3A_30 : memref<1x64x1024xf32, #tpu.memory_space<vmem>> -> memref<64x1024xf32, #tpu.memory_space<vmem>>
    %dma_start3A_32 = arith.constant 0 : i32
    %dma_start3A_33 = tpu.memref_slice %arg4[%add3A_26, %dma_start3A_32] : memref<2048x1024xf32, #tpu.memory_space<hbm>> -> memref<64x1024xf32, #tpu.memory_space<hbm>>
    %dma_start3A_34 = arith.constant 0 : i32
    %dma_start3A_35 = tpu.memref_slice %arg4[%add3A_26, %dma_start3A_34] : memref<2048x1024xf32, #tpu.memory_space<hbm>> -> memref<64x1024xf32, #tpu.memory_space<hbm>>
    %dma_start3A_36 = arith.constant 0 : i32
    %dma_start3A_37 = arith.constant 0 : i32
    %dma_start3A_38 = tpu.memref_slice %arg6[%dma_start3A_27, %dma_start3A_36, %dma_start3A_37] : memref<1x64x1024xf32, #tpu.memory_space<vmem>> -> memref<1x64x1024xf32, #tpu.memory_space<vmem>>
    %dma_start3A_39 = tpu.memref_squeeze %dma_start3A_38 : memref<1x64x1024xf32, #tpu.memory_space<vmem>> -> memref<64x1024xf32, #tpu.memory_space<vmem>>
    tpu.enqueue_dma source(%dma_start3A_39 : memref<64x1024xf32, #tpu.memory_space<vmem>>) target(%dma_start3A_35 : memref<64x1024xf32, #tpu.memory_space<hbm>>) target_semaphore(%arg9 : memref<!tpu.dma_semaphore, #tpu.memory_space<semaphore_mem>>)
    %dma_wait3A_40 = arith.constant 0 : i32
    %dma_wait3A_41 = arith.constant 0 : i32
    %dma_wait3A_42 = arith.constant 0 : i32
    %dma_wait3A_43 = tpu.memref_slice %arg6[%dma_wait3A_40, %dma_wait3A_41, %dma_wait3A_42] : memref<1x64x1024xf32, #tpu.memory_space<vmem>> -> memref<1x64x1024xf32, #tpu.memory_space<vmem>>
    %dma_wait3A_44 = tpu.memref_squeeze %dma_wait3A_43 : memref<1x64x1024xf32, #tpu.memory_space<vmem>> -> memref<64x1024xf32, #tpu.memory_space<vmem>>
    %dma_wait3A_45 = arith.constant 0 : i32
    %dma_wait3A_46 = tpu.memref_slice %arg4[%mul3A_2, %dma_wait3A_45] : memref<2048x1024xf32, #tpu.memory_space<hbm>> -> memref<64x1024xf32, #tpu.memory_space<hbm>>
    %dma_wait3A_47 = arith.constant 0 : i32
    %dma_wait3A_48 = tpu.memref_slice %arg4[%mul3A_2, %dma_wait3A_47] : memref<2048x1024xf32, #tpu.memory_space<hbm>> -> memref<64x1024xf32, #tpu.memory_space<hbm>>
    %dma_wait3A_49 = arith.constant 0 : i32
    %dma_wait3A_50 = arith.constant 0 : i32
    %dma_wait3A_51 = tpu.memref_slice %arg6[%dma_wait3A_40, %dma_wait3A_49, %dma_wait3A_50] : memref<1x64x1024xf32, #tpu.memory_space<vmem>> -> memref<1x64x1024xf32, #tpu.memory_space<vmem>>
    %dma_wait3A_52 = tpu.memref_squeeze %dma_wait3A_51 : memref<1x64x1024xf32, #tpu.memory_space<vmem>> -> memref<64x1024xf32, #tpu.memory_space<vmem>>
    tpu.wait_dma2 semaphore(%arg9 : memref<!tpu.dma_semaphore, #tpu.memory_space<semaphore_mem>>) src(%dma_wait3A_52 : memref<64x1024xf32, #tpu.memory_space<vmem>>) dst(%dma_wait3A_48 : memref<64x1024xf32, #tpu.memory_space<hbm>>)
    return
  }
}

#map = affine_map<(d0, d1) -> (0, 0)>
#map1 = affine_map<(d0, d1) -> (0, 0, 0)>
module attributes {stable_mosaic.version = 14 : i64} {
  func.func @_gather_body(%arg0: i32, %arg1: i32, %arg2: memref<2050x1024xf32, #tpu.memory_space<hbm>>, %arg3: memref<32x1x64xi32, #tpu.memory_space<hbm>>, %arg4: memref<2048x1024xf32, #tpu.memory_space<hbm>>, %arg5: memref<1x64xi32, #tpu.memory_space<vmem>>, %arg6: memref<1x64x1024xf32, #tpu.memory_space<vmem>>, %arg7: memref<!tpu.dma_semaphore, #tpu.memory_space<semaphore_mem>>, %arg8: memref<!tpu.dma_semaphore, #tpu.memory_space<semaphore_mem>>, %arg9: memref<!tpu.dma_semaphore, #tpu.memory_space<semaphore_mem>>, %arg10: memref<!tpu.dma_semaphore, #tpu.memory_space<semaphore_mem>>) attributes {dimension_semantics = [#tpu.dimension_semantics<core_parallel>, #tpu.dimension_semantics<subcore_parallel>], iteration_bounds = array<i64: 2, 16>, scalar_prefetch = 0 : i64, scratch_operands = 6 : i64, tpu.core_type = #tpu.core_type<sc_vector_subcore>, window_params = [{transform_indices = #map}, {transform_indices = #map1}, {transform_indices = #map}]} {
    %mul3A = arith.constant 2 : i32
    %mul3A_0 = arith.muli %arg1, %mul3A : i32
    %add3A = arith.addi %mul3A_0, %arg0 : i32
    "tpu.region"() ({
      %run_scoped3A = tpu.sem_alloc : memref<!tpu.dma_semaphore, #tpu.memory_space<semaphore_mem>>
      %dma_start3A_53 = arith.constant 0 : i32
      %dma_start3A_54 = arith.constant 0 : i32
      %dma_start3A_55 = tpu.memref_slice %arg3[%add3A, %dma_start3A_53, %dma_start3A_54] : memref<32x1x64xi32, #tpu.memory_space<hbm>> -> memref<1x1x64xi32, #tpu.memory_space<hbm>>
      %dma_start3A_56 = tpu.memref_squeeze %dma_start3A_55 : memref<1x1x64xi32, #tpu.memory_space<hbm>> -> memref<1x64xi32, #tpu.memory_space<hbm>>
      %dma_start3A_57 = arith.constant 0 : i32
      %dma_start3A_58 = arith.constant 0 : i32
      %dma_start3A_59 = tpu.memref_slice %arg3[%add3A, %dma_start3A_57, %dma_start3A_58] : memref<32x1x64xi32, #tpu.memory_space<hbm>> -> memref<1x1x64xi32, #tpu.memory_space<hbm>>
      %dma_start3A_60 = tpu.memref_squeeze %dma_start3A_59 : memref<1x1x64xi32, #tpu.memory_space<hbm>> -> memref<1x64xi32, #tpu.memory_space<hbm>>
      tpu.enqueue_dma source(%dma_start3A_60 : memref<1x64xi32, #tpu.memory_space<hbm>>) target(%arg5 : memref<1x64xi32, #tpu.memory_space<vmem>>) target_semaphore(%run_scoped3A : memref<!tpu.dma_semaphore, #tpu.memory_space<semaphore_mem>>)
      %dma_wait3A_61 = arith.constant 0 : i32
      %dma_wait3A_62 = arith.constant 0 : i32
      %dma_wait3A_63 = tpu.memref_slice %arg3[%add3A, %dma_wait3A_61, %dma_wait3A_62] : memref<32x1x64xi32, #tpu.memory_space<hbm>> -> memref<1x1x64xi32, #tpu.memory_space<hbm>>
      %dma_wait3A_64 = tpu.memref_squeeze %dma_wait3A_63 : memref<1x1x64xi32, #tpu.memory_space<hbm>> -> memref<1x64xi32, #tpu.memory_space<hbm>>
      %dma_wait3A_65 = arith.constant 0 : i32
      %dma_wait3A_66 = arith.constant 0 : i32
      %dma_wait3A_67 = tpu.memref_slice %arg3[%add3A, %dma_wait3A_65, %dma_wait3A_66] : memref<32x1x64xi32, #tpu.memory_space<hbm>> -> memref<1x1x64xi32, #tpu.memory_space<hbm>>
      %dma_wait3A_68 = tpu.memref_squeeze %dma_wait3A_67 : memref<1x1x64xi32, #tpu.memory_space<hbm>> -> memref<1x64xi32, #tpu.memory_space<hbm>>
      tpu.wait_dma2 semaphore(%run_scoped3A : memref<!tpu.dma_semaphore, #tpu.memory_space<semaphore_mem>>) src(%dma_wait3A_68 : memref<1x64xi32, #tpu.memory_space<hbm>>) dst(%arg5 : memref<1x64xi32, #tpu.memory_space<vmem>>)
      tpu.yield
    }) : () -> ()
    %mul3A_1 = arith.constant 64 : i32
    %mul3A_2 = arith.muli %add3A, %mul3A_1 : i32
    %dma_start3A = arith.constant 0 : i32
    %dma_start3A_3 = arith.constant 0 : i32
    %dma_start3A_4 = arith.constant 0 : i32
    %dma_start3A_5 = arith.constant 0 : i32
    %dma_start3A_6 = tpu.memref_slice %arg6[%dma_start3A_3, %dma_start3A_4, %dma_start3A_5] : memref<1x64x1024xf32, #tpu.memory_space<vmem>> -> memref<1x64x1024xf32, #tpu.memory_space<vmem>>
    %dma_start3A_7 = tpu.memref_squeeze %dma_start3A_6 : memref<1x64x1024xf32, #tpu.memory_space<vmem>> -> memref<64x1024xf32, #tpu.memory_space<vmem>>
    %dma_start3A_8 = arith.constant 0 : i32
    %dma_start3A_9 = tpu.memref_slice %arg5[%dma_start3A, %dma_start3A_8] : memref<1x64xi32, #tpu.memory_space<vmem>> -> memref<1x64xi32, #tpu.memory_space<vmem>>
    %dma_start3A_10 = tpu.memref_squeeze %dma_start3A_9 : memref<1x64xi32, #tpu.memory_space<vmem>> -> memref<64xi32, #tpu.memory_space<vmem>>
    %dma_start3A_11 = arith.constant 0 : i32
    %dma_start3A_12 = arith.constant 0 : i32
    %dma_start3A_13 = tpu.memref_slice %arg2[%dma_start3A_11, %dma_start3A_12] : memref<2050x1024xf32, #tpu.memory_space<hbm>> -> memref<2050x1024xf32, #tpu.memory_space<hbm>>
    tpu.enqueue_indirect_dma source(%dma_start3A_13 : memref<2050x1024xf32, #tpu.memory_space<hbm>>) target(%dma_start3A_7 : memref<64x1024xf32, #tpu.memory_space<vmem>>) offsets(%dma_start3A_10 : memref<64xi32, #tpu.memory_space<vmem>>) semaphore(%arg7 : memref<!tpu.dma_semaphore, #tpu.memory_space<semaphore_mem>>)
    %dma_wait3A = arith.constant 0 : i32
    %dma_wait3A_14 = arith.constant 0 : i32
    %dma_wait3A_15 = arith.constant 0 : i32
    %dma_wait3A_16 = arith.constant 0 : i32
    %dma_wait3A_17 = tpu.memref_slice %arg6[%dma_wait3A_14, %dma_wait3A_15, %dma_wait3A_16] : memref<1x64x1024xf32, #tpu.memory_space<vmem>> -> memref<1x64x1024xf32, #tpu.memory_space<vmem>>
    %dma_wait3A_18 = tpu.memref_squeeze %dma_wait3A_17 : memref<1x64x1024xf32, #tpu.memory_space<vmem>> -> memref<64x1024xf32, #tpu.memory_space<vmem>>
    %dma_wait3A_19 = arith.constant 0 : i32
    %dma_wait3A_20 = tpu.memref_slice %arg5[%dma_wait3A, %dma_wait3A_19] : memref<1x64xi32, #tpu.memory_space<vmem>> -> memref<1x64xi32, #tpu.memory_space<vmem>>
    %dma_wait3A_21 = tpu.memref_squeeze %dma_wait3A_20 : memref<1x64xi32, #tpu.memory_space<vmem>> -> memref<64xi32, #tpu.memory_space<vmem>>
    %dma_wait3A_22 = arith.constant 0 : i32
    %dma_wait3A_23 = arith.constant 0 : i32
    %dma_wait3A_24 = tpu.memref_slice %arg2[%dma_wait3A_22, %dma_wait3A_23] : memref<2050x1024xf32, #tpu.memory_space<hbm>> -> memref<2050x1024xf32, #tpu.memory_space<hbm>>
    tpu.wait_indirect_dma semaphore(%arg7 : memref<!tpu.dma_semaphore, #tpu.memory_space<semaphore_mem>>) src(%dma_wait3A_24 : memref<2050x1024xf32, #tpu.memory_space<hbm>>) dst(%dma_wait3A_18 : memref<64x1024xf32, #tpu.memory_space<vmem>>)
    %add3A_25 = arith.constant 0 : i32
    %add3A_26 = arith.addi %mul3A_2, %add3A_25 : i32
    %dma_start3A_27 = arith.constant 0 : i32
    %dma_start3A_28 = arith.constant 0 : i32
    %dma_start3A_29 = arith.constant 0 : i32
    %dma_start3A_30 = tpu.memref_slice %arg6[%dma_start3A_27, %dma_start3A_28, %dma_start3A_29] : memref<1x64x1024xf32, #tpu.memory_space<vmem>> -> memref<1x64x1024xf32, #tpu.memory_space<vmem>>
    %dma_start3A_31 = tpu.memref_squeeze %dma_start3A_30 : memref<1x64x1024xf32, #tpu.memory_space<vmem>> -> memref<64x1024xf32, #tpu.memory_space<vmem>>
    %dma_start3A_32 = arith.constant 0 : i32
    %dma_start3A_33 = tpu.memref_slice %arg4[%add3A_26, %dma_start3A_32] : memref<2048x1024xf32, #tpu.memory_space<hbm>> -> memref<64x1024xf32, #tpu.memory_space<hbm>>
    %dma_start3A_34 = arith.constant 0 : i32
    %dma_start3A_35 = tpu.memref_slice %arg4[%add3A_26, %dma_start3A_34] : memref<2048x1024xf32, #tpu.memory_space<hbm>> -> memref<64x1024xf32, #tpu.memory_space<hbm>>
    %dma_start3A_36 = arith.constant 0 : i32
    %dma_start3A_37 = arith.constant 0 : i32
    %dma_start3A_38 = tpu.memref_slice %arg6[%dma_start3A_27, %dma_start3A_36, %dma_start3A_37] : memref<1x64x1024xf32, #tpu.memory_space<vmem>> -> memref<1x64x1024xf32, #tpu.memory_space<vmem>>
    %dma_start3A_39 = tpu.memref_squeeze %dma_start3A_38 : memref<1x64x1024xf32, #tpu.memory_space<vmem>> -> memref<64x1024xf32, #tpu.memory_space<vmem>>
    tpu.enqueue_dma source(%dma_start3A_39 : memref<64x1024xf32, #tpu.memory_space<vmem>>) target(%dma_start3A_35 : memref<64x1024xf32, #tpu.memory_space<hbm>>) target_semaphore(%arg9 : memref<!tpu.dma_semaphore, #tpu.memory_space<semaphore_mem>>)
    %dma_wait3A_40 = arith.constant 0 : i32
    %dma_wait3A_41 = arith.constant 0 : i32
    %dma_wait3A_42 = arith.constant 0 : i32
    %dma_wait3A_43 = tpu.memref_slice %arg6[%dma_wait3A_40, %dma_wait3A_41, %dma_wait3A_42] : memref<1x64x1024xf32, #tpu.memory_space<vmem>> -> memref<1x64x1024xf32, #tpu.memory_space<vmem>>
    %dma_wait3A_44 = tpu.memref_squeeze %dma_wait3A_43 : memref<1x64x1024xf32, #tpu.memory_space<vmem>> -> memref<64x1024xf32, #tpu.memory_space<vmem>>
    %dma_wait3A_45 = arith.constant 0 : i32
    %dma_wait3A_46 = tpu.memref_slice %arg4[%mul3A_2, %dma_wait3A_45] : memref<2048x1024xf32, #tpu.memory_space<hbm>> -> memref<64x1024xf32, #tpu.memory_space<hbm>>
    %dma_wait3A_47 = arith.constant 0 : i32
    %dma_wait3A_48 = tpu.memref_slice %arg4[%mul3A_2, %dma_wait3A_47] : memref<2048x1024xf32, #tpu.memory_space<hbm>> -> memref<64x1024xf32, #tpu.memory_space<hbm>>
    %dma_wait3A_49 = arith.constant 0 : i32
    %dma_wait3A_50 = arith.constant 0 : i32
    %dma_wait3A_51 = tpu.memref_slice %arg6[%dma_wait3A_40, %dma_wait3A_49, %dma_wait3A_50] : memref<1x64x1024xf32, #tpu.memory_space<vmem>> -> memref<1x64x1024xf32, #tpu.memory_space<vmem>>
    %dma_wait3A_52 = tpu.memref_squeeze %dma_wait3A_51 : memref<1x64x1024xf32, #tpu.memory_space<vmem>> -> memref<64x1024xf32, #tpu.memory_space<vmem>>
    tpu.wait_dma2 semaphore(%arg9 : memref<!tpu.dma_semaphore, #tpu.memory_space<semaphore_mem>>) src(%dma_wait3A_52 : memref<64x1024xf32, #tpu.memory_space<vmem>>) dst(%dma_wait3A_48 : memref<64x1024xf32, #tpu.memory_space<hbm>>)
    return
  }
}

module attributes {stable_mosaic.version = 14 : i64} {
  func.func @_maps_body(%arg0: i32, %arg1: memref<1x16x128xi32, #tpu.memory_space<vmem>>, %arg2: memref<1x16x128xi32, #tpu.memory_space<vmem>>, %arg3: memref<1x16x128xi32, #tpu.memory_space<vmem>>, %arg4: memref<1x8x128xi32, #tpu.memory_space<vmem>>) attributes {dimension_semantics = [#tpu.dimension_semantics<arbitrary>], iteration_bounds = array<i64: 4>, scalar_prefetch = 0 : i64, scratch_operands = 0 : i64, tpu.core_type = #tpu.core_type<tc>, window_params = [{transform_indices = @transform_0, window_bounds = array<i64: 1, 16, 128>}, {transform_indices = @transform_1, window_bounds = array<i64: 1, 16, 128>}, {transform_indices = @transform_2, window_bounds = array<i64: 1, 16, 128>}, {transform_indices = @transform_3, window_bounds = array<i64: 1, 8, 128>}]} {
    %get3A = arith.constant 0 : index
    %get3A_0 = arith.constant 0 : index
    %get3A_1 = arith.constant 0 : index
    %get3A_2 = vector.load %arg1[%get3A, %get3A_0, %get3A_1] : memref<1x16x128xi32, #tpu.memory_space<vmem>>, vector<1x16x128xi32>
    %get3A_3 = vector.shape_cast %get3A_2 : vector<1x16x128xi32> to vector<16x128xi32>
    %iota3A = tpu.iota {dimensions = array<i32: 0>} : vector<16x128xi32>
    %iota3A_4 = tpu.iota {dimensions = array<i32: 1>} : vector<16x128xi32>
    %mul3A = arith.constant 128 : i32
    %mul3A_5 = vector.broadcast %mul3A : i32 to vector<16x128xi32>
    %mul3A_6 = arith.muli %iota3A, %mul3A_5 : vector<16x128xi32>
    %add3A = arith.addi %mul3A_6, %iota3A_4 : vector<16x128xi32>
    %ge3A = arith.constant 5 : i32
    %ge3A_7 = vector.broadcast %ge3A : i32 to vector<16x128xi32>
    %ge3A_8 = arith.cmpi sge, %get3A_3, %ge3A_7 : vector<16x128xi32>
    %le3A = arith.constant 8 : i32
    %le3A_9 = vector.broadcast %le3A : i32 to vector<16x128xi32>
    %le3A_10 = arith.cmpi sle, %get3A_3, %le3A_9 : vector<16x128xi32>
    %and3A = arith.andi %ge3A_8, %le3A_10 : vector<16x128xi1>
    %eq3A = arith.constant 9 : i32
    %eq3A_11 = vector.broadcast %eq3A : i32 to vector<16x128xi32>
    %eq3A_12 = arith.cmpi eq, %get3A_3, %eq3A_11 : vector<16x128xi32>
    %eq3A_13 = arith.constant 10 : i32
    %eq3A_14 = vector.broadcast %eq3A_13 : i32 to vector<16x128xi32>
    %eq3A_15 = arith.cmpi eq, %get3A_3, %eq3A_14 : vector<16x128xi32>
    %or3A = arith.ori %eq3A_12, %eq3A_15 : vector<16x128xi1>
    %eq3A_16 = arith.constant 1 : i32
    %eq3A_17 = vector.broadcast %eq3A_16 : i32 to vector<16x128xi32>
    %eq3A_18 = arith.cmpi eq, %get3A_3, %eq3A_17 : vector<16x128xi32>
    %convert_element_type3A = arith.extui %and3A : vector<16x128xi1> to vector<16x128xi32>
    %broadcast_in_dim3A = arith.constant 0 : i32
    %broadcast_in_dim3A_19 = vector.broadcast %broadcast_in_dim3A : i32 to vector<16x1xi32>
    %slice3A = vector.extract_strided_slice %convert_element_type3A {offsets = [0, 0], sizes = [16, 127], strides = [1, 1]} : vector<16x128xi32> to vector<16x127xi32>
    %concatenate3A = tpu.concatenate %broadcast_in_dim3A_19, %slice3A in 1 : vector<16x1xi32>, vector<16x127xi32> -> vector<16x128xi32>
    %add3A_20 = arith.addi %convert_element_type3A, %concatenate3A : vector<16x128xi32>
    %broadcast_in_dim3A_21 = arith.constant 0 : i32
    %broadcast_in_dim3A_22 = vector.broadcast %broadcast_in_dim3A_21 : i32 to vector<16x2xi32>
    %slice3A_23 = vector.extract_strided_slice %add3A_20 {offsets = [0, 0], sizes = [16, 126], strides = [1, 1]} : vector<16x128xi32> to vector<16x126xi32>
    %concatenate3A_24 = tpu.concatenate %broadcast_in_dim3A_22, %slice3A_23 in 1 : vector<16x2xi32>, vector<16x126xi32> -> vector<16x128xi32>
    %add3A_25 = arith.addi %add3A_20, %concatenate3A_24 : vector<16x128xi32>
    %broadcast_in_dim3A_26 = arith.constant 0 : i32
    %broadcast_in_dim3A_27 = vector.broadcast %broadcast_in_dim3A_26 : i32 to vector<16x4xi32>
    %slice3A_28 = vector.extract_strided_slice %add3A_25 {offsets = [0, 0], sizes = [16, 124], strides = [1, 1]} : vector<16x128xi32> to vector<16x124xi32>
    %concatenate3A_29 = tpu.concatenate %broadcast_in_dim3A_27, %slice3A_28 in 1 : vector<16x4xi32>, vector<16x124xi32> -> vector<16x128xi32>
    %add3A_30 = arith.addi %add3A_25, %concatenate3A_29 : vector<16x128xi32>
    %broadcast_in_dim3A_31 = arith.constant 0 : i32
    %broadcast_in_dim3A_32 = vector.broadcast %broadcast_in_dim3A_31 : i32 to vector<16x8xi32>
    %slice3A_33 = vector.extract_strided_slice %add3A_30 {offsets = [0, 0], sizes = [16, 120], strides = [1, 1]} : vector<16x128xi32> to vector<16x120xi32>
    %concatenate3A_34 = tpu.concatenate %broadcast_in_dim3A_32, %slice3A_33 in 1 : vector<16x8xi32>, vector<16x120xi32> -> vector<16x128xi32>
    %add3A_35 = arith.addi %add3A_30, %concatenate3A_34 : vector<16x128xi32>
    %broadcast_in_dim3A_36 = arith.constant 0 : i32
    %broadcast_in_dim3A_37 = vector.broadcast %broadcast_in_dim3A_36 : i32 to vector<16x16xi32>
    %slice3A_38 = vector.extract_strided_slice %add3A_35 {offsets = [0, 0], sizes = [16, 112], strides = [1, 1]} : vector<16x128xi32> to vector<16x112xi32>
    %concatenate3A_39 = tpu.concatenate %broadcast_in_dim3A_37, %slice3A_38 in 1 : vector<16x16xi32>, vector<16x112xi32> -> vector<16x128xi32>
    %add3A_40 = arith.addi %add3A_35, %concatenate3A_39 : vector<16x128xi32>
    %broadcast_in_dim3A_41 = arith.constant 0 : i32
    %broadcast_in_dim3A_42 = vector.broadcast %broadcast_in_dim3A_41 : i32 to vector<16x32xi32>
    %slice3A_43 = vector.extract_strided_slice %add3A_40 {offsets = [0, 0], sizes = [16, 96], strides = [1, 1]} : vector<16x128xi32> to vector<16x96xi32>
    %concatenate3A_44 = tpu.concatenate %broadcast_in_dim3A_42, %slice3A_43 in 1 : vector<16x32xi32>, vector<16x96xi32> -> vector<16x128xi32>
    %add3A_45 = arith.addi %add3A_40, %concatenate3A_44 : vector<16x128xi32>
    %broadcast_in_dim3A_46 = arith.constant 0 : i32
    %broadcast_in_dim3A_47 = vector.broadcast %broadcast_in_dim3A_46 : i32 to vector<16x64xi32>
    %slice3A_48 = vector.extract_strided_slice %add3A_45 {offsets = [0, 0], sizes = [16, 64], strides = [1, 1]} : vector<16x128xi32> to vector<16x64xi32>
    %concatenate3A_49 = tpu.concatenate %broadcast_in_dim3A_47, %slice3A_48 in 1 : vector<16x64xi32>, vector<16x64xi32> -> vector<16x128xi32>
    %add3A_50 = arith.addi %add3A_45, %concatenate3A_49 : vector<16x128xi32>
    %slice3A_51 = vector.extract_strided_slice %add3A_50 {offsets = [0, 127], sizes = [16, 1], strides = [1, 1]} : vector<16x128xi32> to vector<16x1xi32>
    %broadcast_in_dim3A_52 = vector.shape_cast %slice3A_51 : vector<16x1xi32> to vector<16x1xi32>
    %broadcast_in_dim3A_53 = vector.broadcast %broadcast_in_dim3A_52 : vector<16x1xi32> to vector<16x128xi32>
    %broadcast_in_dim3A_54 = arith.constant 0 : i32
    %broadcast_in_dim3A_55 = vector.broadcast %broadcast_in_dim3A_54 : i32 to vector<1x128xi32>
    %slice3A_56 = vector.extract_strided_slice %broadcast_in_dim3A_53 {offsets = [0, 0], sizes = [15, 128], strides = [1, 1]} : vector<16x128xi32> to vector<15x128xi32>
    %concatenate3A_57 = tpu.concatenate %broadcast_in_dim3A_55, %slice3A_56 in 0 : vector<1x128xi32>, vector<15x128xi32> -> vector<16x128xi32>
    %broadcast_in_dim3A_58 = arith.constant 0 : i32
    %broadcast_in_dim3A_59 = vector.broadcast %broadcast_in_dim3A_58 : i32 to vector<1x128xi32>
    %slice3A_60 = vector.extract_strided_slice %concatenate3A_57 {offsets = [0, 0], sizes = [15, 128], strides = [1, 1]} : vector<16x128xi32> to vector<15x128xi32>
    %concatenate3A_61 = tpu.concatenate %broadcast_in_dim3A_59, %slice3A_60 in 0 : vector<1x128xi32>, vector<15x128xi32> -> vector<16x128xi32>
    %add3A_62 = arith.addi %concatenate3A_57, %concatenate3A_61 : vector<16x128xi32>
    %broadcast_in_dim3A_63 = arith.constant 0 : i32
    %broadcast_in_dim3A_64 = vector.broadcast %broadcast_in_dim3A_63 : i32 to vector<2x128xi32>
    %slice3A_65 = vector.extract_strided_slice %add3A_62 {offsets = [0, 0], sizes = [14, 128], strides = [1, 1]} : vector<16x128xi32> to vector<14x128xi32>
    %concatenate3A_66 = tpu.concatenate %broadcast_in_dim3A_64, %slice3A_65 in 0 : vector<2x128xi32>, vector<14x128xi32> -> vector<16x128xi32>
    %add3A_67 = arith.addi %add3A_62, %concatenate3A_66 : vector<16x128xi32>
    %broadcast_in_dim3A_68 = arith.constant 0 : i32
    %broadcast_in_dim3A_69 = vector.broadcast %broadcast_in_dim3A_68 : i32 to vector<4x128xi32>
    %slice3A_70 = vector.extract_strided_slice %add3A_67 {offsets = [0, 0], sizes = [12, 128], strides = [1, 1]} : vector<16x128xi32> to vector<12x128xi32>
    %concatenate3A_71 = tpu.concatenate %broadcast_in_dim3A_69, %slice3A_70 in 0 : vector<4x128xi32>, vector<12x128xi32> -> vector<16x128xi32>
    %add3A_72 = arith.addi %add3A_67, %concatenate3A_71 : vector<16x128xi32>
    %broadcast_in_dim3A_73 = arith.constant 0 : i32
    %broadcast_in_dim3A_74 = vector.broadcast %broadcast_in_dim3A_73 : i32 to vector<8x128xi32>
    %slice3A_75 = vector.extract_strided_slice %add3A_72 {offsets = [0, 0], sizes = [8, 128], strides = [1, 1]} : vector<16x128xi32> to vector<8x128xi32>
    %concatenate3A_76 = tpu.concatenate %broadcast_in_dim3A_74, %slice3A_75 in 0 : vector<8x128xi32>, vector<8x128xi32> -> vector<16x128xi32>
    %add3A_77 = arith.addi %add3A_72, %concatenate3A_76 : vector<16x128xi32>
    %add3A_78 = arith.addi %add3A_50, %add3A_77 : vector<16x128xi32>
    %convert_element_type3A_79 = arith.extui %or3A : vector<16x128xi1> to vector<16x128xi32>
    %broadcast_in_dim3A_80 = arith.constant 0 : i32
    %broadcast_in_dim3A_81 = vector.broadcast %broadcast_in_dim3A_80 : i32 to vector<16x1xi32>
    %slice3A_82 = vector.extract_strided_slice %convert_element_type3A_79 {offsets = [0, 0], sizes = [16, 127], strides = [1, 1]} : vector<16x128xi32> to vector<16x127xi32>
    %concatenate3A_83 = tpu.concatenate %broadcast_in_dim3A_81, %slice3A_82 in 1 : vector<16x1xi32>, vector<16x127xi32> -> vector<16x128xi32>
    %add3A_84 = arith.addi %convert_element_type3A_79, %concatenate3A_83 : vector<16x128xi32>
    %broadcast_in_dim3A_85 = arith.constant 0 : i32
    %broadcast_in_dim3A_86 = vector.broadcast %broadcast_in_dim3A_85 : i32 to vector<16x2xi32>
    %slice3A_87 = vector.extract_strided_slice %add3A_84 {offsets = [0, 0], sizes = [16, 126], strides = [1, 1]} : vector<16x128xi32> to vector<16x126xi32>
    %concatenate3A_88 = tpu.concatenate %broadcast_in_dim3A_86, %slice3A_87 in 1 : vector<16x2xi32>, vector<16x126xi32> -> vector<16x128xi32>
    %add3A_89 = arith.addi %add3A_84, %concatenate3A_88 : vector<16x128xi32>
    %broadcast_in_dim3A_90 = arith.constant 0 : i32
    %broadcast_in_dim3A_91 = vector.broadcast %broadcast_in_dim3A_90 : i32 to vector<16x4xi32>
    %slice3A_92 = vector.extract_strided_slice %add3A_89 {offsets = [0, 0], sizes = [16, 124], strides = [1, 1]} : vector<16x128xi32> to vector<16x124xi32>
    %concatenate3A_93 = tpu.concatenate %broadcast_in_dim3A_91, %slice3A_92 in 1 : vector<16x4xi32>, vector<16x124xi32> -> vector<16x128xi32>
    %add3A_94 = arith.addi %add3A_89, %concatenate3A_93 : vector<16x128xi32>
    %broadcast_in_dim3A_95 = arith.constant 0 : i32
    %broadcast_in_dim3A_96 = vector.broadcast %broadcast_in_dim3A_95 : i32 to vector<16x8xi32>
    %slice3A_97 = vector.extract_strided_slice %add3A_94 {offsets = [0, 0], sizes = [16, 120], strides = [1, 1]} : vector<16x128xi32> to vector<16x120xi32>
    %concatenate3A_98 = tpu.concatenate %broadcast_in_dim3A_96, %slice3A_97 in 1 : vector<16x8xi32>, vector<16x120xi32> -> vector<16x128xi32>
    %add3A_99 = arith.addi %add3A_94, %concatenate3A_98 : vector<16x128xi32>
    %broadcast_in_dim3A_100 = arith.constant 0 : i32
    %broadcast_in_dim3A_101 = vector.broadcast %broadcast_in_dim3A_100 : i32 to vector<16x16xi32>
    %slice3A_102 = vector.extract_strided_slice %add3A_99 {offsets = [0, 0], sizes = [16, 112], strides = [1, 1]} : vector<16x128xi32> to vector<16x112xi32>
    %concatenate3A_103 = tpu.concatenate %broadcast_in_dim3A_101, %slice3A_102 in 1 : vector<16x16xi32>, vector<16x112xi32> -> vector<16x128xi32>
    %add3A_104 = arith.addi %add3A_99, %concatenate3A_103 : vector<16x128xi32>
    %broadcast_in_dim3A_105 = arith.constant 0 : i32
    %broadcast_in_dim3A_106 = vector.broadcast %broadcast_in_dim3A_105 : i32 to vector<16x32xi32>
    %slice3A_107 = vector.extract_strided_slice %add3A_104 {offsets = [0, 0], sizes = [16, 96], strides = [1, 1]} : vector<16x128xi32> to vector<16x96xi32>
    %concatenate3A_108 = tpu.concatenate %broadcast_in_dim3A_106, %slice3A_107 in 1 : vector<16x32xi32>, vector<16x96xi32> -> vector<16x128xi32>
    %add3A_109 = arith.addi %add3A_104, %concatenate3A_108 : vector<16x128xi32>
    %broadcast_in_dim3A_110 = arith.constant 0 : i32
    %broadcast_in_dim3A_111 = vector.broadcast %broadcast_in_dim3A_110 : i32 to vector<16x64xi32>
    %slice3A_112 = vector.extract_strided_slice %add3A_109 {offsets = [0, 0], sizes = [16, 64], strides = [1, 1]} : vector<16x128xi32> to vector<16x64xi32>
    %concatenate3A_113 = tpu.concatenate %broadcast_in_dim3A_111, %slice3A_112 in 1 : vector<16x64xi32>, vector<16x64xi32> -> vector<16x128xi32>
    %add3A_114 = arith.addi %add3A_109, %concatenate3A_113 : vector<16x128xi32>
    %slice3A_115 = vector.extract_strided_slice %add3A_114 {offsets = [0, 127], sizes = [16, 1], strides = [1, 1]} : vector<16x128xi32> to vector<16x1xi32>
    %broadcast_in_dim3A_116 = vector.shape_cast %slice3A_115 : vector<16x1xi32> to vector<16x1xi32>
    %broadcast_in_dim3A_117 = vector.broadcast %broadcast_in_dim3A_116 : vector<16x1xi32> to vector<16x128xi32>
    %broadcast_in_dim3A_118 = arith.constant 0 : i32
    %broadcast_in_dim3A_119 = vector.broadcast %broadcast_in_dim3A_118 : i32 to vector<1x128xi32>
    %slice3A_120 = vector.extract_strided_slice %broadcast_in_dim3A_117 {offsets = [0, 0], sizes = [15, 128], strides = [1, 1]} : vector<16x128xi32> to vector<15x128xi32>
    %concatenate3A_121 = tpu.concatenate %broadcast_in_dim3A_119, %slice3A_120 in 0 : vector<1x128xi32>, vector<15x128xi32> -> vector<16x128xi32>
    %broadcast_in_dim3A_122 = arith.constant 0 : i32
    %broadcast_in_dim3A_123 = vector.broadcast %broadcast_in_dim3A_122 : i32 to vector<1x128xi32>
    %slice3A_124 = vector.extract_strided_slice %concatenate3A_121 {offsets = [0, 0], sizes = [15, 128], strides = [1, 1]} : vector<16x128xi32> to vector<15x128xi32>
    %concatenate3A_125 = tpu.concatenate %broadcast_in_dim3A_123, %slice3A_124 in 0 : vector<1x128xi32>, vector<15x128xi32> -> vector<16x128xi32>
    %add3A_126 = arith.addi %concatenate3A_121, %concatenate3A_125 : vector<16x128xi32>
    %broadcast_in_dim3A_127 = arith.constant 0 : i32
    %broadcast_in_dim3A_128 = vector.broadcast %broadcast_in_dim3A_127 : i32 to vector<2x128xi32>
    %slice3A_129 = vector.extract_strided_slice %add3A_126 {offsets = [0, 0], sizes = [14, 128], strides = [1, 1]} : vector<16x128xi32> to vector<14x128xi32>
    %concatenate3A_130 = tpu.concatenate %broadcast_in_dim3A_128, %slice3A_129 in 0 : vector<2x128xi32>, vector<14x128xi32> -> vector<16x128xi32>
    %add3A_131 = arith.addi %add3A_126, %concatenate3A_130 : vector<16x128xi32>
    %broadcast_in_dim3A_132 = arith.constant 0 : i32
    %broadcast_in_dim3A_133 = vector.broadcast %broadcast_in_dim3A_132 : i32 to vector<4x128xi32>
    %slice3A_134 = vector.extract_strided_slice %add3A_131 {offsets = [0, 0], sizes = [12, 128], strides = [1, 1]} : vector<16x128xi32> to vector<12x128xi32>
    %concatenate3A_135 = tpu.concatenate %broadcast_in_dim3A_133, %slice3A_134 in 0 : vector<4x128xi32>, vector<12x128xi32> -> vector<16x128xi32>
    %add3A_136 = arith.addi %add3A_131, %concatenate3A_135 : vector<16x128xi32>
    %broadcast_in_dim3A_137 = arith.constant 0 : i32
    %broadcast_in_dim3A_138 = vector.broadcast %broadcast_in_dim3A_137 : i32 to vector<8x128xi32>
    %slice3A_139 = vector.extract_strided_slice %add3A_136 {offsets = [0, 0], sizes = [8, 128], strides = [1, 1]} : vector<16x128xi32> to vector<8x128xi32>
    %concatenate3A_140 = tpu.concatenate %broadcast_in_dim3A_138, %slice3A_139 in 0 : vector<8x128xi32>, vector<8x128xi32> -> vector<16x128xi32>
    %add3A_141 = arith.addi %add3A_136, %concatenate3A_140 : vector<16x128xi32>
    %add3A_142 = arith.addi %add3A_114, %add3A_141 : vector<16x128xi32>
    %convert_element_type3A_143 = arith.extui %eq3A_18 : vector<16x128xi1> to vector<16x128xi32>
    %broadcast_in_dim3A_144 = arith.constant 0 : i32
    %broadcast_in_dim3A_145 = vector.broadcast %broadcast_in_dim3A_144 : i32 to vector<16x1xi32>
    %slice3A_146 = vector.extract_strided_slice %convert_element_type3A_143 {offsets = [0, 0], sizes = [16, 127], strides = [1, 1]} : vector<16x128xi32> to vector<16x127xi32>
    %concatenate3A_147 = tpu.concatenate %broadcast_in_dim3A_145, %slice3A_146 in 1 : vector<16x1xi32>, vector<16x127xi32> -> vector<16x128xi32>
    %add3A_148 = arith.addi %convert_element_type3A_143, %concatenate3A_147 : vector<16x128xi32>
    %broadcast_in_dim3A_149 = arith.constant 0 : i32
    %broadcast_in_dim3A_150 = vector.broadcast %broadcast_in_dim3A_149 : i32 to vector<16x2xi32>
    %slice3A_151 = vector.extract_strided_slice %add3A_148 {offsets = [0, 0], sizes = [16, 126], strides = [1, 1]} : vector<16x128xi32> to vector<16x126xi32>
    %concatenate3A_152 = tpu.concatenate %broadcast_in_dim3A_150, %slice3A_151 in 1 : vector<16x2xi32>, vector<16x126xi32> -> vector<16x128xi32>
    %add3A_153 = arith.addi %add3A_148, %concatenate3A_152 : vector<16x128xi32>
    %broadcast_in_dim3A_154 = arith.constant 0 : i32
    %broadcast_in_dim3A_155 = vector.broadcast %broadcast_in_dim3A_154 : i32 to vector<16x4xi32>
    %slice3A_156 = vector.extract_strided_slice %add3A_153 {offsets = [0, 0], sizes = [16, 124], strides = [1, 1]} : vector<16x128xi32> to vector<16x124xi32>
    %concatenate3A_157 = tpu.concatenate %broadcast_in_dim3A_155, %slice3A_156 in 1 : vector<16x4xi32>, vector<16x124xi32> -> vector<16x128xi32>
    %add3A_158 = arith.addi %add3A_153, %concatenate3A_157 : vector<16x128xi32>
    %broadcast_in_dim3A_159 = arith.constant 0 : i32
    %broadcast_in_dim3A_160 = vector.broadcast %broadcast_in_dim3A_159 : i32 to vector<16x8xi32>
    %slice3A_161 = vector.extract_strided_slice %add3A_158 {offsets = [0, 0], sizes = [16, 120], strides = [1, 1]} : vector<16x128xi32> to vector<16x120xi32>
    %concatenate3A_162 = tpu.concatenate %broadcast_in_dim3A_160, %slice3A_161 in 1 : vector<16x8xi32>, vector<16x120xi32> -> vector<16x128xi32>
    %add3A_163 = arith.addi %add3A_158, %concatenate3A_162 : vector<16x128xi32>
    %broadcast_in_dim3A_164 = arith.constant 0 : i32
    %broadcast_in_dim3A_165 = vector.broadcast %broadcast_in_dim3A_164 : i32 to vector<16x16xi32>
    %slice3A_166 = vector.extract_strided_slice %add3A_163 {offsets = [0, 0], sizes = [16, 112], strides = [1, 1]} : vector<16x128xi32> to vector<16x112xi32>
    %concatenate3A_167 = tpu.concatenate %broadcast_in_dim3A_165, %slice3A_166 in 1 : vector<16x16xi32>, vector<16x112xi32> -> vector<16x128xi32>
    %add3A_168 = arith.addi %add3A_163, %concatenate3A_167 : vector<16x128xi32>
    %broadcast_in_dim3A_169 = arith.constant 0 : i32
    %broadcast_in_dim3A_170 = vector.broadcast %broadcast_in_dim3A_169 : i32 to vector<16x32xi32>
    %slice3A_171 = vector.extract_strided_slice %add3A_168 {offsets = [0, 0], sizes = [16, 96], strides = [1, 1]} : vector<16x128xi32> to vector<16x96xi32>
    %concatenate3A_172 = tpu.concatenate %broadcast_in_dim3A_170, %slice3A_171 in 1 : vector<16x32xi32>, vector<16x96xi32> -> vector<16x128xi32>
    %add3A_173 = arith.addi %add3A_168, %concatenate3A_172 : vector<16x128xi32>
    %broadcast_in_dim3A_174 = arith.constant 0 : i32
    %broadcast_in_dim3A_175 = vector.broadcast %broadcast_in_dim3A_174 : i32 to vector<16x64xi32>
    %slice3A_176 = vector.extract_strided_slice %add3A_173 {offsets = [0, 0], sizes = [16, 64], strides = [1, 1]} : vector<16x128xi32> to vector<16x64xi32>
    %concatenate3A_177 = tpu.concatenate %broadcast_in_dim3A_175, %slice3A_176 in 1 : vector<16x64xi32>, vector<16x64xi32> -> vector<16x128xi32>
    %add3A_178 = arith.addi %add3A_173, %concatenate3A_177 : vector<16x128xi32>
    %slice3A_179 = vector.extract_strided_slice %add3A_178 {offsets = [0, 127], sizes = [16, 1], strides = [1, 1]} : vector<16x128xi32> to vector<16x1xi32>
    %broadcast_in_dim3A_180 = vector.shape_cast %slice3A_179 : vector<16x1xi32> to vector<16x1xi32>
    %broadcast_in_dim3A_181 = vector.broadcast %broadcast_in_dim3A_180 : vector<16x1xi32> to vector<16x128xi32>
    %broadcast_in_dim3A_182 = arith.constant 0 : i32
    %broadcast_in_dim3A_183 = vector.broadcast %broadcast_in_dim3A_182 : i32 to vector<1x128xi32>
    %slice3A_184 = vector.extract_strided_slice %broadcast_in_dim3A_181 {offsets = [0, 0], sizes = [15, 128], strides = [1, 1]} : vector<16x128xi32> to vector<15x128xi32>
    %concatenate3A_185 = tpu.concatenate %broadcast_in_dim3A_183, %slice3A_184 in 0 : vector<1x128xi32>, vector<15x128xi32> -> vector<16x128xi32>
    %broadcast_in_dim3A_186 = arith.constant 0 : i32
    %broadcast_in_dim3A_187 = vector.broadcast %broadcast_in_dim3A_186 : i32 to vector<1x128xi32>
    %slice3A_188 = vector.extract_strided_slice %concatenate3A_185 {offsets = [0, 0], sizes = [15, 128], strides = [1, 1]} : vector<16x128xi32> to vector<15x128xi32>
    %concatenate3A_189 = tpu.concatenate %broadcast_in_dim3A_187, %slice3A_188 in 0 : vector<1x128xi32>, vector<15x128xi32> -> vector<16x128xi32>
    %add3A_190 = arith.addi %concatenate3A_185, %concatenate3A_189 : vector<16x128xi32>
    %broadcast_in_dim3A_191 = arith.constant 0 : i32
    %broadcast_in_dim3A_192 = vector.broadcast %broadcast_in_dim3A_191 : i32 to vector<2x128xi32>
    %slice3A_193 = vector.extract_strided_slice %add3A_190 {offsets = [0, 0], sizes = [14, 128], strides = [1, 1]} : vector<16x128xi32> to vector<14x128xi32>
    %concatenate3A_194 = tpu.concatenate %broadcast_in_dim3A_192, %slice3A_193 in 0 : vector<2x128xi32>, vector<14x128xi32> -> vector<16x128xi32>
    %add3A_195 = arith.addi %add3A_190, %concatenate3A_194 : vector<16x128xi32>
    %broadcast_in_dim3A_196 = arith.constant 0 : i32
    %broadcast_in_dim3A_197 = vector.broadcast %broadcast_in_dim3A_196 : i32 to vector<4x128xi32>
    %slice3A_198 = vector.extract_strided_slice %add3A_195 {offsets = [0, 0], sizes = [12, 128], strides = [1, 1]} : vector<16x128xi32> to vector<12x128xi32>
    %concatenate3A_199 = tpu.concatenate %broadcast_in_dim3A_197, %slice3A_198 in 0 : vector<4x128xi32>, vector<12x128xi32> -> vector<16x128xi32>
    %add3A_200 = arith.addi %add3A_195, %concatenate3A_199 : vector<16x128xi32>
    %broadcast_in_dim3A_201 = arith.constant 0 : i32
    %broadcast_in_dim3A_202 = vector.broadcast %broadcast_in_dim3A_201 : i32 to vector<8x128xi32>
    %slice3A_203 = vector.extract_strided_slice %add3A_200 {offsets = [0, 0], sizes = [8, 128], strides = [1, 1]} : vector<16x128xi32> to vector<8x128xi32>
    %concatenate3A_204 = tpu.concatenate %broadcast_in_dim3A_202, %slice3A_203 in 0 : vector<8x128xi32>, vector<8x128xi32> -> vector<16x128xi32>
    %add3A_205 = arith.addi %add3A_200, %concatenate3A_204 : vector<16x128xi32>
    %add3A_206 = arith.addi %add3A_178, %add3A_205 : vector<16x128xi32>
    %ge3A_207 = arith.constant 1 : i32
    %ge3A_208 = vector.broadcast %ge3A_207 : i32 to vector<16x128xi32>
    %ge3A_209 = arith.cmpi sge, %add3A_206, %ge3A_208 : vector<16x128xi32>
    %or3A_210 = arith.ori %and3A, %or3A : vector<16x128xi1>
    %jit3A = arith.constant -1 : i32
    %broadcast_in_dim3A_211 = vector.broadcast %jit3A : i32 to vector<16x128xi32>
    %select_n3A = arith.select %or3A_210, %add3A, %broadcast_in_dim3A_211 : vector<16x128xi1>, vector<16x128xi32>
    %broadcast_in_dim3A_212 = arith.constant -1 : i32
    %broadcast_in_dim3A_213 = vector.broadcast %broadcast_in_dim3A_212 : i32 to vector<16x1xi32>
    %slice3A_214 = vector.extract_strided_slice %select_n3A {offsets = [0, 0], sizes = [16, 127], strides = [1, 1]} : vector<16x128xi32> to vector<16x127xi32>
    %concatenate3A_215 = tpu.concatenate %broadcast_in_dim3A_213, %slice3A_214 in 1 : vector<16x1xi32>, vector<16x127xi32> -> vector<16x128xi32>
    %max3A = arith.maxsi %select_n3A, %concatenate3A_215 : vector<16x128xi32>
    %broadcast_in_dim3A_216 = arith.constant -1 : i32
    %broadcast_in_dim3A_217 = vector.broadcast %broadcast_in_dim3A_216 : i32 to vector<16x2xi32>
    %slice3A_218 = vector.extract_strided_slice %max3A {offsets = [0, 0], sizes = [16, 126], strides = [1, 1]} : vector<16x128xi32> to vector<16x126xi32>
    %concatenate3A_219 = tpu.concatenate %broadcast_in_dim3A_217, %slice3A_218 in 1 : vector<16x2xi32>, vector<16x126xi32> -> vector<16x128xi32>
    %max3A_220 = arith.maxsi %max3A, %concatenate3A_219 : vector<16x128xi32>
    %broadcast_in_dim3A_221 = arith.constant -1 : i32
    %broadcast_in_dim3A_222 = vector.broadcast %broadcast_in_dim3A_221 : i32 to vector<16x4xi32>
    %slice3A_223 = vector.extract_strided_slice %max3A_220 {offsets = [0, 0], sizes = [16, 124], strides = [1, 1]} : vector<16x128xi32> to vector<16x124xi32>
    %concatenate3A_224 = tpu.concatenate %broadcast_in_dim3A_222, %slice3A_223 in 1 : vector<16x4xi32>, vector<16x124xi32> -> vector<16x128xi32>
    %max3A_225 = arith.maxsi %max3A_220, %concatenate3A_224 : vector<16x128xi32>
    %broadcast_in_dim3A_226 = arith.constant -1 : i32
    %broadcast_in_dim3A_227 = vector.broadcast %broadcast_in_dim3A_226 : i32 to vector<16x8xi32>
    %slice3A_228 = vector.extract_strided_slice %max3A_225 {offsets = [0, 0], sizes = [16, 120], strides = [1, 1]} : vector<16x128xi32> to vector<16x120xi32>
    %concatenate3A_229 = tpu.concatenate %broadcast_in_dim3A_227, %slice3A_228 in 1 : vector<16x8xi32>, vector<16x120xi32> -> vector<16x128xi32>
    %max3A_230 = arith.maxsi %max3A_225, %concatenate3A_229 : vector<16x128xi32>
    %broadcast_in_dim3A_231 = arith.constant -1 : i32
    %broadcast_in_dim3A_232 = vector.broadcast %broadcast_in_dim3A_231 : i32 to vector<16x16xi32>
    %slice3A_233 = vector.extract_strided_slice %max3A_230 {offsets = [0, 0], sizes = [16, 112], strides = [1, 1]} : vector<16x128xi32> to vector<16x112xi32>
    %concatenate3A_234 = tpu.concatenate %broadcast_in_dim3A_232, %slice3A_233 in 1 : vector<16x16xi32>, vector<16x112xi32> -> vector<16x128xi32>
    %max3A_235 = arith.maxsi %max3A_230, %concatenate3A_234 : vector<16x128xi32>
    %broadcast_in_dim3A_236 = arith.constant -1 : i32
    %broadcast_in_dim3A_237 = vector.broadcast %broadcast_in_dim3A_236 : i32 to vector<16x32xi32>
    %slice3A_238 = vector.extract_strided_slice %max3A_235 {offsets = [0, 0], sizes = [16, 96], strides = [1, 1]} : vector<16x128xi32> to vector<16x96xi32>
    %concatenate3A_239 = tpu.concatenate %broadcast_in_dim3A_237, %slice3A_238 in 1 : vector<16x32xi32>, vector<16x96xi32> -> vector<16x128xi32>
    %max3A_240 = arith.maxsi %max3A_235, %concatenate3A_239 : vector<16x128xi32>
    %broadcast_in_dim3A_241 = arith.constant -1 : i32
    %broadcast_in_dim3A_242 = vector.broadcast %broadcast_in_dim3A_241 : i32 to vector<16x64xi32>
    %slice3A_243 = vector.extract_strided_slice %max3A_240 {offsets = [0, 0], sizes = [16, 64], strides = [1, 1]} : vector<16x128xi32> to vector<16x64xi32>
    %concatenate3A_244 = tpu.concatenate %broadcast_in_dim3A_242, %slice3A_243 in 1 : vector<16x64xi32>, vector<16x64xi32> -> vector<16x128xi32>
    %max3A_245 = arith.maxsi %max3A_240, %concatenate3A_244 : vector<16x128xi32>
    %slice3A_246 = vector.extract_strided_slice %max3A_245 {offsets = [0, 127], sizes = [16, 1], strides = [1, 1]} : vector<16x128xi32> to vector<16x1xi32>
    %broadcast_in_dim3A_247 = vector.shape_cast %slice3A_246 : vector<16x1xi32> to vector<16x1xi32>
    %broadcast_in_dim3A_248 = vector.broadcast %broadcast_in_dim3A_247 : vector<16x1xi32> to vector<16x128xi32>
    %broadcast_in_dim3A_249 = arith.constant -1 : i32
    %broadcast_in_dim3A_250 = vector.broadcast %broadcast_in_dim3A_249 : i32 to vector<1x128xi32>
    %slice3A_251 = vector.extract_strided_slice %broadcast_in_dim3A_248 {offsets = [0, 0], sizes = [15, 128], strides = [1, 1]} : vector<16x128xi32> to vector<15x128xi32>
    %concatenate3A_252 = tpu.concatenate %broadcast_in_dim3A_250, %slice3A_251 in 0 : vector<1x128xi32>, vector<15x128xi32> -> vector<16x128xi32>
    %broadcast_in_dim3A_253 = arith.constant -1 : i32
    %broadcast_in_dim3A_254 = vector.broadcast %broadcast_in_dim3A_253 : i32 to vector<1x128xi32>
    %slice3A_255 = vector.extract_strided_slice %concatenate3A_252 {offsets = [0, 0], sizes = [15, 128], strides = [1, 1]} : vector<16x128xi32> to vector<15x128xi32>
    %concatenate3A_256 = tpu.concatenate %broadcast_in_dim3A_254, %slice3A_255 in 0 : vector<1x128xi32>, vector<15x128xi32> -> vector<16x128xi32>
    %max3A_257 = arith.maxsi %concatenate3A_252, %concatenate3A_256 : vector<16x128xi32>
    %broadcast_in_dim3A_258 = arith.constant -1 : i32
    %broadcast_in_dim3A_259 = vector.broadcast %broadcast_in_dim3A_258 : i32 to vector<2x128xi32>
    %slice3A_260 = vector.extract_strided_slice %max3A_257 {offsets = [0, 0], sizes = [14, 128], strides = [1, 1]} : vector<16x128xi32> to vector<14x128xi32>
    %concatenate3A_261 = tpu.concatenate %broadcast_in_dim3A_259, %slice3A_260 in 0 : vector<2x128xi32>, vector<14x128xi32> -> vector<16x128xi32>
    %max3A_262 = arith.maxsi %max3A_257, %concatenate3A_261 : vector<16x128xi32>
    %broadcast_in_dim3A_263 = arith.constant -1 : i32
    %broadcast_in_dim3A_264 = vector.broadcast %broadcast_in_dim3A_263 : i32 to vector<4x128xi32>
    %slice3A_265 = vector.extract_strided_slice %max3A_262 {offsets = [0, 0], sizes = [12, 128], strides = [1, 1]} : vector<16x128xi32> to vector<12x128xi32>
    %concatenate3A_266 = tpu.concatenate %broadcast_in_dim3A_264, %slice3A_265 in 0 : vector<4x128xi32>, vector<12x128xi32> -> vector<16x128xi32>
    %max3A_267 = arith.maxsi %max3A_262, %concatenate3A_266 : vector<16x128xi32>
    %broadcast_in_dim3A_268 = arith.constant -1 : i32
    %broadcast_in_dim3A_269 = vector.broadcast %broadcast_in_dim3A_268 : i32 to vector<8x128xi32>
    %slice3A_270 = vector.extract_strided_slice %max3A_267 {offsets = [0, 0], sizes = [8, 128], strides = [1, 1]} : vector<16x128xi32> to vector<8x128xi32>
    %concatenate3A_271 = tpu.concatenate %broadcast_in_dim3A_269, %slice3A_270 in 0 : vector<8x128xi32>, vector<8x128xi32> -> vector<16x128xi32>
    %max3A_272 = arith.maxsi %max3A_267, %concatenate3A_271 : vector<16x128xi32>
    %max3A_273 = arith.maxsi %max3A_245, %max3A_272 : vector<16x128xi32>
    %ge3A_274 = arith.constant 0 : i32
    %ge3A_275 = vector.broadcast %ge3A_274 : i32 to vector<16x128xi32>
    %ge3A_276 = arith.cmpi sge, %max3A_273, %ge3A_275 : vector<16x128xi32>
    %sub3A = arith.subi %add3A, %max3A_273 : vector<16x128xi32>
    %add3A_277 = arith.constant 3 : i32
    %add3A_278 = vector.broadcast %add3A_277 : i32 to vector<16x128xi32>
    %add3A_279 = arith.addi %add3A, %add3A_278 : vector<16x128xi32>
    %select_n3A_280 = arith.select %ge3A_276, %sub3A, %add3A_279 : vector<16x128xi1>, vector<16x128xi32>
    %ge3A_281 = arith.constant 2050 : i32
    %ge3A_282 = vector.broadcast %ge3A_281 : i32 to vector<16x128xi32>
    %ge3A_283 = arith.cmpi sge, %select_n3A_280, %ge3A_282 : vector<16x128xi32>
    %convert_element_type3A_284 = arith.extui %ge3A_283 : vector<16x128xi1> to vector<16x128xi32>
    %mul3A_285 = arith.constant 2050 : i32
    %mul3A_286 = vector.broadcast %mul3A_285 : i32 to vector<16x128xi32>
    %mul3A_287 = arith.muli %mul3A_286, %convert_element_type3A_284 : vector<16x128xi32>
    %sub3A_288 = arith.subi %select_n3A_280, %mul3A_287 : vector<16x128xi32>
    %jit3A_289 = arith.constant 0 : i32
    %broadcast_in_dim3A_290 = vector.broadcast %jit3A_289 : i32 to vector<16x128xi32>
    %select_n3A_291 = arith.select %or3A, %add3A_78, %broadcast_in_dim3A_290 : vector<16x128xi1>, vector<16x128xi32>
    %broadcast_in_dim3A_292 = arith.constant 0 : i32
    %broadcast_in_dim3A_293 = vector.broadcast %broadcast_in_dim3A_292 : i32 to vector<16x1xi32>
    %slice3A_294 = vector.extract_strided_slice %select_n3A_291 {offsets = [0, 0], sizes = [16, 127], strides = [1, 1]} : vector<16x128xi32> to vector<16x127xi32>
    %concatenate3A_295 = tpu.concatenate %broadcast_in_dim3A_293, %slice3A_294 in 1 : vector<16x1xi32>, vector<16x127xi32> -> vector<16x128xi32>
    %max3A_296 = arith.maxsi %select_n3A_291, %concatenate3A_295 : vector<16x128xi32>
    %broadcast_in_dim3A_297 = arith.constant 0 : i32
    %broadcast_in_dim3A_298 = vector.broadcast %broadcast_in_dim3A_297 : i32 to vector<16x2xi32>
    %slice3A_299 = vector.extract_strided_slice %max3A_296 {offsets = [0, 0], sizes = [16, 126], strides = [1, 1]} : vector<16x128xi32> to vector<16x126xi32>
    %concatenate3A_300 = tpu.concatenate %broadcast_in_dim3A_298, %slice3A_299 in 1 : vector<16x2xi32>, vector<16x126xi32> -> vector<16x128xi32>
    %max3A_301 = arith.maxsi %max3A_296, %concatenate3A_300 : vector<16x128xi32>
    %broadcast_in_dim3A_302 = arith.constant 0 : i32
    %broadcast_in_dim3A_303 = vector.broadcast %broadcast_in_dim3A_302 : i32 to vector<16x4xi32>
    %slice3A_304 = vector.extract_strided_slice %max3A_301 {offsets = [0, 0], sizes = [16, 124], strides = [1, 1]} : vector<16x128xi32> to vector<16x124xi32>
    %concatenate3A_305 = tpu.concatenate %broadcast_in_dim3A_303, %slice3A_304 in 1 : vector<16x4xi32>, vector<16x124xi32> -> vector<16x128xi32>
    %max3A_306 = arith.maxsi %max3A_301, %concatenate3A_305 : vector<16x128xi32>
    %broadcast_in_dim3A_307 = arith.constant 0 : i32
    %broadcast_in_dim3A_308 = vector.broadcast %broadcast_in_dim3A_307 : i32 to vector<16x8xi32>
    %slice3A_309 = vector.extract_strided_slice %max3A_306 {offsets = [0, 0], sizes = [16, 120], strides = [1, 1]} : vector<16x128xi32> to vector<16x120xi32>
    %concatenate3A_310 = tpu.concatenate %broadcast_in_dim3A_308, %slice3A_309 in 1 : vector<16x8xi32>, vector<16x120xi32> -> vector<16x128xi32>
    %max3A_311 = arith.maxsi %max3A_306, %concatenate3A_310 : vector<16x128xi32>
    %broadcast_in_dim3A_312 = arith.constant 0 : i32
    %broadcast_in_dim3A_313 = vector.broadcast %broadcast_in_dim3A_312 : i32 to vector<16x16xi32>
    %slice3A_314 = vector.extract_strided_slice %max3A_311 {offsets = [0, 0], sizes = [16, 112], strides = [1, 1]} : vector<16x128xi32> to vector<16x112xi32>
    %concatenate3A_315 = tpu.concatenate %broadcast_in_dim3A_313, %slice3A_314 in 1 : vector<16x16xi32>, vector<16x112xi32> -> vector<16x128xi32>
    %max3A_316 = arith.maxsi %max3A_311, %concatenate3A_315 : vector<16x128xi32>
    %broadcast_in_dim3A_317 = arith.constant 0 : i32
    %broadcast_in_dim3A_318 = vector.broadcast %broadcast_in_dim3A_317 : i32 to vector<16x32xi32>
    %slice3A_319 = vector.extract_strided_slice %max3A_316 {offsets = [0, 0], sizes = [16, 96], strides = [1, 1]} : vector<16x128xi32> to vector<16x96xi32>
    %concatenate3A_320 = tpu.concatenate %broadcast_in_dim3A_318, %slice3A_319 in 1 : vector<16x32xi32>, vector<16x96xi32> -> vector<16x128xi32>
    %max3A_321 = arith.maxsi %max3A_316, %concatenate3A_320 : vector<16x128xi32>
    %broadcast_in_dim3A_322 = arith.constant 0 : i32
    %broadcast_in_dim3A_323 = vector.broadcast %broadcast_in_dim3A_322 : i32 to vector<16x64xi32>
    %slice3A_324 = vector.extract_strided_slice %max3A_321 {offsets = [0, 0], sizes = [16, 64], strides = [1, 1]} : vector<16x128xi32> to vector<16x64xi32>
    %concatenate3A_325 = tpu.concatenate %broadcast_in_dim3A_323, %slice3A_324 in 1 : vector<16x64xi32>, vector<16x64xi32> -> vector<16x128xi32>
    %max3A_326 = arith.maxsi %max3A_321, %concatenate3A_325 : vector<16x128xi32>
    %slice3A_327 = vector.extract_strided_slice %max3A_326 {offsets = [0, 127], sizes = [16, 1], strides = [1, 1]} : vector<16x128xi32> to vector<16x1xi32>
    %broadcast_in_dim3A_328 = vector.shape_cast %slice3A_327 : vector<16x1xi32> to vector<16x1xi32>
    %broadcast_in_dim3A_329 = vector.broadcast %broadcast_in_dim3A_328 : vector<16x1xi32> to vector<16x128xi32>
    %broadcast_in_dim3A_330 = arith.constant 0 : i32
    %broadcast_in_dim3A_331 = vector.broadcast %broadcast_in_dim3A_330 : i32 to vector<1x128xi32>
    %slice3A_332 = vector.extract_strided_slice %broadcast_in_dim3A_329 {offsets = [0, 0], sizes = [15, 128], strides = [1, 1]} : vector<16x128xi32> to vector<15x128xi32>
    %concatenate3A_333 = tpu.concatenate %broadcast_in_dim3A_331, %slice3A_332 in 0 : vector<1x128xi32>, vector<15x128xi32> -> vector<16x128xi32>
    %broadcast_in_dim3A_334 = arith.constant 0 : i32
    %broadcast_in_dim3A_335 = vector.broadcast %broadcast_in_dim3A_334 : i32 to vector<1x128xi32>
    %slice3A_336 = vector.extract_strided_slice %concatenate3A_333 {offsets = [0, 0], sizes = [15, 128], strides = [1, 1]} : vector<16x128xi32> to vector<15x128xi32>
    %concatenate3A_337 = tpu.concatenate %broadcast_in_dim3A_335, %slice3A_336 in 0 : vector<1x128xi32>, vector<15x128xi32> -> vector<16x128xi32>
    %max3A_338 = arith.maxsi %concatenate3A_333, %concatenate3A_337 : vector<16x128xi32>
    %broadcast_in_dim3A_339 = arith.constant 0 : i32
    %broadcast_in_dim3A_340 = vector.broadcast %broadcast_in_dim3A_339 : i32 to vector<2x128xi32>
    %slice3A_341 = vector.extract_strided_slice %max3A_338 {offsets = [0, 0], sizes = [14, 128], strides = [1, 1]} : vector<16x128xi32> to vector<14x128xi32>
    %concatenate3A_342 = tpu.concatenate %broadcast_in_dim3A_340, %slice3A_341 in 0 : vector<2x128xi32>, vector<14x128xi32> -> vector<16x128xi32>
    %max3A_343 = arith.maxsi %max3A_338, %concatenate3A_342 : vector<16x128xi32>
    %broadcast_in_dim3A_344 = arith.constant 0 : i32
    %broadcast_in_dim3A_345 = vector.broadcast %broadcast_in_dim3A_344 : i32 to vector<4x128xi32>
    %slice3A_346 = vector.extract_strided_slice %max3A_343 {offsets = [0, 0], sizes = [12, 128], strides = [1, 1]} : vector<16x128xi32> to vector<12x128xi32>
    %concatenate3A_347 = tpu.concatenate %broadcast_in_dim3A_345, %slice3A_346 in 0 : vector<4x128xi32>, vector<12x128xi32> -> vector<16x128xi32>
    %max3A_348 = arith.maxsi %max3A_343, %concatenate3A_347 : vector<16x128xi32>
    %broadcast_in_dim3A_349 = arith.constant 0 : i32
    %broadcast_in_dim3A_350 = vector.broadcast %broadcast_in_dim3A_349 : i32 to vector<8x128xi32>
    %slice3A_351 = vector.extract_strided_slice %max3A_348 {offsets = [0, 0], sizes = [8, 128], strides = [1, 1]} : vector<16x128xi32> to vector<8x128xi32>
    %concatenate3A_352 = tpu.concatenate %broadcast_in_dim3A_350, %slice3A_351 in 0 : vector<8x128xi32>, vector<8x128xi32> -> vector<16x128xi32>
    %max3A_353 = arith.maxsi %max3A_348, %concatenate3A_352 : vector<16x128xi32>
    %max3A_354 = arith.maxsi %max3A_326, %max3A_353 : vector<16x128xi32>
    %slice3A_355 = vector.extract_strided_slice %max3A_354 {offsets = [0, 127], sizes = [16, 1], strides = [1, 1]} : vector<16x128xi32> to vector<16x1xi32>
    %broadcast_in_dim3A_356 = arith.constant 0 : i32
    %broadcast_in_dim3A_357 = vector.broadcast %broadcast_in_dim3A_356 : i32 to vector<1x1xi32>
    %slice3A_358 = vector.extract_strided_slice %slice3A_355 {offsets = [0, 0], sizes = [15, 1], strides = [1, 1]} : vector<16x1xi32> to vector<15x1xi32>
    %concatenate3A_359 = tpu.concatenate %broadcast_in_dim3A_357, %slice3A_358 in 0 : vector<1x1xi32>, vector<15x1xi32> -> vector<16x1xi32>
    %slice3A_360 = vector.extract_strided_slice %max3A_354 {offsets = [0, 0], sizes = [16, 127], strides = [1, 1]} : vector<16x128xi32> to vector<16x127xi32>
    %concatenate3A_361 = tpu.concatenate %concatenate3A_359, %slice3A_360 in 1 : vector<16x1xi32>, vector<16x127xi32> -> vector<16x128xi32>
    %sub3A_362 = arith.subi %add3A_78, %concatenate3A_361 : vector<16x128xi32>
    %shift_right_arithmetic3A = arith.constant 6 : i32
    %shift_right_arithmetic3A_363 = vector.broadcast %shift_right_arithmetic3A : i32 to vector<16x128xi32>
    %shift_right_arithmetic3A_364 = arith.shrsi %sub3A_362, %shift_right_arithmetic3A_363 : vector<16x128xi32>
    %jit3A_365 = arith.constant 0 : i32
    %broadcast_in_dim3A_366 = vector.broadcast %jit3A_365 : i32 to vector<16x128xi32>
    %select_n3A_367 = arith.select %or3A, %shift_right_arithmetic3A_364, %broadcast_in_dim3A_366 : vector<16x128xi1>, vector<16x128xi32>
    %broadcast_in_dim3A_368 = arith.constant 0 : i32
    %broadcast_in_dim3A_369 = vector.broadcast %broadcast_in_dim3A_368 : i32 to vector<16x1xi32>
    %slice3A_370 = vector.extract_strided_slice %select_n3A_367 {offsets = [0, 0], sizes = [16, 127], strides = [1, 1]} : vector<16x128xi32> to vector<16x127xi32>
    %concatenate3A_371 = tpu.concatenate %broadcast_in_dim3A_369, %slice3A_370 in 1 : vector<16x1xi32>, vector<16x127xi32> -> vector<16x128xi32>
    %add3A_372 = arith.addi %select_n3A_367, %concatenate3A_371 : vector<16x128xi32>
    %broadcast_in_dim3A_373 = arith.constant 0 : i32
    %broadcast_in_dim3A_374 = vector.broadcast %broadcast_in_dim3A_373 : i32 to vector<16x2xi32>
    %slice3A_375 = vector.extract_strided_slice %add3A_372 {offsets = [0, 0], sizes = [16, 126], strides = [1, 1]} : vector<16x128xi32> to vector<16x126xi32>
    %concatenate3A_376 = tpu.concatenate %broadcast_in_dim3A_374, %slice3A_375 in 1 : vector<16x2xi32>, vector<16x126xi32> -> vector<16x128xi32>
    %add3A_377 = arith.addi %add3A_372, %concatenate3A_376 : vector<16x128xi32>
    %broadcast_in_dim3A_378 = arith.constant 0 : i32
    %broadcast_in_dim3A_379 = vector.broadcast %broadcast_in_dim3A_378 : i32 to vector<16x4xi32>
    %slice3A_380 = vector.extract_strided_slice %add3A_377 {offsets = [0, 0], sizes = [16, 124], strides = [1, 1]} : vector<16x128xi32> to vector<16x124xi32>
    %concatenate3A_381 = tpu.concatenate %broadcast_in_dim3A_379, %slice3A_380 in 1 : vector<16x4xi32>, vector<16x124xi32> -> vector<16x128xi32>
    %add3A_382 = arith.addi %add3A_377, %concatenate3A_381 : vector<16x128xi32>
    %broadcast_in_dim3A_383 = arith.constant 0 : i32
    %broadcast_in_dim3A_384 = vector.broadcast %broadcast_in_dim3A_383 : i32 to vector<16x8xi32>
    %slice3A_385 = vector.extract_strided_slice %add3A_382 {offsets = [0, 0], sizes = [16, 120], strides = [1, 1]} : vector<16x128xi32> to vector<16x120xi32>
    %concatenate3A_386 = tpu.concatenate %broadcast_in_dim3A_384, %slice3A_385 in 1 : vector<16x8xi32>, vector<16x120xi32> -> vector<16x128xi32>
    %add3A_387 = arith.addi %add3A_382, %concatenate3A_386 : vector<16x128xi32>
    %broadcast_in_dim3A_388 = arith.constant 0 : i32
    %broadcast_in_dim3A_389 = vector.broadcast %broadcast_in_dim3A_388 : i32 to vector<16x16xi32>
    %slice3A_390 = vector.extract_strided_slice %add3A_387 {offsets = [0, 0], sizes = [16, 112], strides = [1, 1]} : vector<16x128xi32> to vector<16x112xi32>
    %concatenate3A_391 = tpu.concatenate %broadcast_in_dim3A_389, %slice3A_390 in 1 : vector<16x16xi32>, vector<16x112xi32> -> vector<16x128xi32>
    %add3A_392 = arith.addi %add3A_387, %concatenate3A_391 : vector<16x128xi32>
    %broadcast_in_dim3A_393 = arith.constant 0 : i32
    %broadcast_in_dim3A_394 = vector.broadcast %broadcast_in_dim3A_393 : i32 to vector<16x32xi32>
    %slice3A_395 = vector.extract_strided_slice %add3A_392 {offsets = [0, 0], sizes = [16, 96], strides = [1, 1]} : vector<16x128xi32> to vector<16x96xi32>
    %concatenate3A_396 = tpu.concatenate %broadcast_in_dim3A_394, %slice3A_395 in 1 : vector<16x32xi32>, vector<16x96xi32> -> vector<16x128xi32>
    %add3A_397 = arith.addi %add3A_392, %concatenate3A_396 : vector<16x128xi32>
    %broadcast_in_dim3A_398 = arith.constant 0 : i32
    %broadcast_in_dim3A_399 = vector.broadcast %broadcast_in_dim3A_398 : i32 to vector<16x64xi32>
    %slice3A_400 = vector.extract_strided_slice %add3A_397 {offsets = [0, 0], sizes = [16, 64], strides = [1, 1]} : vector<16x128xi32> to vector<16x64xi32>
    %concatenate3A_401 = tpu.concatenate %broadcast_in_dim3A_399, %slice3A_400 in 1 : vector<16x64xi32>, vector<16x64xi32> -> vector<16x128xi32>
    %add3A_402 = arith.addi %add3A_397, %concatenate3A_401 : vector<16x128xi32>
    %slice3A_403 = vector.extract_strided_slice %add3A_402 {offsets = [0, 127], sizes = [16, 1], strides = [1, 1]} : vector<16x128xi32> to vector<16x1xi32>
    %broadcast_in_dim3A_404 = vector.shape_cast %slice3A_403 : vector<16x1xi32> to vector<16x1xi32>
    %broadcast_in_dim3A_405 = vector.broadcast %broadcast_in_dim3A_404 : vector<16x1xi32> to vector<16x128xi32>
    %broadcast_in_dim3A_406 = arith.constant 0 : i32
    %broadcast_in_dim3A_407 = vector.broadcast %broadcast_in_dim3A_406 : i32 to vector<1x128xi32>
    %slice3A_408 = vector.extract_strided_slice %broadcast_in_dim3A_405 {offsets = [0, 0], sizes = [15, 128], strides = [1, 1]} : vector<16x128xi32> to vector<15x128xi32>
    %concatenate3A_409 = tpu.concatenate %broadcast_in_dim3A_407, %slice3A_408 in 0 : vector<1x128xi32>, vector<15x128xi32> -> vector<16x128xi32>
    %broadcast_in_dim3A_410 = arith.constant 0 : i32
    %broadcast_in_dim3A_411 = vector.broadcast %broadcast_in_dim3A_410 : i32 to vector<1x128xi32>
    %slice3A_412 = vector.extract_strided_slice %concatenate3A_409 {offsets = [0, 0], sizes = [15, 128], strides = [1, 1]} : vector<16x128xi32> to vector<15x128xi32>
    %concatenate3A_413 = tpu.concatenate %broadcast_in_dim3A_411, %slice3A_412 in 0 : vector<1x128xi32>, vector<15x128xi32> -> vector<16x128xi32>
    %add3A_414 = arith.addi %concatenate3A_409, %concatenate3A_413 : vector<16x128xi32>
    %broadcast_in_dim3A_415 = arith.constant 0 : i32
    %broadcast_in_dim3A_416 = vector.broadcast %broadcast_in_dim3A_415 : i32 to vector<2x128xi32>
    %slice3A_417 = vector.extract_strided_slice %add3A_414 {offsets = [0, 0], sizes = [14, 128], strides = [1, 1]} : vector<16x128xi32> to vector<14x128xi32>
    %concatenate3A_418 = tpu.concatenate %broadcast_in_dim3A_416, %slice3A_417 in 0 : vector<2x128xi32>, vector<14x128xi32> -> vector<16x128xi32>
    %add3A_419 = arith.addi %add3A_414, %concatenate3A_418 : vector<16x128xi32>
    %broadcast_in_dim3A_420 = arith.constant 0 : i32
    %broadcast_in_dim3A_421 = vector.broadcast %broadcast_in_dim3A_420 : i32 to vector<4x128xi32>
    %slice3A_422 = vector.extract_strided_slice %add3A_419 {offsets = [0, 0], sizes = [12, 128], strides = [1, 1]} : vector<16x128xi32> to vector<12x128xi32>
    %concatenate3A_423 = tpu.concatenate %broadcast_in_dim3A_421, %slice3A_422 in 0 : vector<4x128xi32>, vector<12x128xi32> -> vector<16x128xi32>
    %add3A_424 = arith.addi %add3A_419, %concatenate3A_423 : vector<16x128xi32>
    %broadcast_in_dim3A_425 = arith.constant 0 : i32
    %broadcast_in_dim3A_426 = vector.broadcast %broadcast_in_dim3A_425 : i32 to vector<8x128xi32>
    %slice3A_427 = vector.extract_strided_slice %add3A_424 {offsets = [0, 0], sizes = [8, 128], strides = [1, 1]} : vector<16x128xi32> to vector<8x128xi32>
    %concatenate3A_428 = tpu.concatenate %broadcast_in_dim3A_426, %slice3A_427 in 0 : vector<8x128xi32>, vector<8x128xi32> -> vector<16x128xi32>
    %add3A_429 = arith.addi %add3A_424, %concatenate3A_428 : vector<16x128xi32>
    %add3A_430 = arith.addi %add3A_402, %add3A_429 : vector<16x128xi32>
    %sub3A_431 = arith.subi %add3A_78, %max3A_354 : vector<16x128xi32>
    %add3A_432 = arith.addi %sub3A_431, %convert_element_type3A_284 : vector<16x128xi32>
    %and3A_433 = arith.constant 63 : i32
    %and3A_434 = vector.broadcast %and3A_433 : i32 to vector<16x128xi32>
    %and3A_435 = arith.andi %add3A_432, %and3A_434 : vector<16x128xi32>
    %shift_right_arithmetic3A_436 = arith.constant 6 : i32
    %shift_right_arithmetic3A_437 = vector.broadcast %shift_right_arithmetic3A_436 : i32 to vector<16x128xi32>
    %shift_right_arithmetic3A_438 = arith.shrsi %add3A_432, %shift_right_arithmetic3A_437 : vector<16x128xi32>
    %add3A_439 = arith.addi %add3A_142, %add3A_430 : vector<16x128xi32>
    %add3A_440 = arith.addi %add3A_439, %shift_right_arithmetic3A_438 : vector<16x128xi32>
    %and3A_441 = arith.constant 63 : i32
    %and3A_442 = vector.broadcast %and3A_441 : i32 to vector<16x128xi32>
    %and3A_443 = arith.andi %add3A_440, %and3A_442 : vector<16x128xi32>
    %jit3A_444 = arith.constant 2049 : i32
    %broadcast_in_dim3A_445 = vector.broadcast %jit3A_444 : i32 to vector<16x128xi32>
    %select_n3A_446 = arith.select %ge3A_209, %broadcast_in_dim3A_445, %sub3A_288 : vector<16x128xi1>, vector<16x128xi32>
    %swap3A = arith.constant 0 : index
    %swap3A_447 = arith.constant 0 : index
    %swap3A_448 = arith.constant 0 : index
    %swap3A_449 = vector.load %arg2[%swap3A, %swap3A_447, %swap3A_448] : memref<1x16x128xi32, #tpu.memory_space<vmem>>, vector<1x16x128xi32>
    %swap3A_450 = vector.shape_cast %swap3A_449 : vector<1x16x128xi32> to vector<16x128xi32>
    %swap3A_451 = vector.shape_cast %select_n3A_446 : vector<16x128xi32> to vector<1x16x128xi32>
    tpu.vector_store %arg2[%swap3A, %swap3A_447, %swap3A_448], %swap3A_451 {strides = array<i32>} : memref<1x16x128xi32, #tpu.memory_space<vmem>>, vector<1x16x128xi32>,
    %jit3A_452 = arith.constant 63 : i32
    %broadcast_in_dim3A_453 = vector.broadcast %jit3A_452 : i32 to vector<16x128xi32>
    %select_n3A_454 = arith.select %ge3A_209, %broadcast_in_dim3A_453, %and3A_435 : vector<16x128xi1>, vector<16x128xi32>
    %jit3A_455 = arith.constant 63 : i32
    %broadcast_in_dim3A_456 = vector.broadcast %jit3A_455 : i32 to vector<16x128xi32>
    %select_n3A_457 = arith.select %ge3A_209, %broadcast_in_dim3A_456, %and3A_443 : vector<16x128xi1>, vector<16x128xi32>
    %mul3A_458 = arith.constant 64 : i32
    %mul3A_459 = vector.broadcast %mul3A_458 : i32 to vector<16x128xi32>
    %mul3A_460 = arith.muli %select_n3A_454, %mul3A_459 : vector<16x128xi32>
    %add3A_461 = arith.addi %mul3A_460, %select_n3A_457 : vector<16x128xi32>
    %swap3A_462 = arith.constant 0 : index
    %swap3A_463 = arith.constant 0 : index
    %swap3A_464 = arith.constant 0 : index
    %swap3A_465 = vector.load %arg3[%swap3A_462, %swap3A_463, %swap3A_464] : memref<1x16x128xi32, #tpu.memory_space<vmem>>, vector<1x16x128xi32>
    %swap3A_466 = vector.shape_cast %swap3A_465 : vector<1x16x128xi32> to vector<16x128xi32>
    %swap3A_467 = vector.shape_cast %add3A_461 : vector<16x128xi32> to vector<1x16x128xi32>
    tpu.vector_store %arg3[%swap3A_462, %swap3A_463, %swap3A_464], %swap3A_467 {strides = array<i32>} : memref<1x16x128xi32, #tpu.memory_space<vmem>>, vector<1x16x128xi32>,
    %convert_element_type3A_468 = arith.extui %ge3A_209 : vector<16x128xi1> to vector<16x128xi32>
    %reduce_sum3A = vector.shape_cast %convert_element_type3A_468 : vector<16x128xi32> to vector<1x16x128xi32>
    %reduce_sum3A_469 = arith.constant dense<0> : vector<1xi32>
    %reduce_sum3A_470 = vector.multi_reduction <add>, %reduce_sum3A, %reduce_sum3A_469 [1, 2] : vector<1x16x128xi32> to vector<1xi32>
    %reduce_sum3A_471 = vector.shape_cast %reduce_sum3A_470 : vector<1xi32> to vector<1x1x1xi32>
    %reduce_sum3A_472 = vector.extract %reduce_sum3A_471[0, 0, 0] : i32 from vector<1x1x1xi32>
    %sub3A_473 = arith.constant 2048 : i32
    %sub3A_474 = arith.subi %sub3A_473, %reduce_sum3A_472 : i32
    %sub3A_475 = arith.constant 1 : i32
    %sub3A_476 = arith.subi %sub3A_474, %sub3A_475 : i32
    %eq3A_477 = vector.broadcast %sub3A_476 : i32 to vector<16x128xi32>
    %eq3A_478 = arith.cmpi eq, %add3A, %eq3A_477 : vector<16x128xi32>
    %eq3A_479 = arith.constant 0 : i32
    %eq3A_480 = arith.cmpi eq, %sub3A_474, %eq3A_479 : i32
    %jit3A_481 = arith.constant 0 : i32
    %broadcast_in_dim3A_482 = vector.broadcast %jit3A_481 : i32 to vector<16x128xi32>
    %select_n3A_483 = arith.select %eq3A_478, %sub3A_288, %broadcast_in_dim3A_482 : vector<16x128xi1>, vector<16x128xi32>
    %reduce_sum3A_484 = vector.shape_cast %select_n3A_483 : vector<16x128xi32> to vector<1x16x128xi32>
    %reduce_sum3A_485 = arith.constant dense<0> : vector<1xi32>
    %reduce_sum3A_486 = vector.multi_reduction <add>, %reduce_sum3A_484, %reduce_sum3A_485 [1, 2] : vector<1x16x128xi32> to vector<1xi32>
    %reduce_sum3A_487 = vector.shape_cast %reduce_sum3A_486 : vector<1xi32> to vector<1x1x1xi32>
    %reduce_sum3A_488 = vector.extract %reduce_sum3A_487[0, 0, 0] : i32 from vector<1x1x1xi32>
    %jit3A_489 = arith.constant 2 : i32
    %select_n3A_490 = arith.select %eq3A_480, %jit3A_489, %reduce_sum3A_488 : i32
    %eq3A_491 = arith.constant 0 : i32
    %eq3A_492 = arith.cmpi eq, %sub3A_474, %eq3A_491 : i32
    %jit3A_493 = arith.constant 0 : i32
    %broadcast_in_dim3A_494 = vector.broadcast %jit3A_493 : i32 to vector<16x128xi32>
    %select_n3A_495 = arith.select %eq3A_478, %and3A_435, %broadcast_in_dim3A_494 : vector<16x128xi1>, vector<16x128xi32>
    %reduce_sum3A_496 = vector.shape_cast %select_n3A_495 : vector<16x128xi32> to vector<1x16x128xi32>
    %reduce_sum3A_497 = arith.constant dense<0> : vector<1xi32>
    %reduce_sum3A_498 = vector.multi_reduction <add>, %reduce_sum3A_496, %reduce_sum3A_497 [1, 2] : vector<1x16x128xi32> to vector<1xi32>
    %reduce_sum3A_499 = vector.shape_cast %reduce_sum3A_498 : vector<1xi32> to vector<1x1x1xi32>
    %reduce_sum3A_500 = vector.extract %reduce_sum3A_499[0, 0, 0] : i32 from vector<1x1x1xi32>
    %jit3A_501 = arith.constant 0 : i32
    %select_n3A_502 = arith.select %eq3A_492, %jit3A_501, %reduce_sum3A_500 : i32
    %eq3A_503 = arith.constant 0 : i32
    %eq3A_504 = arith.cmpi eq, %sub3A_474, %eq3A_503 : i32
    %jit3A_505 = arith.constant 0 : i32
    %broadcast_in_dim3A_506 = vector.broadcast %jit3A_505 : i32 to vector<16x128xi32>
    %select_n3A_507 = arith.select %eq3A_478, %and3A_443, %broadcast_in_dim3A_506 : vector<16x128xi1>, vector<16x128xi32>
    %reduce_sum3A_508 = vector.shape_cast %select_n3A_507 : vector<16x128xi32> to vector<1x16x128xi32>
    %reduce_sum3A_509 = arith.constant dense<0> : vector<1xi32>
    %reduce_sum3A_510 = vector.multi_reduction <add>, %reduce_sum3A_508, %reduce_sum3A_509 [1, 2] : vector<1x16x128xi32> to vector<1xi32>
    %reduce_sum3A_511 = vector.shape_cast %reduce_sum3A_510 : vector<1xi32> to vector<1x1x1xi32>
    %reduce_sum3A_512 = vector.extract %reduce_sum3A_511[0, 0, 0] : i32 from vector<1x1x1xi32>
    %jit3A_513 = arith.constant 0 : i32
    %select_n3A_514 = arith.select %eq3A_504, %jit3A_513, %reduce_sum3A_512 : i32
    %iota3A_515 = tpu.iota {dimensions = array<i32: 0>} : vector<8x128xi32>
    %iota3A_516 = tpu.iota {dimensions = array<i32: 1>} : vector<8x128xi32>
    %eq3A_517 = arith.constant 0 : i32
    %eq3A_518 = vector.broadcast %eq3A_517 : i32 to vector<8x128xi32>
    %eq3A_519 = arith.cmpi eq, %iota3A_515, %eq3A_518 : vector<8x128xi32>
    %eq3A_520 = arith.constant 0 : i32
    %eq3A_521 = vector.broadcast %eq3A_520 : i32 to vector<8x128xi32>
    %eq3A_522 = arith.cmpi eq, %iota3A_516, %eq3A_521 : vector<8x128xi32>
    %and3A_523 = arith.andi %eq3A_519, %eq3A_522 : vector<8x128xi1>
    %jit3A_524 = arith.constant 0 : i32
    %broadcast_in_dim3A_525 = vector.broadcast %select_n3A_490 : i32 to vector<8x128xi32>
    %broadcast_in_dim3A_526 = vector.broadcast %jit3A_524 : i32 to vector<8x128xi32>
    %select_n3A_527 = arith.select %and3A_523, %broadcast_in_dim3A_525, %broadcast_in_dim3A_526 : vector<8x128xi1>, vector<8x128xi32>
    %eq3A_528 = arith.constant 1 : i32
    %eq3A_529 = vector.broadcast %eq3A_528 : i32 to vector<8x128xi32>
    %eq3A_530 = arith.cmpi eq, %iota3A_516, %eq3A_529 : vector<8x128xi32>
    %and3A_531 = arith.andi %eq3A_519, %eq3A_530 : vector<8x128xi1>
    %jit3A_532 = arith.constant 0 : i32
    %broadcast_in_dim3A_533 = vector.broadcast %select_n3A_502 : i32 to vector<8x128xi32>
    %broadcast_in_dim3A_534 = vector.broadcast %jit3A_532 : i32 to vector<8x128xi32>
    %select_n3A_535 = arith.select %and3A_531, %broadcast_in_dim3A_533, %broadcast_in_dim3A_534 : vector<8x128xi1>, vector<8x128xi32>
    %add3A_536 = arith.addi %select_n3A_527, %select_n3A_535 : vector<8x128xi32>
    %eq3A_537 = arith.constant 2 : i32
    %eq3A_538 = vector.broadcast %eq3A_537 : i32 to vector<8x128xi32>
    %eq3A_539 = arith.cmpi eq, %iota3A_516, %eq3A_538 : vector<8x128xi32>
    %and3A_540 = arith.andi %eq3A_519, %eq3A_539 : vector<8x128xi1>
    %jit3A_541 = arith.constant 0 : i32
    %broadcast_in_dim3A_542 = vector.broadcast %select_n3A_514 : i32 to vector<8x128xi32>
    %broadcast_in_dim3A_543 = vector.broadcast %jit3A_541 : i32 to vector<8x128xi32>
    %select_n3A_544 = arith.select %and3A_540, %broadcast_in_dim3A_542, %broadcast_in_dim3A_543 : vector<8x128xi1>, vector<8x128xi32>
    %add3A_545 = arith.addi %add3A_536, %select_n3A_544 : vector<8x128xi32>
    %swap3A_546 = arith.constant 0 : index
    %swap3A_547 = arith.constant 0 : index
    %swap3A_548 = arith.constant 0 : index
    %swap3A_549 = vector.load %arg4[%swap3A_546, %swap3A_547, %swap3A_548] : memref<1x8x128xi32, #tpu.memory_space<vmem>>, vector<1x8x128xi32>
    %swap3A_550 = vector.shape_cast %swap3A_549 : vector<1x8x128xi32> to vector<8x128xi32>
    %swap3A_551 = vector.shape_cast %add3A_545 : vector<8x128xi32> to vector<1x8x128xi32>
    tpu.vector_store %arg4[%swap3A_546, %swap3A_547, %swap3A_548], %swap3A_551 {strides = array<i32>} : memref<1x8x128xi32, #tpu.memory_space<vmem>>, vector<1x8x128xi32>,
    return
  }
  func.func @transform_0(%arg0: i32) -> (i32, i32, i32) {
    %c0_i32 = arith.constant 0 : i32
    %c0_i32_0 = arith.constant 0 : i32
    %c0_i32_1 = arith.constant 0 : i32
    return %arg0, %c0_i32, %c0_i32_0 : i32, i32, i32
  }
  func.func @transform_1(%arg0: i32) -> (i32, i32, i32) {
    %c0_i32 = arith.constant 0 : i32
    %c0_i32_0 = arith.constant 0 : i32
    %c0_i32_1 = arith.constant 0 : i32
    return %arg0, %c0_i32, %c0_i32_0 : i32, i32, i32
  }
  func.func @transform_2(%arg0: i32) -> (i32, i32, i32) {
    %c0_i32 = arith.constant 0 : i32
    %c0_i32_0 = arith.constant 0 : i32
    %c0_i32_1 = arith.constant 0 : i32
    return %arg0, %c0_i32, %c0_i32_0 : i32, i32, i32
  }
  func.func @transform_3(%arg0: i32) -> (i32, i32, i32) {
    %c0_i32 = arith.constant 0 : i32
    %c0_i32_0 = arith.constant 0 : i32
    %c0_i32_1 = arith.constant 0 : i32
    return %arg0, %c0_i32, %c0_i32_0 : i32, i32, i32
  }
}

module attributes {stable_mosaic.version = 14 : i64} {
  func.func @_combine_body_first(%arg0: i32, %arg1: memref<1024x1024xf32, #tpu.memory_space<vmem>>, %arg2: memref<1024x8xi32, #tpu.memory_space<vmem>>, %arg3: memref<128x1024xbf16, #tpu.memory_space<vmem>>, %arg4: memref<1024x1024xf32, #tpu.memory_space<vmem>>) attributes {dimension_semantics = [#tpu.dimension_semantics<arbitrary>], iteration_bounds = array<i64: 2>, scalar_prefetch = 0 : i64, scratch_operands = 0 : i64, tpu.core_type = #tpu.core_type<tc>, window_params = [{transform_indices = @transform_0, window_bounds = array<i64: 1024, 1024>}, {transform_indices = @transform_1, window_bounds = array<i64: 1024, 8>}, {pipeline_mode = #tpu.pipeline_mode<synchronous>, transform_indices = @transform_2, window_bounds = array<i64: 128, 1024>}, {transform_indices = @transform_3, window_bounds = array<i64: 1024, 1024>}]} {
    %get3A = arith.constant 0 : index
    %get3A_0 = arith.constant 0 : index
    %get3A_1 = vector.load %arg2[%get3A, %get3A_0] : memref<1024x8xi32, #tpu.memory_space<vmem>>, vector<1024x1xi32>
    %broadcast_in_dim3A = vector.shape_cast %get3A_1 : vector<1024x1xi32> to vector<1024x1xi32>
    %broadcast_in_dim3A_2 = vector.broadcast %broadcast_in_dim3A : vector<1024x1xi32> to vector<1024x128xi32>
    %iota3A = tpu.iota {dimensions = array<i32: 1>} : vector<1024x128xi32>
    %lt3A = arith.constant 64 : i32
    %lt3A_3 = vector.broadcast %lt3A : i32 to vector<1024x128xi32>
    %lt3A_4 = arith.cmpi slt, %iota3A, %lt3A_3 : vector<1024x128xi32>
    %shift_right_arithmetic3A = arith.constant 6 : i32
    %shift_right_arithmetic3A_5 = vector.broadcast %shift_right_arithmetic3A : i32 to vector<1024x128xi32>
    %shift_right_arithmetic3A_6 = arith.shrsi %broadcast_in_dim3A_2, %shift_right_arithmetic3A_5 : vector<1024x128xi32>
    %eq3A = arith.cmpi eq, %iota3A, %shift_right_arithmetic3A_6 : vector<1024x128xi32>
    %and3A = arith.andi %lt3A_4, %eq3A : vector<1024x128xi1>
    %not3A = arith.constant dense<true> : vector<1024x128xi1>
    %not3A_7 = arith.xori %lt3A_4, %not3A : vector<1024x128xi1>
    %sub3A = arith.constant 64 : i32
    %sub3A_8 = vector.broadcast %sub3A : i32 to vector<1024x128xi32>
    %sub3A_9 = arith.subi %iota3A, %sub3A_8 : vector<1024x128xi32>
    %and3A_10 = arith.constant 63 : i32
    %and3A_11 = vector.broadcast %and3A_10 : i32 to vector<1024x128xi32>
    %and3A_12 = arith.andi %broadcast_in_dim3A_2, %and3A_11 : vector<1024x128xi32>
    %eq3A_13 = arith.cmpi eq, %sub3A_9, %and3A_12 : vector<1024x128xi32>
    %and3A_14 = arith.andi %not3A_7, %eq3A_13 : vector<1024x128xi1>
    %or3A = arith.ori %and3A, %and3A_14 : vector<1024x128xi1>
    %jit3A = arith.constant 1.000000e+00 : f32
    %jit3A_15 = arith.constant 0.000000e+00 : f32
    %broadcast_in_dim3A_16 = vector.broadcast %jit3A : f32 to vector<1024x128xf32>
    %broadcast_in_dim3A_17 = vector.broadcast %jit3A_15 : f32 to vector<1024x128xf32>
    %select_n3A = arith.select %or3A, %broadcast_in_dim3A_16, %broadcast_in_dim3A_17 : vector<1024x128xi1>, vector<1024x128xf32>
    %convert_element_type3A = arith.truncf %select_n3A : vector<1024x128xf32> to vector<1024x128xbf16>
    %get3A_18 = arith.constant 0 : index
    %get3A_19 = arith.constant 0 : index
    %get3A_20 = vector.load %arg1[%get3A_18, %get3A_19] : memref<1024x1024xf32, #tpu.memory_space<vmem>>, vector<1024x1024xf32>
    %get3A_21 = arith.constant 0 : index
    %get3A_22 = arith.constant 0 : index
    %get3A_23 = vector.load %arg3[%get3A_21, %get3A_22] : memref<128x1024xbf16, #tpu.memory_space<vmem>>, vector<128x1024xbf16>
    %dot_general3A = arith.constant dense<0.000000e+00> : vector<1024x1024xf32>
    %dot_general3A_24 = tpu.matmul %convert_element_type3A, %get3A_23, %dot_general3A {dimension_numbers = #tpu.dot_dimension_numbers<[1], [0], [0], [1], [0, 0, 1, 1], [], []>, transpose_lhs_hint = false} : vector<1024x128xbf16>, vector<128x1024xbf16>, vector<1024x1024xf32> -> vector<1024x1024xf32>
    %add3A = arith.addf %get3A_20, %dot_general3A_24 : vector<1024x1024xf32>
    %swap3A = arith.constant 0 : index
    %swap3A_25 = arith.constant 0 : index
    %swap3A_26 = vector.load %arg4[%swap3A, %swap3A_25] : memref<1024x1024xf32, #tpu.memory_space<vmem>>, vector<1024x1024xf32>
    tpu.vector_store %arg4[%swap3A, %swap3A_25], %add3A {strides = array<i32>} : memref<1024x1024xf32, #tpu.memory_space<vmem>>, vector<1024x1024xf32>,
    return
  }
  func.func @transform_0(%arg0: i32) -> (i32, i32) {
    %c0_i32 = arith.constant 0 : i32
    %c0_i32_0 = arith.constant 0 : i32
    return %arg0, %c0_i32 : i32, i32
  }
  func.func @transform_1(%arg0: i32) -> (i32, i32) {
    %add3A = arith.constant 0 : i32
    %add3A_0 = arith.addi %arg0, %add3A : i32
    %c0_i32 = arith.constant 0 : i32
    %c0_i32_1 = arith.constant 0 : i32
    return %add3A_0, %c0_i32 : i32, i32
  }
  func.func @transform_2(%arg0: i32) -> (i32, i32) {
    %c0_i32 = arith.constant 0 : i32
    %c0_i32_0 = arith.constant 0 : i32
    %c0_i32_1 = arith.constant 0 : i32
    return %c0_i32, %c0_i32_0 : i32, i32
  }
  func.func @transform_3(%arg0: i32) -> (i32, i32) {
    %add3A = arith.constant 0 : i32
    %add3A_0 = arith.addi %arg0, %add3A : i32
    %c0_i32 = arith.constant 0 : i32
    %c0_i32_1 = arith.constant 0 : i32
    return %add3A_0, %c0_i32 : i32, i32
  }
}

module attributes {stable_mosaic.version = 14 : i64} {
  func.func @_combine_body_next(%arg0: i32, %arg1: memref<8192x1024xf32, #tpu.memory_space<any>>, %arg2: memref<1024x1024xf32, #tpu.memory_space<vmem>>, %arg3: memref<1024x8xi32, #tpu.memory_space<vmem>>, %arg4: memref<128x1024xbf16, #tpu.memory_space<vmem>>, %arg5: memref<1024x1024xf32, #tpu.memory_space<vmem>>) attributes {dimension_semantics = [#tpu.dimension_semantics<arbitrary>], iteration_bounds = array<i64: 2>, scalar_prefetch = 0 : i64, scratch_operands = 0 : i64, tpu.core_type = #tpu.core_type<tc>, window_params = [{}, {transform_indices = @transform_1, window_bounds = array<i64: 1024, 1024>}, {transform_indices = @transform_2, window_bounds = array<i64: 1024, 8>}, {pipeline_mode = #tpu.pipeline_mode<synchronous>, transform_indices = @transform_3, window_bounds = array<i64: 128, 1024>}, {transform_indices = @transform_4, window_bounds = array<i64: 1024, 1024>}]} {
    %get3A = arith.constant 0 : index
    %get3A_0 = arith.constant 0 : index
    %get3A_1 = vector.load %arg3[%get3A, %get3A_0] : memref<1024x8xi32, #tpu.memory_space<vmem>>, vector<1024x1xi32>
    %broadcast_in_dim3A = vector.shape_cast %get3A_1 : vector<1024x1xi32> to vector<1024x1xi32>
    %broadcast_in_dim3A_2 = vector.broadcast %broadcast_in_dim3A : vector<1024x1xi32> to vector<1024x128xi32>
    %iota3A = tpu.iota {dimensions = array<i32: 1>} : vector<1024x128xi32>
    %lt3A = arith.constant 64 : i32
    %lt3A_3 = vector.broadcast %lt3A : i32 to vector<1024x128xi32>
    %lt3A_4 = arith.cmpi slt, %iota3A, %lt3A_3 : vector<1024x128xi32>
    %shift_right_arithmetic3A = arith.constant 6 : i32
    %shift_right_arithmetic3A_5 = vector.broadcast %shift_right_arithmetic3A : i32 to vector<1024x128xi32>
    %shift_right_arithmetic3A_6 = arith.shrsi %broadcast_in_dim3A_2, %shift_right_arithmetic3A_5 : vector<1024x128xi32>
    %eq3A = arith.cmpi eq, %iota3A, %shift_right_arithmetic3A_6 : vector<1024x128xi32>
    %and3A = arith.andi %lt3A_4, %eq3A : vector<1024x128xi1>
    %not3A = arith.constant dense<true> : vector<1024x128xi1>
    %not3A_7 = arith.xori %lt3A_4, %not3A : vector<1024x128xi1>
    %sub3A = arith.constant 64 : i32
    %sub3A_8 = vector.broadcast %sub3A : i32 to vector<1024x128xi32>
    %sub3A_9 = arith.subi %iota3A, %sub3A_8 : vector<1024x128xi32>
    %and3A_10 = arith.constant 63 : i32
    %and3A_11 = vector.broadcast %and3A_10 : i32 to vector<1024x128xi32>
    %and3A_12 = arith.andi %broadcast_in_dim3A_2, %and3A_11 : vector<1024x128xi32>
    %eq3A_13 = arith.cmpi eq, %sub3A_9, %and3A_12 : vector<1024x128xi32>
    %and3A_14 = arith.andi %not3A_7, %eq3A_13 : vector<1024x128xi1>
    %or3A = arith.ori %and3A, %and3A_14 : vector<1024x128xi1>
    %jit3A = arith.constant 1.000000e+00 : f32
    %jit3A_15 = arith.constant 0.000000e+00 : f32
    %broadcast_in_dim3A_16 = vector.broadcast %jit3A : f32 to vector<1024x128xf32>
    %broadcast_in_dim3A_17 = vector.broadcast %jit3A_15 : f32 to vector<1024x128xf32>
    %select_n3A = arith.select %or3A, %broadcast_in_dim3A_16, %broadcast_in_dim3A_17 : vector<1024x128xi1>, vector<1024x128xf32>
    %convert_element_type3A = arith.truncf %select_n3A : vector<1024x128xf32> to vector<1024x128xbf16>
    %get3A_18 = arith.constant 0 : index
    %get3A_19 = arith.constant 0 : index
    %get3A_20 = vector.load %arg2[%get3A_18, %get3A_19] : memref<1024x1024xf32, #tpu.memory_space<vmem>>, vector<1024x1024xf32>
    %get3A_21 = arith.constant 0 : index
    %get3A_22 = arith.constant 0 : index
    %get3A_23 = vector.load %arg4[%get3A_21, %get3A_22] : memref<128x1024xbf16, #tpu.memory_space<vmem>>, vector<128x1024xbf16>
    %dot_general3A = arith.constant dense<0.000000e+00> : vector<1024x1024xf32>
    %dot_general3A_24 = tpu.matmul %convert_element_type3A, %get3A_23, %dot_general3A {dimension_numbers = #tpu.dot_dimension_numbers<[1], [0], [0], [1], [0, 0, 1, 1], [], []>, transpose_lhs_hint = false} : vector<1024x128xbf16>, vector<128x1024xbf16>, vector<1024x1024xf32> -> vector<1024x1024xf32>
    %add3A = arith.addf %get3A_20, %dot_general3A_24 : vector<1024x1024xf32>
    %swap3A = arith.constant 0 : index
    %swap3A_25 = arith.constant 0 : index
    %swap3A_26 = vector.load %arg5[%swap3A, %swap3A_25] : memref<1024x1024xf32, #tpu.memory_space<vmem>>, vector<1024x1024xf32>
    tpu.vector_store %arg5[%swap3A, %swap3A_25], %add3A {strides = array<i32>} : memref<1024x1024xf32, #tpu.memory_space<vmem>>, vector<1024x1024xf32>,
    return
  }
  func.func @transform_1(%arg0: i32) -> (i32, i32) {
    %c0_i32 = arith.constant 0 : i32
    %c0_i32_0 = arith.constant 0 : i32
    return %arg0, %c0_i32 : i32, i32
  }
  func.func @transform_2(%arg0: i32) -> (i32, i32) {
    %add3A = arith.constant 2 : i32
    %add3A_0 = arith.addi %arg0, %add3A : i32
    %c0_i32 = arith.constant 0 : i32
    %c0_i32_1 = arith.constant 0 : i32
    return %add3A_0, %c0_i32 : i32, i32
  }
  func.func @transform_3(%arg0: i32) -> (i32, i32) {
    %c0_i32 = arith.constant 0 : i32
    %c0_i32_0 = arith.constant 0 : i32
    %c0_i32_1 = arith.constant 0 : i32
    return %c0_i32, %c0_i32_0 : i32, i32
  }
  func.func @transform_4(%arg0: i32) -> (i32, i32) {
    %add3A = arith.constant 2 : i32
    %add3A_0 = arith.addi %arg0, %add3A : i32
    %c0_i32 = arith.constant 0 : i32
    %c0_i32_1 = arith.constant 0 : i32
    return %add3A_0, %c0_i32 : i32, i32
  }
}

module attributes {stable_mosaic.version = 14 : i64} {
  func.func @_combine_body_next(%arg0: i32, %arg1: memref<8192x1024xf32, #tpu.memory_space<any>>, %arg2: memref<1024x1024xf32, #tpu.memory_space<vmem>>, %arg3: memref<1024x8xi32, #tpu.memory_space<vmem>>, %arg4: memref<128x1024xbf16, #tpu.memory_space<vmem>>, %arg5: memref<1024x1024xf32, #tpu.memory_space<vmem>>) attributes {dimension_semantics = [#tpu.dimension_semantics<arbitrary>], iteration_bounds = array<i64: 2>, scalar_prefetch = 0 : i64, scratch_operands = 0 : i64, tpu.core_type = #tpu.core_type<tc>, window_params = [{}, {transform_indices = @transform_1, window_bounds = array<i64: 1024, 1024>}, {transform_indices = @transform_2, window_bounds = array<i64: 1024, 8>}, {pipeline_mode = #tpu.pipeline_mode<synchronous>, transform_indices = @transform_3, window_bounds = array<i64: 128, 1024>}, {transform_indices = @transform_4, window_bounds = array<i64: 1024, 1024>}]} {
    %get3A = arith.constant 0 : index
    %get3A_0 = arith.constant 0 : index
    %get3A_1 = vector.load %arg3[%get3A, %get3A_0] : memref<1024x8xi32, #tpu.memory_space<vmem>>, vector<1024x1xi32>
    %broadcast_in_dim3A = vector.shape_cast %get3A_1 : vector<1024x1xi32> to vector<1024x1xi32>
    %broadcast_in_dim3A_2 = vector.broadcast %broadcast_in_dim3A : vector<1024x1xi32> to vector<1024x128xi32>
    %iota3A = tpu.iota {dimensions = array<i32: 1>} : vector<1024x128xi32>
    %lt3A = arith.constant 64 : i32
    %lt3A_3 = vector.broadcast %lt3A : i32 to vector<1024x128xi32>
    %lt3A_4 = arith.cmpi slt, %iota3A, %lt3A_3 : vector<1024x128xi32>
    %shift_right_arithmetic3A = arith.constant 6 : i32
    %shift_right_arithmetic3A_5 = vector.broadcast %shift_right_arithmetic3A : i32 to vector<1024x128xi32>
    %shift_right_arithmetic3A_6 = arith.shrsi %broadcast_in_dim3A_2, %shift_right_arithmetic3A_5 : vector<1024x128xi32>
    %eq3A = arith.cmpi eq, %iota3A, %shift_right_arithmetic3A_6 : vector<1024x128xi32>
    %and3A = arith.andi %lt3A_4, %eq3A : vector<1024x128xi1>
    %not3A = arith.constant dense<true> : vector<1024x128xi1>
    %not3A_7 = arith.xori %lt3A_4, %not3A : vector<1024x128xi1>
    %sub3A = arith.constant 64 : i32
    %sub3A_8 = vector.broadcast %sub3A : i32 to vector<1024x128xi32>
    %sub3A_9 = arith.subi %iota3A, %sub3A_8 : vector<1024x128xi32>
    %and3A_10 = arith.constant 63 : i32
    %and3A_11 = vector.broadcast %and3A_10 : i32 to vector<1024x128xi32>
    %and3A_12 = arith.andi %broadcast_in_dim3A_2, %and3A_11 : vector<1024x128xi32>
    %eq3A_13 = arith.cmpi eq, %sub3A_9, %and3A_12 : vector<1024x128xi32>
    %and3A_14 = arith.andi %not3A_7, %eq3A_13 : vector<1024x128xi1>
    %or3A = arith.ori %and3A, %and3A_14 : vector<1024x128xi1>
    %jit3A = arith.constant 1.000000e+00 : f32
    %jit3A_15 = arith.constant 0.000000e+00 : f32
    %broadcast_in_dim3A_16 = vector.broadcast %jit3A : f32 to vector<1024x128xf32>
    %broadcast_in_dim3A_17 = vector.broadcast %jit3A_15 : f32 to vector<1024x128xf32>
    %select_n3A = arith.select %or3A, %broadcast_in_dim3A_16, %broadcast_in_dim3A_17 : vector<1024x128xi1>, vector<1024x128xf32>
    %convert_element_type3A = arith.truncf %select_n3A : vector<1024x128xf32> to vector<1024x128xbf16>
    %get3A_18 = arith.constant 0 : index
    %get3A_19 = arith.constant 0 : index
    %get3A_20 = vector.load %arg2[%get3A_18, %get3A_19] : memref<1024x1024xf32, #tpu.memory_space<vmem>>, vector<1024x1024xf32>
    %get3A_21 = arith.constant 0 : index
    %get3A_22 = arith.constant 0 : index
    %get3A_23 = vector.load %arg4[%get3A_21, %get3A_22] : memref<128x1024xbf16, #tpu.memory_space<vmem>>, vector<128x1024xbf16>
    %dot_general3A = arith.constant dense<0.000000e+00> : vector<1024x1024xf32>
    %dot_general3A_24 = tpu.matmul %convert_element_type3A, %get3A_23, %dot_general3A {dimension_numbers = #tpu.dot_dimension_numbers<[1], [0], [0], [1], [0, 0, 1, 1], [], []>, transpose_lhs_hint = false} : vector<1024x128xbf16>, vector<128x1024xbf16>, vector<1024x1024xf32> -> vector<1024x1024xf32>
    %add3A = arith.addf %get3A_20, %dot_general3A_24 : vector<1024x1024xf32>
    %swap3A = arith.constant 0 : index
    %swap3A_25 = arith.constant 0 : index
    %swap3A_26 = vector.load %arg5[%swap3A, %swap3A_25] : memref<1024x1024xf32, #tpu.memory_space<vmem>>, vector<1024x1024xf32>
    tpu.vector_store %arg5[%swap3A, %swap3A_25], %add3A {strides = array<i32>} : memref<1024x1024xf32, #tpu.memory_space<vmem>>, vector<1024x1024xf32>,
    return
  }
  func.func @transform_1(%arg0: i32) -> (i32, i32) {
    %c0_i32 = arith.constant 0 : i32
    %c0_i32_0 = arith.constant 0 : i32
    return %arg0, %c0_i32 : i32, i32
  }
  func.func @transform_2(%arg0: i32) -> (i32, i32) {
    %add3A = arith.constant 4 : i32
    %add3A_0 = arith.addi %arg0, %add3A : i32
    %c0_i32 = arith.constant 0 : i32
    %c0_i32_1 = arith.constant 0 : i32
    return %add3A_0, %c0_i32 : i32, i32
  }
  func.func @transform_3(%arg0: i32) -> (i32, i32) {
    %c0_i32 = arith.constant 0 : i32
    %c0_i32_0 = arith.constant 0 : i32
    %c0_i32_1 = arith.constant 0 : i32
    return %c0_i32, %c0_i32_0 : i32, i32
  }
  func.func @transform_4(%arg0: i32) -> (i32, i32) {
    %add3A = arith.constant 4 : i32
    %add3A_0 = arith.addi %arg0, %add3A : i32
    %c0_i32 = arith.constant 0 : i32
    %c0_i32_1 = arith.constant 0 : i32
    return %add3A_0, %c0_i32 : i32, i32
  }
}

module attributes {stable_mosaic.version = 14 : i64} {
  func.func @_combine_body_next(%arg0: i32, %arg1: memref<8192x1024xf32, #tpu.memory_space<any>>, %arg2: memref<1024x1024xf32, #tpu.memory_space<vmem>>, %arg3: memref<1024x8xi32, #tpu.memory_space<vmem>>, %arg4: memref<128x1024xbf16, #tpu.memory_space<vmem>>, %arg5: memref<1024x1024xf32, #tpu.memory_space<vmem>>) attributes {dimension_semantics = [#tpu.dimension_semantics<arbitrary>], iteration_bounds = array<i64: 2>, scalar_prefetch = 0 : i64, scratch_operands = 0 : i64, tpu.core_type = #tpu.core_type<tc>, window_params = [{}, {transform_indices = @transform_1, window_bounds = array<i64: 1024, 1024>}, {transform_indices = @transform_2, window_bounds = array<i64: 1024, 8>}, {pipeline_mode = #tpu.pipeline_mode<synchronous>, transform_indices = @transform_3, window_bounds = array<i64: 128, 1024>}, {transform_indices = @transform_4, window_bounds = array<i64: 1024, 1024>}]} {
    %get3A = arith.constant 0 : index
    %get3A_0 = arith.constant 0 : index
    %get3A_1 = vector.load %arg3[%get3A, %get3A_0] : memref<1024x8xi32, #tpu.memory_space<vmem>>, vector<1024x1xi32>
    %broadcast_in_dim3A = vector.shape_cast %get3A_1 : vector<1024x1xi32> to vector<1024x1xi32>
    %broadcast_in_dim3A_2 = vector.broadcast %broadcast_in_dim3A : vector<1024x1xi32> to vector<1024x128xi32>
    %iota3A = tpu.iota {dimensions = array<i32: 1>} : vector<1024x128xi32>
    %lt3A = arith.constant 64 : i32
    %lt3A_3 = vector.broadcast %lt3A : i32 to vector<1024x128xi32>
    %lt3A_4 = arith.cmpi slt, %iota3A, %lt3A_3 : vector<1024x128xi32>
    %shift_right_arithmetic3A = arith.constant 6 : i32
    %shift_right_arithmetic3A_5 = vector.broadcast %shift_right_arithmetic3A : i32 to vector<1024x128xi32>
    %shift_right_arithmetic3A_6 = arith.shrsi %broadcast_in_dim3A_2, %shift_right_arithmetic3A_5 : vector<1024x128xi32>
    %eq3A = arith.cmpi eq, %iota3A, %shift_right_arithmetic3A_6 : vector<1024x128xi32>
    %and3A = arith.andi %lt3A_4, %eq3A : vector<1024x128xi1>
    %not3A = arith.constant dense<true> : vector<1024x128xi1>
    %not3A_7 = arith.xori %lt3A_4, %not3A : vector<1024x128xi1>
    %sub3A = arith.constant 64 : i32
    %sub3A_8 = vector.broadcast %sub3A : i32 to vector<1024x128xi32>
    %sub3A_9 = arith.subi %iota3A, %sub3A_8 : vector<1024x128xi32>
    %and3A_10 = arith.constant 63 : i32
    %and3A_11 = vector.broadcast %and3A_10 : i32 to vector<1024x128xi32>
    %and3A_12 = arith.andi %broadcast_in_dim3A_2, %and3A_11 : vector<1024x128xi32>
    %eq3A_13 = arith.cmpi eq, %sub3A_9, %and3A_12 : vector<1024x128xi32>
    %and3A_14 = arith.andi %not3A_7, %eq3A_13 : vector<1024x128xi1>
    %or3A = arith.ori %and3A, %and3A_14 : vector<1024x128xi1>
    %jit3A = arith.constant 1.000000e+00 : f32
    %jit3A_15 = arith.constant 0.000000e+00 : f32
    %broadcast_in_dim3A_16 = vector.broadcast %jit3A : f32 to vector<1024x128xf32>
    %broadcast_in_dim3A_17 = vector.broadcast %jit3A_15 : f32 to vector<1024x128xf32>
    %select_n3A = arith.select %or3A, %broadcast_in_dim3A_16, %broadcast_in_dim3A_17 : vector<1024x128xi1>, vector<1024x128xf32>
    %convert_element_type3A = arith.truncf %select_n3A : vector<1024x128xf32> to vector<1024x128xbf16>
    %get3A_18 = arith.constant 0 : index
    %get3A_19 = arith.constant 0 : index
    %get3A_20 = vector.load %arg2[%get3A_18, %get3A_19] : memref<1024x1024xf32, #tpu.memory_space<vmem>>, vector<1024x1024xf32>
    %get3A_21 = arith.constant 0 : index
    %get3A_22 = arith.constant 0 : index
    %get3A_23 = vector.load %arg4[%get3A_21, %get3A_22] : memref<128x1024xbf16, #tpu.memory_space<vmem>>, vector<128x1024xbf16>
    %dot_general3A = arith.constant dense<0.000000e+00> : vector<1024x1024xf32>
    %dot_general3A_24 = tpu.matmul %convert_element_type3A, %get3A_23, %dot_general3A {dimension_numbers = #tpu.dot_dimension_numbers<[1], [0], [0], [1], [0, 0, 1, 1], [], []>, transpose_lhs_hint = false} : vector<1024x128xbf16>, vector<128x1024xbf16>, vector<1024x1024xf32> -> vector<1024x1024xf32>
    %add3A = arith.addf %get3A_20, %dot_general3A_24 : vector<1024x1024xf32>
    %swap3A = arith.constant 0 : index
    %swap3A_25 = arith.constant 0 : index
    %swap3A_26 = vector.load %arg5[%swap3A, %swap3A_25] : memref<1024x1024xf32, #tpu.memory_space<vmem>>, vector<1024x1024xf32>
    tpu.vector_store %arg5[%swap3A, %swap3A_25], %add3A {strides = array<i32>} : memref<1024x1024xf32, #tpu.memory_space<vmem>>, vector<1024x1024xf32>,
    return
  }
  func.func @transform_1(%arg0: i32) -> (i32, i32) {
    %c0_i32 = arith.constant 0 : i32
    %c0_i32_0 = arith.constant 0 : i32
    return %arg0, %c0_i32 : i32, i32
  }
  func.func @transform_2(%arg0: i32) -> (i32, i32) {
    %add3A = arith.constant 6 : i32
    %add3A_0 = arith.addi %arg0, %add3A : i32
    %c0_i32 = arith.constant 0 : i32
    %c0_i32_1 = arith.constant 0 : i32
    return %add3A_0, %c0_i32 : i32, i32
  }
  func.func @transform_3(%arg0: i32) -> (i32, i32) {
    %c0_i32 = arith.constant 0 : i32
    %c0_i32_0 = arith.constant 0 : i32
    %c0_i32_1 = arith.constant 0 : i32
    return %c0_i32, %c0_i32_0 : i32, i32
  }
  func.func @transform_4(%arg0: i32) -> (i32, i32) {
    %add3A = arith.constant 6 : i32
    %add3A_0 = arith.addi %arg0, %add3A : i32
    %c0_i32 = arith.constant 0 : i32
    %c0_i32_1 = arith.constant 0 : i32
    return %add3A_0, %c0_i32 : i32, i32
  }
}

</mosaic_0001>

<sc_bundles>
// kernel: kernel.11.cloned.1.call-start
scs
__scs_entry_jumppad:
0x0: {  	(pc) =	sbr.rel $0x88, $3  }
0x1: {  	(tag) =	ssettag $0x0;
	lr =	simm.s32 $0x1  }
0x2: {  	[smem:$0x3F9D] =	sst lr;
	_ =	strace $0xD0000000  }
0x3: {  	_ = 	snop  }
0x4: {  	_ = 	snop  }
0x5: {  	_ = 	snop  }
0x6: {  	_ = 	snop  }
0x7: {  	_ = 	snop  }
__scs_overlays_trampoline_lowered:
0x8: {  	[smem:$0x3FAC] =	sst s0  }
0x9: {  	[smem:$0x3FAD] =	sst s1  }
0xa: {  	[smem:$0x3FAE] =	sst s2  }
0xb: {  	[smem:$0x3FAF] =	sst s3  }
0xc: {  	[smem:$0x3FB0] =	sst s4  }
0xd: {  	[smem:$0x3FB1] =	sst s5  }
0xe: {  	[smem:$0x3FB2] =	sst s6  }
0xf: {  	[smem:$0x3FB3] =	sst s7  }
0x10: {  	[smem:$0x3FB4] =	sst s8  }
0x11: {  	[smem:$0x3FB5] =	sst s9;
	s0 =	simm.s32 @!p0 $0x0  }
0x12: {  	s1 =	sld [smem:$0x3F9B];
	s0 =	simm.s32 @p0 $0x1  }
0x13: {  	[smem:$0x3FB6] =	sst s0;
	s0 =	simm.s32 @!p1 $0x0  }
0x14: {  	s2 =	sld [smem:$0x3F9A];
	s0 =	simm.s32 @p1 $0x1  }
0x15: {  	[smem:$0x3FB7] =	sst s0;
	s0 =	simm.s32 @!p2 $0x0  }
0x16: {  	s3 =	sld [smem:$0x3FDB];
	s0 =	simm.s32 @p2 $0x1  }
0x17: {  	s4 =	simm.s32 $0x1BF5;
	[smem:$0x3FB9] =	sst s0  }
0x18: {  	s0 =	sld [smem:$0x3F9C];
	_ =	swait.ge [sflag:s4], $0x0  }
0x19: {  	s7 =	sld [smem:$0x3F9D]  }
0x1a: {  	s8 =	sadd.s32 $0xFFFFE003, lr  }
0x1b: {  	s9 =	sadd.s32 $0xFFFFFEF7, lr;
	s5 =	simm.s32 $0xFFFFFFFF;
	p2 =	slt.u32 s8, $0xFFFFF086  }
0x1c: {  	p1 =	slt.u32 s9, $0xF7A;
	s5 =	simm.s32 @!p2 $0x0  }
0x1d: {  	s5 =	simm.s32 @p1 $0x1;
	p0 =	seq.s32 s7, s2  }
0x1e: {  	s7 =	smul.u32 @!p0 $0xF7A, s2;
	p2 =	seq.s32 @!p0 s5, $0x0  }
0x1f: {  	s9 =	smul.u32 $0xF7A, s1;
	s8 =	simm.s32 @!p0 $0x1BF5;
	p2 =	por !p2, p0  }
0x20: {  	[sflag:s8] =	ssyncset.s32 @!p0 $0xFFFFF086;
	s6 =	sadd.s32 @!p0 s3, s7;
	s7 =	simm.s32 @!p0 $0x108  }
0x21: {  	s3 =	sadd.s32 s3, s9;
	s6 =	sadd.s32 @!p0 $0x88, s6;
	s7 =	simm.s32 @p2 $0x1082  }
0x22: {  	[simem:s7], [sflag:s8] =	dma.local @!p0 [hbm:s6], $0xF7A  }
0x23: {  	s9 =	sor.u32 $0xD0000000, s2;
	s6 =	simm.s32 $0x108;
	_ =	swait.ge @!p0 [sflag:s8], $0x0  }
0x24: {  	s3 =	sadd.s32 $0x88, s3;
	s6 =	simm.s32 @!p1 $0x1082;
	[sflag:s4] =	ssyncset.s32 $0xFFFFF086  }
0x25: {  	[simem:s6], [sflag:s4] =	dma.local [hbm:s3], $0xF7A  }
0x26: {  	[smem:$0x3F9D] =	sst s1;
	(tag) =	ssettag s2;
	_ =	strace s9  }
0x27: {  	s1 =	sld [smem:$0x3FAD]  }
0x28: {  	s2 =	sld [smem:$0x3FAE]  }
0x29: {  	s4 =	sld [smem:$0x3FB0]  }
0x2a: {  	p0 =	seq.s32 s5, $0x0;
	s5 =	sld [smem:$0x3FB1]  }
0x2b: {  	s6 =	sld [smem:$0x3FB2]  }
0x2c: {  	s7 =	sld [smem:$0x3FB3]  }
0x2d: {  	s3 =	simm.s32 $0x108;
	s8 =	sld [smem:$0x3FB4]  }
0x2e: {  	s3 =	simm.s32 @!p0 $0x1082;
	s9 =	sld [smem:$0x3FB5]  }
0x2f: {  	lr =	sadd.s32 s0, s3;
	s0 =	sld [smem:$0x3FAC]  }
0x30: {  	s3 =	sld [smem:$0x3FAF]  }
0x31: {  	[smem:$0x3FB8] =	sst s10  }
0x32: {  	s10 =	sld [smem:$0x3FB6];
	_ =	sdelay $0x3  }
0x33: {  	p0 =	seq.s32 s10, $0x1;
	s10 =	sld [smem:$0x3FB8];
	_ =	sdelay $0x3  }
0x34: {  	[smem:$0x3FB8] =	sst s10  }
0x35: {  	s10 =	sld [smem:$0x3FB7];
	_ =	sdelay $0x3  }
0x36: {  	p1 =	seq.s32 s10, $0x1;
	s10 =	sld [smem:$0x3FB8];
	_ =	sdelay $0x3  }
0x37: {  	[smem:$0x3FB8] =	sst s10  }
0x38: {  	s10 =	sld [smem:$0x3FB9]  }
0x39: {  	_ = 	snop;
	(pc) =	sbr.ind lr, $3  }
0x3a: {  	_ = 	snop  }
0x3b: {  	_ = 	snop  }
0x3c: {  	p2 =	seq.s32 s10, $0x1;
	s10 =	sld [smem:$0x3FB8]  }
0x3d: {  	_ =	shalt  }
0x3e: {  	_ =	shalt  }
0x3f: {  	_ =	shalt  }
0x40: {  	_ =	shalt  }
0x41: {  	_ =	shalt  }
0x42: {  	_ =	shalt  }
0x43: {  	_ =	shalt  }
0x44: {  	_ =	shalt  }
0x45: {  	_ =	shalt  }
0x46: {  	_ =	shalt  }
0x47: {  	_ =	shalt  }
0x48: {  	_ =	shalt  }
0x49: {  	_ =	shalt  }
0x4a: {  	_ =	shalt  }
0x4b: {  	_ =	shalt  }
0x4c: {  	_ =	shalt  }
0x4d: {  	_ =	shalt  }
0x4e: {  	_ =	shalt  }
0x4f: {  	_ =	shalt  }
0x50: {  	_ =	shalt  }
0x51: {  	_ =	shalt  }
0x52: {  	_ =	shalt  }
0x53: {  	_ =	shalt  }
0x54: {  	_ =	shalt  }
0x55: {  	_ =	shalt  }
0x56: {  	_ =	shalt  }
0x57: {  	_ =	shalt  }
0x58: {  	_ =	shalt  }
0x59: {  	_ =	shalt  }
0x5a: {  	_ =	shalt  }
0x5b: {  	_ =	shalt  }
0x5c: {  	_ =	shalt  }
0x5d: {  	_ =	shalt  }
0x5e: {  	_ =	shalt  }
0x5f: {  	_ =	shalt  }
0x60: {  	_ =	shalt  }
0x61: {  	_ =	shalt  }
0x62: {  	_ =	shalt  }
0x63: {  	_ =	shalt  }
0x64: {  	_ =	shalt  }
0x65: {  	_ =	shalt  }
0x66: {  	_ =	shalt  }
0x67: {  	_ =	shalt  }
0x68: {  	_ =	shalt  }
0x69: {  	_ =	shalt  }
0x6a: {  	_ =	shalt  }
0x6b: {  	_ =	shalt  }
0x6c: {  	_ =	shalt  }
0x6d: {  	_ =	shalt  }
0x6e: {  	_ =	shalt  }
0x6f: {  	_ =	shalt  }
0x70: {  	_ =	shalt  }
0x71: {  	_ =	shalt  }
0x72: {  	_ =	shalt  }
0x73: {  	_ =	shalt  }
0x74: {  	_ =	shalt  }
0x75: {  	_ =	shalt  }
0x76: {  	_ =	shalt  }
0x77: {  	_ =	shalt  }
0x78: {  	_ =	shalt  }
0x79: {  	_ =	shalt  }
0x7a: {  	_ =	shalt  }
0x7b: {  	_ =	shalt  }
0x7c: {  	_ =	shalt  }
0x7d: {  	_ =	shalt  }
0x7e: {  	_ =	shalt  }
0x7f: {  	_ =	shalt  }
0x80: {  	_ =	shalt  }
0x81: {  	_ =	shalt  }
0x82: {  	_ =	shalt  }
0x83: {  	_ =	shalt  }
0x84: {  	_ =	shalt  }
0x85: {  	_ =	shalt  }
0x86: {  	_ =	shalt  }
0x87: {  	_ =	shalt  }
.Lfunc_end0:
.L_simem_size_0:
called_computation_lowered:
.L_overlay_start_0:
0x88: {  	s2 =	sld [smem:$0x3FD9]  }
0x89: {  	s3 =	sld [smem:$0x3FFE];
	_ =	sdelay $0x1  }
0x8a: {  	s1 =	srdreg.scid  }
0x8b: {  	s0 =	sand.u32 $0x1, s1  }
0x8c: {  	s14 =	sshll.u32 s0, $0xA;
	s2 =	sadd.s32 s3, s2  }
0x8d: {  	s2 =	sadd.s32 s2, s14  }
0x8e: {  	[smem:$0x3FC4] =	sst s2  }
0x8f: {  	_ = 	snop  }
0x90: {  	s2 =	sld [smem:$0x3FD0];
	_ =	sdelay $0x2  }
0x91: {  	s4 =	simm.s32 $0xD;
	s5 =	simm.s32 $0x10;
	s15 =	sld [smem:$0x3FC8]  }
0x92: {  	[smem:s5], [sflag:s4] =	dma.local [hbm:s2], $0x1  }
0x93: {  	_ =	swait.eq [sflag:s4], $0x1  }
0x94: {  	[sflag:s4] =	ssyncset.done $0x0  }
0x95: {  	[sflag:s4] =	ssyncadd.s32 $0xFFFFFFFF  }
0x96: {  	s16 =	sld [smem:$0x10];
	(tm) =	ssettm $0x1  }
0x97: {  	s17 =	sld [smem:$0x3FFB];
	_ =	sdelay $0x3  }
0x98: {  	_ =	strace s17  }
0x99: {  	s4 =	sld [smem:$0x3FFC];
	_ =	sdelay $0x3  }
0x9a: {  	_ =	strace s4  }
0x9b: {  	s4 =	sld [smem:$0x3FFD];
	_ =	sdelay $0x3  }
0x9c: {  	_ =	strace s4  }
0x9d: {  	_ =	strace $0x8FFFFFFF  }
0x9e: {  	s18 =	sld [smem:$0x3FDB];
	_ =	sdelay $0x1  }
0x9f: {  	s19 =	simm.s32 $_scs_section_size  }
0xa0: {  	s6 =	simm.s32 $_size__tile_overlayer_lowered;
	s7 =	simm.s32 $_tile_overlayer_lowered  }
0xa1: {  	s22 =	simm.s32 $0x1BFF;
	s21 =	sshll.u32 s7, $0x1;
	s4 =	sadd.s32 s19, s18  }
0xa2: {  	s8 =	simm.s32 $0x0;
	s20 =	sshll.u32 s6, $0x1;
	s6 =	sadd.s32 s21, s4  }
0xa3: {  	[timem:s8], [sflag:s22] =	dma.local [hbm:s6], s20  }
0xa4: {  	_ =	swait.ge [sflag:s22], s20  }
0xa5: {  	s5 =	ssub.s32 $0x0, s20;
	[sflag:s22] =	ssyncset.done $0x0  }
0xa6: {  	[sflag:s22] =	ssyncadd.s32 s5;
	_ =	sdelay $0x1  }
0xa7: {  	s23 =	simm.s32 $0x1B8B  }
0xa8: {  	_ =	swait.ge [sflag:s23], $0x1  }
0xa9: {  	[sflag:s23] =	ssyncset.done $0x0  }
0xaa: {  	s25 =	simm.s32 $0x1B8E;
	s24 =	sld [smem:$0x3FFE];
	[sflag:s23] =	ssyncadd.s32 $0xFFFFFFFF  }
0xab: {  	s26 =	simm.s32 $execute0_lowered;
	[smem:$0x3FD2] =	sst s25  }
0xac: {  	s6 =	sshll.u32 s26, $0x1;
	_ =	strace $0x80000046;
	[dreg:$0x1] =	wrdreg $0xFFFFFFFF  }
0xad: {  	s28 =	simm.s32 $_size_execute0_lowered;
	s4 =	sadd.s32 s4, s6;
	[dreg:$0x0] =	wrdreg $0x0  }
0xae: {  	s6 =	sshll.u32 s28, $0x1;
	[dreg:$0x2] =	wrdreg s4  }
0xaf: {  	[dreg:$0x3] =	wrdreg s6  }
0xb0: {  	[dreg:$0x4] =	wrdreg $0xC0  }
0xb1: {  	_ =	task [dreg:s8], $0x5FFFF  }
0xb2: {  	[dreg:$0x1] =	wrdreg $0xFFFFFFFF  }
0xb3: {  	[dreg:$0x0] =	wrdreg $0x60  }
0xb4: {  	[dreg:$0x2] =	wrdreg s15  }
0xb5: {  	[dreg:$0x3] =	wrdreg s24  }
0xb6: {  	[dreg:$0x4] =	wrdreg s16  }
0xb7: {  	[dreg:$0x5] =	wrdreg $0x9  }
0xb8: {  	_ =	task.clear_ibuf [dreg:s8], $0x6FFFF;
	_ =	strace $0x90000046  }
0xb9: {  	s29 =	simm.s32 $0x9;
	_ =	strace $0x80000048  }
0xba: {  	_ =	swait.ge [sflag:s29], $0x1  }
0xbb: {  	[sflag:s29] =	ssyncadd.s32 $0xFFFFFFFF  }
0xbc: {  	_ =	strace $0x90000048  }
0xbd: {  	_ =	sfence  }
0xbe: {  	s30 =	sld [smem:$0x0];
	_ =	sdelay $0x2  }
0xbf: {  	s31 =	sshll.u32 s1, $0xD;
	s1 =	sshrl.u32 s1, $0x2  }
0xc0: {  	s3 =	sand.u32 $0x4000, s31;
	s1 =	sadd.s32 s1, s30  }
0xc1: {  	s0 =	sor.u32 s3, s0;
	s1 =	sshll.u32 s1, $0x11  }
0xc2: {  	s0 =	sor.u32 s1, s0  }
0xc3: {  	s0 =	sadd.s32 $0x8F2B, s0  }
0xc4: {  	[sflag:s0] =	ssyncadd.remote.s32 $0x1  }
0xc5: {  	_ =	sfence.sel $0xFFFF  }
0xc6: {  	[dreg:$0x0] =	wrdreg $0xFFFFFFFF;
	(pc) =	sbr.abs _section_cstart, $3  }
0xc7: {  	[dreg:$0x1] =	wrdreg $0xFFFFFFFF  }
0xc8: {  	_ =	task.clear_ibuf [dreg:s8], $0x2FFFF;
	_ =	strace $0x9FFFFFFF  }
0xc9: {  	(tm) =	ssettm $0x7FFFFFFF  }
tec
execute0_lowered:
.L_overlay_start_1:
0x0: {  	(tag) =	ssettag $0x1  }
0x1: {  	s1 =	rddreg [dreg:$0x0];
	s2 =	srdreg.scid  }
0x2: {  	s0 =	stileid.u32;
	s4 =	rddreg [dreg:$0x1]  }
0x3: {  	s5 =	rddreg [dreg:$0x2];
	s16 =	simm.s32 $0x880;
	s17 =	simm.s32 $0x1080  }
0x4: {  	s18 =	simm.s32 $0x1880;
	s19 =	simm.s32 $0x2080;
	s21 =	simm.s32 $0x2880  }
0x5: {  	s22 =	simm.s32 $0x3080;
	s2 =	sand.u32 $0x1, s2;
	s3 =	sshll.u32 s0, $0x1  }
0x6: {  	s23 =	simm.s32 $0x3880;
	s6 =	sor.u32 s2, s3;
	s3 =	simm.s32 $0x0  }
0x7: {  	s24 =	simm.s32 $0x4080;
	s8 =	simm.s32 $0x4880;
	[smem:$0x7FF] =	sst s3  }
0x8: {  	s25 =	simm.s32 $0x5080;
	_ =	strace $0x80000047;
	[dreg:$0x6] =	wrdreg s16  }
0x9: {  	s26 =	simm.s32 $0x5880;
	s9 =	simm.s32 $0x80;
	[dreg:$0x7] =	wrdreg s17  }
0xa: {  	s11 =	simm.s32 $0x6880;
	s12 =	simm.s32 $0x7080;
	[dreg:$0x8] =	wrdreg s18  }
0xb: {  	s13 =	simm.s32 $0x7880;
	s14 =	simm.s32 $0x8080;
	[dreg:$0x9] =	wrdreg s19  }
0xc: {  	s28 =	simm.s32 $0xE880;
	s29 =	simm.s32 $0xF080;
	[dreg:$0xa] =	wrdreg s21  }
0xd: {  	s30 =	simm.s32 $0xF880;
	s31 =	simm.s32 $0x1;
	[dreg:$0xb] =	wrdreg s22  }
0xe: {  	s2 =	ssub.s32 $0x2, s2;
	s7 =	sshll.u32 s6, $0x4;
	[dreg:$0xc] =	wrdreg s23  }
0xf: {  	s6 =	sshll.u32 s6, $0xD;
	s20 =	sshrl.u32 s2, $0x1;
	[dreg:$0xd] =	wrdreg s24  }
0x10: {  	s4 =	sadd.s32 s7, s4;
	s15 =	sadd.s32 s5, s6;
	[dreg:$0xe] =	wrdreg s8  }
0x11: {  	s2 =	ssub.s32 s2, s20;
	s5 =	sadd.s32 $0x200, s1;
	[dreg:$0xf] =	wrdreg s25  }
0x12: {  	s6 =	sadd.s32 $0x300, s1;
	s8 =	simm.s32 $0x3;
	[dreg:$0x10] =	wrdreg s26  }
0x13: {  	s16 =	simm.s32 $0x9080;
	s17 =	simm.s32 $0x9880;
	s18 =	simm.s32 $0xA080  }
0x14: {  	s19 =	simm.s32 $0xA880;
	s20 =	simm.s32 $0xB080;
	s21 =	simm.s32 $0xB880  }
0x15: {  	s22 =	simm.s32 $0xC080;
	s23 =	simm.s32 $0xC880;
	s24 =	simm.s32 $0xD080  }
0x16: {  	v2 =	vlaneseq.u32;
	s25 =	simm.s32 $0xD880;
	s26 =	simm.s32 $0xE080;
	s4 =	sadd.s32 $0x1000, s4  }
0x17: {  	vm0 =	vmmov $0xffff;
	v1 =	vshrl.u32 v2, $0x3;
	[dreg:$0x5] =	wrdreg s15;
	s7 =	smax.u32 s2, $0x1;
	s15 =	simm.s32 $0x8880  }
0x18: {  	v0 =	vand.u32 $0x7, v2;
	v2 =	vor.u32 $0x8, v2;
	v1 =	vmul.u32 $0x8, v1;
	s2 =	simm.s32 $0x2;
	[dreg:$0x4] =	wrdreg s4;
	s4 =	sadd.s32 $0x100, s1  }
.LBB2_1:
0x19: {  	s0 =	rddreg [dreg:$0x4]  }
0x1a: {  	[tilespmem:s3], [sflag:$0x3] =	stream.linear.gather [hbm4b:s0+s3], $0x80, $0x38;
	[tilespmem:$0x10080] =	vst v63  }
0x1b: {  	_ =	swait.ge [sflag:s8], $0x80  }
0x1c: {  	[sflag:s8] =	ssyncset.done $0x0  }
0x1d: {  	[sflag:s8] =	ssyncadd.s32 $0xFFFFFF80  }
0x1e: {  	v3 =	vld [tilespmem:$0x0];
	_ =	sdelay $0x4  }
0x1f: {  	v4 =	vshll.u32 v3, $0x3  }
0x20: {  	v3 =	vand.u32 $0x7, v3;
	v4 =	vand.u32 $0xFFFFFFC0, v4  }
0x21: {  	v3 =	vor.u32 v3, v4  }
0x22: {  	v4 =	vperm.xlane v3, v0;
	_ =	sdelay $0x1  }
0x23: {  	v4 =	vadd.s32 v1, v4;
	_ =	sdelay $0x4  }
0x24: {  	[tilespmem:s9], [sflag:$0x1] =	stream.indirect_vreg.gather [hbm4b:s1+s3], $0x80, v4, vm0, $0xb8;
	[tilespmem:$0x10080] =	vst v63  }
0x25: {  	s0 =	rddreg [dreg:$0x6];
	v3 =	vperm.xlane v3, v2  }
0x26: {  	[tilespmem:s0], [sflag:$0x1] =	stream.indirect_vreg.gather [hbm4b:s4+s3], $0x80, v4, vm0, $0xb8;
	[tilespmem:$0x10080] =	vst v63  }
0x27: {  	s10 =	rddreg [dreg:$0x7];
	v3 =	vadd.s32 v1, v3  }
0x28: {  	[tilespmem:s10], [sflag:$0x1] =	stream.indirect_vreg.gather [hbm4b:s5+s3], $0x80, v4, vm0, $0xb8;
	[tilespmem:$0x10080] =	vst v63  }
0x29: {  	s0 =	rddreg [dreg:$0x8]  }
0x2a: {  	[tilespmem:s0], [sflag:$0x1] =	stream.indirect_vreg.gather [hbm4b:s6+s3], $0x80, v4, vm0, $0xb8;
	[tilespmem:$0x10080] =	vst v63  }
0x2b: {  	s10 =	rddreg [dreg:$0x9]  }
0x2c: {  	[tilespmem:s10], [sflag:$0x1] =	stream.indirect_vreg.gather [hbm4b:s1+s3], $0x80, v3, vm0, $0xb8;
	[tilespmem:$0x10080] =	vst v63  }
0x2d: {  	s0 =	rddreg [dreg:$0xa]  }
0x2e: {  	[tilespmem:s0], [sflag:$0x1] =	stream.indirect_vreg.gather [hbm4b:s4+s3], $0x80, v3, vm0, $0xb8;
	[tilespmem:$0x10080] =	vst v63  }
0x2f: {  	s10 =	rddreg [dreg:$0xb]  }
0x30: {  	[tilespmem:s10], [sflag:$0x1] =	stream.indirect_vreg.gather [hbm4b:s5+s3], $0x80, v3, vm0, $0xb8;
	[tilespmem:$0x10080] =	vst v63  }
0x31: {  	s0 =	rddreg [dreg:$0xc]  }
0x32: {  	[tilespmem:s0], [sflag:$0x1] =	stream.indirect_vreg.gather [hbm4b:s6+s3], $0x80, v3, vm0, $0xb8;
	[tilespmem:$0x10080] =	vst v63  }
0x33: {  	v3 =	vld [tilespmem:$0x10];
	_ =	sdelay $0x4  }
0x34: {  	v61 =	vshll.u32 v3, $0x3  }
0x35: {  	v3 =	vand.u32 $0x7, v3;
	v4 =	vand.u32 $0xFFFFFFC0, v61  }
0x36: {  	v3 =	vor.u32 v3, v4  }
0x37: {  	v4 =	vperm.xlane v3, v0;
	_ =	sdelay $0x1  }
0x38: {  	v4 =	vadd.s32 v1, v4;
	_ =	sdelay $0x3  }
0x39: {  	s0 =	rddreg [dreg:$0xd]  }
0x3a: {  	[tilespmem:s0], [sflag:$0x1] =	stream.indirect_vreg.gather [hbm4b:s1+s3], $0x80, v4, vm0, $0xb8;
	[tilespmem:$0x10080] =	vst v63  }
0x3b: {  	s10 =	rddreg [dreg:$0xe];
	v3 =	vperm.xlane v3, v2  }
0x3c: {  	[tilespmem:s10], [sflag:$0x1] =	stream.indirect_vreg.gather [hbm4b:s4+s3], $0x80, v4, vm0, $0xb8;
	[tilespmem:$0x10080] =	vst v63  }
0x3d: {  	v3 =	vadd.s32 v1, v3;
	s0 =	rddreg [dreg:$0xf]  }
0x3e: {  	[tilespmem:s0], [sflag:$0x1] =	stream.indirect_vreg.gather [hbm4b:s5+s3], $0x80, v4, vm0, $0xb8;
	[tilespmem:$0x10080] =	vst v63  }
0x3f: {  	s10 =	rddreg [dreg:$0x10]  }
0x40: {  	[tilespmem:s10], [sflag:$0x1] =	stream.indirect_vreg.gather [hbm4b:s6+s3], $0x80, v4, vm0, $0xb8;
	[tilespmem:$0x10080] =	vst v63  }
0x41: {  	s10 =	simm.s32 $0x6080  }
0x42: {  	[tilespmem:s10], [sflag:$0x1] =	stream.indirect_vreg.gather [hbm4b:s1+s3], $0x80, v3, vm0, $0xb8;
	[tilespmem:$0x10080] =	vst v63  }
0x43: {  	_ = 	snop  }
0x44: {  	[tilespmem:s11], [sflag:$0x1] =	stream.indirect_vreg.gather [hbm4b:s4+s3], $0x80, v3, vm0, $0xb8;
	[tilespmem:$0x10080] =	vst v63  }
0x45: {  	_ = 	snop  }
0x46: {  	[tilespmem:s12], [sflag:$0x1] =	stream.indirect_vreg.gather [hbm4b:s5+s3], $0x80, v3, vm0, $0xb8;
	[tilespmem:$0x10080] =	vst v63  }
0x47: {  	_ = 	snop  }
0x48: {  	[tilespmem:s13], [sflag:$0x1] =	stream.indirect_vreg.gather [hbm4b:s6+s3], $0x80, v3, vm0, $0xb8;
	[tilespmem:$0x10080] =	vst v63  }
0x49: {  	v3 =	vld [tilespmem:$0x20];
	_ =	sdelay $0x4  }
0x4a: {  	v62 =	vshll.u32 v3, $0x3  }
0x4b: {  	v3 =	vand.u32 $0x7, v3;
	v4 =	vand.u32 $0xFFFFFFC0, v62  }
0x4c: {  	v3 =	vor.u32 v3, v4  }
0x4d: {  	v4 =	vperm.xlane v3, v0;
	_ =	sdelay $0x1  }
0x4e: {  	v4 =	vadd.s32 v1, v4;
	_ =	sdelay $0x4  }
0x4f: {  	[tilespmem:s14], [sflag:$0x1] =	stream.indirect_vreg.gather [hbm4b:s1+s3], $0x80, v4, vm0, $0xb8;
	[tilespmem:$0x10080] =	vst v63  }
0x50: {  	v3 =	vperm.xlane v3, v2  }
0x51: {  	[tilespmem:s15], [sflag:$0x1] =	stream.indirect_vreg.gather [hbm4b:s4+s3], $0x80, v4, vm0, $0xb8;
	[tilespmem:$0x10080] =	vst v63  }
0x52: {  	v3 =	vadd.s32 v1, v3  }
0x53: {  	[tilespmem:s16], [sflag:$0x1] =	stream.indirect_vreg.gather [hbm4b:s5+s3], $0x80, v4, vm0, $0xb8;
	[tilespmem:$0x10080] =	vst v63  }
0x54: {  	_ = 	snop  }
0x55: {  	[tilespmem:s17], [sflag:$0x1] =	stream.indirect_vreg.gather [hbm4b:s6+s3], $0x80, v4, vm0, $0xb8;
	[tilespmem:$0x10080] =	vst v63  }
0x56: {  	_ = 	snop  }
0x57: {  	[tilespmem:s18], [sflag:$0x1] =	stream.indirect_vreg.gather [hbm4b:s1+s3], $0x80, v3, vm0, $0xb8;
	[tilespmem:$0x10080] =	vst v63  }
0x58: {  	_ = 	snop  }
0x59: {  	[tilespmem:s19], [sflag:$0x1] =	stream.indirect_vreg.gather [hbm4b:s4+s3], $0x80, v3, vm0, $0xb8;
	[tilespmem:$0x10080] =	vst v63  }
0x5a: {  	_ = 	snop  }
0x5b: {  	[tilespmem:s20], [sflag:$0x1] =	stream.indirect_vreg.gather [hbm4b:s5+s3], $0x80, v3, vm0, $0xb8;
	[tilespmem:$0x10080] =	vst v63  }
0x5c: {  	_ = 	snop  }
0x5d: {  	[tilespmem:s21], [sflag:$0x1] =	stream.indirect_vreg.gather [hbm4b:s6+s3], $0x80, v3, vm0, $0xb8;
	[tilespmem:$0x10080] =	vst v63  }
0x5e: {  	v3 =	vld [tilespmem:$0x30];
	_ =	sdelay $0x4  }
0x5f: {  	v63 =	vshll.u32 v3, $0x3  }
0x60: {  	v3 =	vand.u32 $0x7, v3;
	v4 =	vand.u32 $0xFFFFFFC0, v63  }
0x61: {  	v3 =	vor.u32 v3, v4  }
0x62: {  	v4 =	vperm.xlane v3, v0;
	_ =	sdelay $0x1  }
0x63: {  	v4 =	vadd.s32 v1, v4;
	_ =	sdelay $0x4  }
0x64: {  	[tilespmem:s22], [sflag:$0x1] =	stream.indirect_vreg.gather [hbm4b:s1+s3], $0x80, v4, vm0, $0xb8;
	[tilespmem:$0x10080] =	vst v63  }
0x65: {  	v3 =	vperm.xlane v3, v2  }
0x66: {  	[tilespmem:s23], [sflag:$0x1] =	stream.indirect_vreg.gather [hbm4b:s4+s3], $0x80, v4, vm0, $0xb8;
	[tilespmem:$0x10080] =	vst v63  }
0x67: {  	v3 =	vadd.s32 v1, v3  }
0x68: {  	[tilespmem:s24], [sflag:$0x1] =	stream.indirect_vreg.gather [hbm4b:s5+s3], $0x80, v4, vm0, $0xb8;
	[tilespmem:$0x10080] =	vst v63  }
0x69: {  	_ = 	snop  }
0x6a: {  	[tilespmem:s25], [sflag:$0x1] =	stream.indirect_vreg.gather [hbm4b:s6+s3], $0x80, v4, vm0, $0xb8;
	[tilespmem:$0x10080] =	vst v63  }
0x6b: {  	_ = 	snop  }
0x6c: {  	[tilespmem:s26], [sflag:$0x1] =	stream.indirect_vreg.gather [hbm4b:s1+s3], $0x80, v3, vm0, $0xb8;
	[tilespmem:$0x10080] =	vst v63  }
0x6d: {  	_ = 	snop  }
0x6e: {  	[tilespmem:s28], [sflag:$0x1] =	stream.indirect_vreg.gather [hbm4b:s4+s3], $0x80, v3, vm0, $0xb8;
	[tilespmem:$0x10080] =	vst v63  }
0x6f: {  	_ = 	snop  }
0x70: {  	[tilespmem:s29], [sflag:$0x1] =	stream.indirect_vreg.gather [hbm4b:s5+s3], $0x80, v3, vm0, $0xb8;
	[tilespmem:$0x10080] =	vst v63  }
0x71: {  	_ = 	snop  }
0x72: {  	[tilespmem:s30], [sflag:$0x1] =	stream.indirect_vreg.gather [hbm4b:s6+s3], $0x80, v3, vm0, $0xb8;
	[tilespmem:$0x10080] =	vst v63  }
0x73: {  	_ =	swait.ge [sflag:s31], $0x10000  }
0x74: {  	p0 =	sne.s32 s7, $0x1;
	[sflag:s31] =	ssyncset.done $0x0  }
.Ltmp0:
0x75: {  	s10 =	rddreg [dreg:$0x5];
	[sflag:s31] =	ssyncadd.s32 $0xFFFF0000;
	(pc) =	sbr.rel @p0 .LBB2_1-.Ltmp0, $4  }
0x76: {  	[hbm4b:s10+s3] =	stream.linear.scatter [tilespmem:s9], [sflag:$0x2], $0x10000, $0x38;
	[tilespmem:$0x10080] =	vst v63  }
0x77: {  	_ =	swait.ge [sflag:s2], $0x10000  }
0x78: {  	[sflag:s2] =	ssyncset.done $0x0  }
0x79: {  	s7 =	sadd.s32 $0xFFFFFFFF, s7;
	[sflag:s2] =	ssyncadd.s32 $0xFFFF0000  }
0x7a: {  	_ =	sfence.sel $0x180000  }
0x7b: {  	[bflag:$0x0] =	sbarrier.arrive $0xFFFF  }
0x7c: {  	_ =	strace $0x90000047  }
0x7d: {  	s0 =	stileid.u32;
	[bflag:$0x2] =	sbarrier.arrive $0xFFFF  }
0x7e: {  	p0 =	sne.s32 s0, $0x0;
	s0 =	rddreg [dreg:$0x3]  }
0x7f: {  	s0 =	sadd.s32 @!p0 $0x100000, s0  }
0x80: {  	[sflag:s0] =	ssyncadd.tile.s32 @!p0 $0x1;
	_ =	shalt  }
.Lfunc_end2:
_tile_overlayer_lowered:
.L_overlay_start_2:
0x81: {  	(tag) =	ssettag $0x2  }
0x82: {  	s0 =	rddreg [dreg:$0x0];
	s2 =	stileid.u32  }
0x83: {  	s1 =	rddreg [dreg:$0x1];
	p0 =	sne.s32 s2, $0x0  }
0x84: {  	s3 =	rddreg [dreg:$0x2];
	[bflag:$0x3] =	sbarrier.arrive $0xFFFF;
	s2 =	simm.s32 @!p0 $0x1C03  }
0x85: {  	[timem:s3], [sflag:s2] =	dma.local @!p0 [hbm:s0], s1  }
0x86: {  	s0 =	simm.s32 @!p0 $0x3  }
0x87: {  	_ =	swait.ge @!p0 [sflag:s0], s1  }
0x88: {  	s1 =	ssub.s32 @!p0 $0x0, s1;
	[sflag:s0] =	ssyncset.done @!p0 $0x0  }
0x89: {  	[sflag:s0] =	ssyncadd.s32 @!p0 s1  }
0x8a: {  	[bflag:$0x3] =	sbarrier.arrive $0xFFFF  }
0x8b: {  	_ =	shalt  }

// kernel: kernel.14.cloned.1.call-start
scs
__scs_entry_jumppad:
0x0: {  	(pc) =	sbr.rel $0x88, $3  }
0x1: {  	(tag) =	ssettag $0x0;
	lr =	simm.s32 $0x1  }
0x2: {  	[smem:$0x3F9D] =	sst lr;
	_ =	strace $0xD0000000  }
0x3: {  	_ = 	snop  }
0x4: {  	_ = 	snop  }
0x5: {  	_ = 	snop  }
0x6: {  	_ = 	snop  }
0x7: {  	_ = 	snop  }
__scs_overlays_trampoline_lowered:
0x8: {  	[smem:$0x3FAC] =	sst s0  }
0x9: {  	[smem:$0x3FAD] =	sst s1  }
0xa: {  	[smem:$0x3FAE] =	sst s2  }
0xb: {  	[smem:$0x3FAF] =	sst s3  }
0xc: {  	[smem:$0x3FB0] =	sst s4  }
0xd: {  	[smem:$0x3FB1] =	sst s5  }
0xe: {  	[smem:$0x3FB2] =	sst s6  }
0xf: {  	[smem:$0x3FB3] =	sst s7  }
0x10: {  	[smem:$0x3FB4] =	sst s8  }
0x11: {  	[smem:$0x3FB5] =	sst s9;
	s0 =	simm.s32 @!p0 $0x0  }
0x12: {  	s1 =	sld [smem:$0x3F9B];
	s0 =	simm.s32 @p0 $0x1  }
0x13: {  	[smem:$0x3FB6] =	sst s0;
	s0 =	simm.s32 @!p1 $0x0  }
0x14: {  	s2 =	sld [smem:$0x3F9A];
	s0 =	simm.s32 @p1 $0x1  }
0x15: {  	[smem:$0x3FB7] =	sst s0;
	s0 =	simm.s32 @!p2 $0x0  }
0x16: {  	s3 =	sld [smem:$0x3FDB];
	s0 =	simm.s32 @p2 $0x1  }
0x17: {  	s4 =	simm.s32 $0x1BF5;
	[smem:$0x3FB9] =	sst s0  }
0x18: {  	s0 =	sld [smem:$0x3F9C];
	_ =	swait.ge [sflag:s4], $0x0  }
0x19: {  	s7 =	sld [smem:$0x3F9D]  }
0x1a: {  	s8 =	sadd.s32 $0xFFFFE003, lr  }
0x1b: {  	s9 =	sadd.s32 $0xFFFFFEF7, lr;
	s5 =	simm.s32 $0xFFFFFFFF;
	p2 =	slt.u32 s8, $0xFFFFF086  }
0x1c: {  	p1 =	slt.u32 s9, $0xF7A;
	s5 =	simm.s32 @!p2 $0x0  }
0x1d: {  	s5 =	simm.s32 @p1 $0x1;
	p0 =	seq.s32 s7, s2  }
0x1e: {  	s7 =	smul.u32 @!p0 $0xF7A, s2;
	p2 =	seq.s32 @!p0 s5, $0x0  }
0x1f: {  	s9 =	smul.u32 $0xF7A, s1;
	s8 =	simm.s32 @!p0 $0x1BF5;
	p2 =	por !p2, p0  }
0x20: {  	[sflag:s8] =	ssyncset.s32 @!p0 $0xFFFFF086;
	s6 =	sadd.s32 @!p0 s3, s7;
	s7 =	simm.s32 @!p0 $0x108  }
0x21: {  	s3 =	sadd.s32 s3, s9;
	s6 =	sadd.s32 @!p0 $0x88, s6;
	s7 =	simm.s32 @p2 $0x1082  }
0x22: {  	[simem:s7], [sflag:s8] =	dma.local @!p0 [hbm:s6], $0xF7A  }
0x23: {  	s9 =	sor.u32 $0xD0000000, s2;
	s6 =	simm.s32 $0x108;
	_ =	swait.ge @!p0 [sflag:s8], $0x0  }
0x24: {  	s3 =	sadd.s32 $0x88, s3;
	s6 =	simm.s32 @!p1 $0x1082;
	[sflag:s4] =	ssyncset.s32 $0xFFFFF086  }
0x25: {  	[simem:s6], [sflag:s4] =	dma.local [hbm:s3], $0xF7A  }
0x26: {  	[smem:$0x3F9D] =	sst s1;
	(tag) =	ssettag s2;
	_ =	strace s9  }
0x27: {  	s1 =	sld [smem:$0x3FAD]  }
0x28: {  	s2 =	sld [smem:$0x3FAE]  }
0x29: {  	s4 =	sld [smem:$0x3FB0]  }
0x2a: {  	p0 =	seq.s32 s5, $0x0;
	s5 =	sld [smem:$0x3FB1]  }
0x2b: {  	s6 =	sld [smem:$0x3FB2]  }
0x2c: {  	s7 =	sld [smem:$0x3FB3]  }
0x2d: {  	s3 =	simm.s32 $0x108;
	s8 =	sld [smem:$0x3FB4]  }
0x2e: {  	s3 =	simm.s32 @!p0 $0x1082;
	s9 =	sld [smem:$0x3FB5]  }
0x2f: {  	lr =	sadd.s32 s0, s3;
	s0 =	sld [smem:$0x3FAC]  }
0x30: {  	s3 =	sld [smem:$0x3FAF]  }
0x31: {  	[smem:$0x3FB8] =	sst s10  }
0x32: {  	s10 =	sld [smem:$0x3FB6];
	_ =	sdelay $0x3  }
0x33: {  	p0 =	seq.s32 s10, $0x1;
	s10 =	sld [smem:$0x3FB8];
	_ =	sdelay $0x3  }
0x34: {  	[smem:$0x3FB8] =	sst s10  }
0x35: {  	s10 =	sld [smem:$0x3FB7];
	_ =	sdelay $0x3  }
0x36: {  	p1 =	seq.s32 s10, $0x1;
	s10 =	sld [smem:$0x3FB8];
	_ =	sdelay $0x3  }
0x37: {  	[smem:$0x3FB8] =	sst s10  }
0x38: {  	s10 =	sld [smem:$0x3FB9]  }
0x39: {  	_ = 	snop;
	(pc) =	sbr.ind lr, $3  }
0x3a: {  	_ = 	snop  }
0x3b: {  	_ = 	snop  }
0x3c: {  	p2 =	seq.s32 s10, $0x1;
	s10 =	sld [smem:$0x3FB8]  }
0x3d: {  	_ =	shalt  }
0x3e: {  	_ =	shalt  }
0x3f: {  	_ =	shalt  }
0x40: {  	_ =	shalt  }
0x41: {  	_ =	shalt  }
0x42: {  	_ =	shalt  }
0x43: {  	_ =	shalt  }
0x44: {  	_ =	shalt  }
0x45: {  	_ =	shalt  }
0x46: {  	_ =	shalt  }
0x47: {  	_ =	shalt  }
0x48: {  	_ =	shalt  }
0x49: {  	_ =	shalt  }
0x4a: {  	_ =	shalt  }
0x4b: {  	_ =	shalt  }
0x4c: {  	_ =	shalt  }
0x4d: {  	_ =	shalt  }
0x4e: {  	_ =	shalt  }
0x4f: {  	_ =	shalt  }
0x50: {  	_ =	shalt  }
0x51: {  	_ =	shalt  }
0x52: {  	_ =	shalt  }
0x53: {  	_ =	shalt  }
0x54: {  	_ =	shalt  }
0x55: {  	_ =	shalt  }
0x56: {  	_ =	shalt  }
0x57: {  	_ =	shalt  }
0x58: {  	_ =	shalt  }
0x59: {  	_ =	shalt  }
0x5a: {  	_ =	shalt  }
0x5b: {  	_ =	shalt  }
0x5c: {  	_ =	shalt  }
0x5d: {  	_ =	shalt  }
0x5e: {  	_ =	shalt  }
0x5f: {  	_ =	shalt  }
0x60: {  	_ =	shalt  }
0x61: {  	_ =	shalt  }
0x62: {  	_ =	shalt  }
0x63: {  	_ =	shalt  }
0x64: {  	_ =	shalt  }
0x65: {  	_ =	shalt  }
0x66: {  	_ =	shalt  }
0x67: {  	_ =	shalt  }
0x68: {  	_ =	shalt  }
0x69: {  	_ =	shalt  }
0x6a: {  	_ =	shalt  }
0x6b: {  	_ =	shalt  }
0x6c: {  	_ =	shalt  }
0x6d: {  	_ =	shalt  }
0x6e: {  	_ =	shalt  }
0x6f: {  	_ =	shalt  }
0x70: {  	_ =	shalt  }
0x71: {  	_ =	shalt  }
0x72: {  	_ =	shalt  }
0x73: {  	_ =	shalt  }
0x74: {  	_ =	shalt  }
0x75: {  	_ =	shalt  }
0x76: {  	_ =	shalt  }
0x77: {  	_ =	shalt  }
0x78: {  	_ =	shalt  }
0x79: {  	_ =	shalt  }
0x7a: {  	_ =	shalt  }
0x7b: {  	_ =	shalt  }
0x7c: {  	_ =	shalt  }
0x7d: {  	_ =	shalt  }
0x7e: {  	_ =	shalt  }
0x7f: {  	_ =	shalt  }
0x80: {  	_ =	shalt  }
0x81: {  	_ =	shalt  }
0x82: {  	_ =	shalt  }
0x83: {  	_ =	shalt  }
0x84: {  	_ =	shalt  }
0x85: {  	_ =	shalt  }
0x86: {  	_ =	shalt  }
0x87: {  	_ =	shalt  }
.Lfunc_end0:
.L_simem_size_0:
called_computation.1_lowered:
.L_overlay_start_0:
0x88: {  	s2 =	sld [smem:$0x3FD9]  }
0x89: {  	s3 =	sld [smem:$0x3FFE];
	_ =	sdelay $0x1  }
0x8a: {  	s1 =	srdreg.scid  }
0x8b: {  	s0 =	sand.u32 $0x1, s1  }
0x8c: {  	s17 =	sshll.u32 s0, $0xA;
	s2 =	sadd.s32 s3, s2  }
0x8d: {  	s2 =	sadd.s32 s2, s17  }
0x8e: {  	[smem:$0x3FC4] =	sst s2  }
0x8f: {  	_ = 	snop  }
0x90: {  	s18 =	sld [smem:$0x3FC8];
	(tm) =	ssettm $0x1  }
0x91: {  	s19 =	sld [smem:$0x3FFB];
	_ =	sdelay $0x3  }
0x92: {  	_ =	strace s19  }
0x93: {  	s2 =	sld [smem:$0x3FFC];
	_ =	sdelay $0x3  }
0x94: {  	_ =	strace s2  }
0x95: {  	s2 =	sld [smem:$0x3FFD];
	_ =	sdelay $0x3  }
0x96: {  	_ =	strace s2  }
0x97: {  	_ =	strace $0x8FFFFFFF  }
0x98: {  	s20 =	sld [smem:$0x3FDB];
	_ =	sdelay $0x1  }
0x99: {  	s4 =	simm.s32 $_scs_section_size  }
0x9a: {  	s5 =	simm.s32 $_size__tile_overlayer_lowered;
	s6 =	simm.s32 $_tile_overlayer_lowered  }
0x9b: {  	s7 =	simm.s32 $0x1BFF;
	s21 =	sshll.u32 s6, $0x1;
	s4 =	sadd.s32 s4, s20  }
0x9c: {  	s22 =	simm.s32 $0x0;
	s5 =	sshll.u32 s5, $0x1;
	s6 =	sadd.s32 s21, s4  }
0x9d: {  	[timem:s22], [sflag:s7] =	dma.local [hbm:s6], s5  }
0x9e: {  	_ =	swait.ge [sflag:s7], s5  }
0x9f: {  	s5 =	ssub.s32 $0x0, s5;
	[sflag:s7] =	ssyncset.done $0x0  }
0xa0: {  	[sflag:s7] =	ssyncadd.s32 s5;
	_ =	sdelay $0x1  }
0xa1: {  	s23 =	simm.s32 $0x1B8B  }
0xa2: {  	_ =	swait.ge [sflag:s23], $0x1  }
0xa3: {  	[sflag:s23] =	ssyncset.done $0x0  }
0xa4: {  	[sflag:s23] =	ssyncadd.s32 $0xFFFFFFFF  }
0xa5: {  	s5 =	sld [smem:$0x0]  }
0xa6: {  	s6 =	sand.u32 $0xFFFFFFFE, s1  }
0xa7: {  	p0 =	sne.s32 s1, s6  }
0xa8: {  	s6 =	sshll.u32 @p0 s6, $0xE  }
0xa9: {  	s6 =	sadd.s32 @p0 $0x11B8D, s6;
	s7 =	sshll.u32 @p0 s5, $0x11  }
0xaa: {  	s6 =	sor.u32 @p0 s7, s6  }
0xab: {  	[sflag:s6] =	ssyncadd.remote.s32 @p0 $0x1;
	_ =	sdelay $0x1  }
0xac: {  	s6 =	simm.s32 @p0 $0x1B8D  }
0xad: {  	_ =	swait.eq @p0 [sflag:s6], $0x1  }
0xae: {  	[sflag:s6] =	ssyncadd.s32 @p0 $0xFFFFFFFF  }
0xaf: {  	s7 =	sshll.u32 @!p0 s1, $0xE  }
0xb0: {  	s7 =	sor.u32 @!p0 $0x4000, s7;
	s6 =	simm.s32 @!p0 $0x1B8D  }
0xb1: {  	s5 =	sshll.u32 @!p0 s5, $0x11;
	s7 =	sadd.s32 @!p0 $0x11B8D, s7;
	_ =	swait.eq @!p0 [sflag:s6], $0x1  }
0xb2: {  	s5 =	sor.u32 @!p0 s5, s7;
	[sflag:s6] =	ssyncadd.s32 @!p0 $0xFFFFFFFF  }
0xb3: {  	s25 =	simm.s32 $0x1B8E;
	s24 =	sld [smem:$0x3FFE];
	[sflag:s5] =	ssyncadd.remote.s32 @!p0 $0x1  }
0xb4: {  	s26 =	simm.s32 $execute0_lowered;
	[smem:$0x3FD2] =	sst s25  }
0xb5: {  	s6 =	sshll.u32 s26, $0x1;
	_ =	strace $0x80000049;
	[dreg:$0x1] =	wrdreg $0xFFFFFFFF  }
0xb6: {  	s28 =	simm.s32 $_size_execute0_lowered;
	s4 =	sadd.s32 s4, s6;
	[dreg:$0x0] =	wrdreg $0x0  }
0xb7: {  	s6 =	sshll.u32 s28, $0x1;
	[dreg:$0x2] =	wrdreg s4  }
0xb8: {  	[dreg:$0x3] =	wrdreg s6  }
0xb9: {  	[dreg:$0x4] =	wrdreg $0xC0  }
0xba: {  	_ =	task [dreg:s22], $0x5FFFF  }
0xbb: {  	[dreg:$0x1] =	wrdreg $0xFFFFFFFF  }
0xbc: {  	[dreg:$0x0] =	wrdreg $0x60  }
0xbd: {  	[dreg:$0x2] =	wrdreg s18  }
0xbe: {  	[dreg:$0x3] =	wrdreg s24  }
0xbf: {  	[dreg:$0x4] =	wrdreg $0xA  }
0xc0: {  	_ =	task.clear_ibuf [dreg:s22], $0x5FFFF;
	_ =	strace $0x90000049  }
0xc1: {  	s29 =	simm.s32 $0xA;
	_ =	strace $0x8000004B  }
0xc2: {  	_ =	swait.ge [sflag:s29], $0x1  }
0xc3: {  	[sflag:s29] =	ssyncadd.s32 $0xFFFFFFFF  }
0xc4: {  	_ =	strace $0x9000004B  }
0xc5: {  	_ =	sfence  }
0xc6: {  	s30 =	sld [smem:$0x0];
	_ =	sdelay $0x2  }
0xc7: {  	s31 =	sshll.u32 s1, $0xD;
	s1 =	sshrl.u32 s1, $0x2  }
0xc8: {  	s4 =	sand.u32 $0x4000, s31;
	s1 =	sadd.s32 s1, s30  }
0xc9: {  	s0 =	sor.u32 s4, s0;
	s1 =	sshll.u32 s1, $0x11  }
0xca: {  	s0 =	sor.u32 s1, s0  }
0xcb: {  	s0 =	sadd.s32 $0x8F2B, s0  }
0xcc: {  	[sflag:s0] =	ssyncadd.remote.s32 $0x1  }
0xcd: {  	_ =	sfence.sel $0xFFFF  }
0xce: {  	[dreg:$0x0] =	wrdreg $0xFFFFFFFF;
	(pc) =	sbr.abs _section_cstart, $3  }
0xcf: {  	[dreg:$0x1] =	wrdreg $0xFFFFFFFF  }
0xd0: {  	_ =	task.clear_ibuf [dreg:s22], $0x2FFFF;
	_ =	strace $0x9FFFFFFF  }
0xd1: {  	(tm) =	ssettm $0x7FFFFFFF  }
tec
execute0_lowered:
.L_overlay_start_1:
0x0: {  	(tag) =	ssettag $0x1  }
0x1: {  	s1 =	srdreg.scid;
	s2 =	rddreg [dreg:$0x0]  }
0x2: {  	s0 =	stileid.u32;
	s4 =	rddreg [dreg:$0x1]  }
0x3: {  	s17 =	simm.s32 $0x880;
	s18 =	simm.s32 $0x1080;
	s19 =	simm.s32 $0x1880  }
0x4: {  	s20 =	simm.s32 $0x2080;
	s22 =	simm.s32 $0x2880;
	s23 =	simm.s32 $0x3080  }
0x5: {  	s24 =	simm.s32 $0x3880;
	s1 =	sand.u32 $0x1, s1;
	s3 =	sshll.u32 s0, $0x1  }
0x6: {  	s7 =	simm.s32 $0x4080;
	s5 =	sor.u32 s1, s3;
	s3 =	simm.s32 $0x0  }
0x7: {  	s8 =	simm.s32 $0x4880;
	s25 =	simm.s32 $0x5080;
	[smem:$0x7FF] =	sst s3  }
0x8: {  	s26 =	simm.s32 $0x5880;
	_ =	strace $0x8000004A;
	[dreg:$0x5] =	wrdreg s17  }
0x9: {  	s9 =	simm.s32 $0x80;
	s11 =	simm.s32 $0x6880;
	[dreg:$0x6] =	wrdreg s18  }
0xa: {  	s12 =	simm.s32 $0x7080;
	s13 =	simm.s32 $0x7880;
	[dreg:$0x7] =	wrdreg s19  }
0xb: {  	s14 =	simm.s32 $0x8080;
	s15 =	simm.s32 $0x8880;
	[dreg:$0x8] =	wrdreg s20  }
0xc: {  	s28 =	simm.s32 $0xE880;
	s29 =	simm.s32 $0xF080;
	[dreg:$0x9] =	wrdreg s22  }
0xd: {  	s30 =	simm.s32 $0xF880;
	s31 =	simm.s32 $0x1;
	[dreg:$0xa] =	wrdreg s23  }
0xe: {  	s1 =	ssub.s32 $0x2, s1;
	s6 =	sshll.u32 s5, $0x4;
	[dreg:$0xb] =	wrdreg s24  }
0xf: {  	s5 =	sshll.u32 s5, $0xD;
	s21 =	sshrl.u32 s1, $0x1;
	[dreg:$0xc] =	wrdreg s7  }
0x10: {  	s6 =	sadd.s32 s6, s4;
	s4 =	sadd.s32 s5, s4;
	[dreg:$0xd] =	wrdreg s8  }
0x11: {  	s1 =	ssub.s32 s1, s21;
	s5 =	sadd.s32 $0x200, s2;
	[dreg:$0xe] =	wrdreg s25  }
0x12: {  	s8 =	simm.s32 $0x3;
	[dreg:$0xf] =	wrdreg s26;
	s17 =	simm.s32 $0x9880  }
0x13: {  	s18 =	simm.s32 $0xA080;
	s19 =	simm.s32 $0xA880;
	s20 =	simm.s32 $0xB080  }
0x14: {  	s21 =	simm.s32 $0xB880;
	s22 =	simm.s32 $0xC080;
	s23 =	simm.s32 $0xC880  }
0x15: {  	s24 =	simm.s32 $0xD080;
	s25 =	simm.s32 $0xD880;
	s26 =	simm.s32 $0xE080  }
0x16: {  	v2 =	vlaneseq.u32;
	s16 =	sadd.s32 $0x1200, s6;
	s4 =	sadd.s32 $0x1400, s4;
	s6 =	sadd.s32 $0x300, s2  }
0x17: {  	vm0 =	vmmov $0xffff;
	v1 =	vshrl.u32 v2, $0x3;
	s7 =	smax.u32 s1, $0x1;
	s1 =	simm.s32 $0x2;
	[dreg:$0x3] =	wrdreg s16  }
0x18: {  	v0 =	vand.u32 $0x7, v2;
	v2 =	vor.u32 $0x8, v2;
	v1 =	vmul.u32 $0x8, v1;
	[dreg:$0x4] =	wrdreg s4;
	s4 =	sadd.s32 $0x100, s2;
	s16 =	simm.s32 $0x9080  }
.LBB2_1:
0x19: {  	s0 =	rddreg [dreg:$0x3]  }
0x1a: {  	[tilespmem:s3], [sflag:$0x3] =	stream.linear.gather [hbm4b:s0+s3], $0x80, $0x38;
	[tilespmem:$0x10080] =	vst v63  }
0x1b: {  	_ =	swait.ge [sflag:s8], $0x80  }
0x1c: {  	[sflag:s8] =	ssyncset.done $0x0  }
0x1d: {  	[sflag:s8] =	ssyncadd.s32 $0xFFFFFF80  }
0x1e: {  	v3 =	vld [tilespmem:$0x0];
	_ =	sdelay $0x4  }
0x1f: {  	v4 =	vshll.u32 v3, $0x3  }
0x20: {  	v3 =	vand.u32 $0x7, v3;
	v4 =	vand.u32 $0xFFFFFFC0, v4  }
0x21: {  	v3 =	vor.u32 v3, v4  }
0x22: {  	v4 =	vperm.xlane v3, v0;
	_ =	sdelay $0x1  }
0x23: {  	v4 =	vadd.s32 v1, v4;
	_ =	sdelay $0x4  }
0x24: {  	[tilespmem:s9], [sflag:$0x1] =	stream.indirect_vreg.gather [hbm4b:s2+s3], $0x80, v4, vm0, $0xb8;
	[tilespmem:$0x10080] =	vst v63  }
0x25: {  	s0 =	rddreg [dreg:$0x5];
	v3 =	vperm.xlane v3, v2  }
0x26: {  	[tilespmem:s0], [sflag:$0x1] =	stream.indirect_vreg.gather [hbm4b:s4+s3], $0x80, v4, vm0, $0xb8;
	[tilespmem:$0x10080] =	vst v63  }
0x27: {  	s10 =	rddreg [dreg:$0x6];
	v3 =	vadd.s32 v1, v3  }
0x28: {  	[tilespmem:s10], [sflag:$0x1] =	stream.indirect_vreg.gather [hbm4b:s5+s3], $0x80, v4, vm0, $0xb8;
	[tilespmem:$0x10080] =	vst v63  }
0x29: {  	s0 =	rddreg [dreg:$0x7]  }
0x2a: {  	[tilespmem:s0], [sflag:$0x1] =	stream.indirect_vreg.gather [hbm4b:s6+s3], $0x80, v4, vm0, $0xb8;
	[tilespmem:$0x10080] =	vst v63  }
0x2b: {  	s10 =	rddreg [dreg:$0x8]  }
0x2c: {  	[tilespmem:s10], [sflag:$0x1] =	stream.indirect_vreg.gather [hbm4b:s2+s3], $0x80, v3, vm0, $0xb8;
	[tilespmem:$0x10080] =	vst v63  }
0x2d: {  	s0 =	rddreg [dreg:$0x9]  }
0x2e: {  	[tilespmem:s0], [sflag:$0x1] =	stream.indirect_vreg.gather [hbm4b:s4+s3], $0x80, v3, vm0, $0xb8;
	[tilespmem:$0x10080] =	vst v63  }
0x2f: {  	s10 =	rddreg [dreg:$0xa]  }
0x30: {  	[tilespmem:s10], [sflag:$0x1] =	stream.indirect_vreg.gather [hbm4b:s5+s3], $0x80, v3, vm0, $0xb8;
	[tilespmem:$0x10080] =	vst v63  }
0x31: {  	s0 =	rddreg [dreg:$0xb]  }
0x32: {  	[tilespmem:s0], [sflag:$0x1] =	stream.indirect_vreg.gather [hbm4b:s6+s3], $0x80, v3, vm0, $0xb8;
	[tilespmem:$0x10080] =	vst v63  }
0x33: {  	v3 =	vld [tilespmem:$0x10];
	_ =	sdelay $0x4  }
0x34: {  	v61 =	vshll.u32 v3, $0x3  }
0x35: {  	v3 =	vand.u32 $0x7, v3;
	v4 =	vand.u32 $0xFFFFFFC0, v61  }
0x36: {  	v3 =	vor.u32 v3, v4  }
0x37: {  	v4 =	vperm.xlane v3, v0;
	_ =	sdelay $0x1  }
0x38: {  	v4 =	vadd.s32 v1, v4;
	_ =	sdelay $0x3  }
0x39: {  	s0 =	rddreg [dreg:$0xc]  }
0x3a: {  	[tilespmem:s0], [sflag:$0x1] =	stream.indirect_vreg.gather [hbm4b:s2+s3], $0x80, v4, vm0, $0xb8;
	[tilespmem:$0x10080] =	vst v63  }
0x3b: {  	s10 =	rddreg [dreg:$0xd];
	v3 =	vperm.xlane v3, v2  }
0x3c: {  	[tilespmem:s10], [sflag:$0x1] =	stream.indirect_vreg.gather [hbm4b:s4+s3], $0x80, v4, vm0, $0xb8;
	[tilespmem:$0x10080] =	vst v63  }
0x3d: {  	v3 =	vadd.s32 v1, v3;
	s0 =	rddreg [dreg:$0xe]  }
0x3e: {  	[tilespmem:s0], [sflag:$0x1] =	stream.indirect_vreg.gather [hbm4b:s5+s3], $0x80, v4, vm0, $0xb8;
	[tilespmem:$0x10080] =	vst v63  }
0x3f: {  	s10 =	rddreg [dreg:$0xf]  }
0x40: {  	[tilespmem:s10], [sflag:$0x1] =	stream.indirect_vreg.gather [hbm4b:s6+s3], $0x80, v4, vm0, $0xb8;
	[tilespmem:$0x10080] =	vst v63  }
0x41: {  	s10 =	simm.s32 $0x6080  }
0x42: {  	[tilespmem:s10], [sflag:$0x1] =	stream.indirect_vreg.gather [hbm4b:s2+s3], $0x80, v3, vm0, $0xb8;
	[tilespmem:$0x10080] =	vst v63  }
0x43: {  	_ = 	snop  }
0x44: {  	[tilespmem:s11], [sflag:$0x1] =	stream.indirect_vreg.gather [hbm4b:s4+s3], $0x80, v3, vm0, $0xb8;
	[tilespmem:$0x10080] =	vst v63  }
0x45: {  	_ = 	snop  }
0x46: {  	[tilespmem:s12], [sflag:$0x1] =	stream.indirect_vreg.gather [hbm4b:s5+s3], $0x80, v3, vm0, $0xb8;
	[tilespmem:$0x10080] =	vst v63  }
0x47: {  	_ = 	snop  }
0x48: {  	[tilespmem:s13], [sflag:$0x1] =	stream.indirect_vreg.gather [hbm4b:s6+s3], $0x80, v3, vm0, $0xb8;
	[tilespmem:$0x10080] =	vst v63  }
0x49: {  	v3 =	vld [tilespmem:$0x20];
	_ =	sdelay $0x4  }
0x4a: {  	v62 =	vshll.u32 v3, $0x3  }
0x4b: {  	v3 =	vand.u32 $0x7, v3;
	v4 =	vand.u32 $0xFFFFFFC0, v62  }
0x4c: {  	v3 =	vor.u32 v3, v4  }
0x4d: {  	v4 =	vperm.xlane v3, v0;
	_ =	sdelay $0x1  }
0x4e: {  	v4 =	vadd.s32 v1, v4;
	_ =	sdelay $0x4  }
0x4f: {  	[tilespmem:s14], [sflag:$0x1] =	stream.indirect_vreg.gather [hbm4b:s2+s3], $0x80, v4, vm0, $0xb8;
	[tilespmem:$0x10080] =	vst v63  }
0x50: {  	v3 =	vperm.xlane v3, v2  }
0x51: {  	[tilespmem:s15], [sflag:$0x1] =	stream.indirect_vreg.gather [hbm4b:s4+s3], $0x80, v4, vm0, $0xb8;
	[tilespmem:$0x10080] =	vst v63  }
0x52: {  	v3 =	vadd.s32 v1, v3  }
0x53: {  	[tilespmem:s16], [sflag:$0x1] =	stream.indirect_vreg.gather [hbm4b:s5+s3], $0x80, v4, vm0, $0xb8;
	[tilespmem:$0x10080] =	vst v63  }
0x54: {  	_ = 	snop  }
0x55: {  	[tilespmem:s17], [sflag:$0x1] =	stream.indirect_vreg.gather [hbm4b:s6+s3], $0x80, v4, vm0, $0xb8;
	[tilespmem:$0x10080] =	vst v63  }
0x56: {  	_ = 	snop  }
0x57: {  	[tilespmem:s18], [sflag:$0x1] =	stream.indirect_vreg.gather [hbm4b:s2+s3], $0x80, v3, vm0, $0xb8;
	[tilespmem:$0x10080] =	vst v63  }
0x58: {  	_ = 	snop  }
0x59: {  	[tilespmem:s19], [sflag:$0x1] =	stream.indirect_vreg.gather [hbm4b:s4+s3], $0x80, v3, vm0, $0xb8;
	[tilespmem:$0x10080] =	vst v63  }
0x5a: {  	_ = 	snop  }
0x5b: {  	[tilespmem:s20], [sflag:$0x1] =	stream.indirect_vreg.gather [hbm4b:s5+s3], $0x80, v3, vm0, $0xb8;
	[tilespmem:$0x10080] =	vst v63  }
0x5c: {  	_ = 	snop  }
0x5d: {  	[tilespmem:s21], [sflag:$0x1] =	stream.indirect_vreg.gather [hbm4b:s6+s3], $0x80, v3, vm0, $0xb8;
	[tilespmem:$0x10080] =	vst v63  }
0x5e: {  	v3 =	vld [tilespmem:$0x30];
	_ =	sdelay $0x4  }
0x5f: {  	v63 =	vshll.u32 v3, $0x3  }
0x60: {  	v3 =	vand.u32 $0x7, v3;
	v4 =	vand.u32 $0xFFFFFFC0, v63  }
0x61: {  	v3 =	vor.u32 v3, v4  }
0x62: {  	v4 =	vperm.xlane v3, v0;
	_ =	sdelay $0x1  }
0x63: {  	v4 =	vadd.s32 v1, v4;
	_ =	sdelay $0x4  }
0x64: {  	[tilespmem:s22], [sflag:$0x1] =	stream.indirect_vreg.gather [hbm4b:s2+s3], $0x80, v4, vm0, $0xb8;
	[tilespmem:$0x10080] =	vst v63  }
0x65: {  	v3 =	vperm.xlane v3, v2  }
0x66: {  	[tilespmem:s23], [sflag:$0x1] =	stream.indirect_vreg.gather [hbm4b:s4+s3], $0x80, v4, vm0, $0xb8;
	[tilespmem:$0x10080] =	vst v63  }
0x67: {  	v3 =	vadd.s32 v1, v3  }
0x68: {  	[tilespmem:s24], [sflag:$0x1] =	stream.indirect_vreg.gather [hbm4b:s5+s3], $0x80, v4, vm0, $0xb8;
	[tilespmem:$0x10080] =	vst v63  }
0x69: {  	_ = 	snop  }
0x6a: {  	[tilespmem:s25], [sflag:$0x1] =	stream.indirect_vreg.gather [hbm4b:s6+s3], $0x80, v4, vm0, $0xb8;
	[tilespmem:$0x10080] =	vst v63  }
0x6b: {  	_ = 	snop  }
0x6c: {  	[tilespmem:s26], [sflag:$0x1] =	stream.indirect_vreg.gather [hbm4b:s2+s3], $0x80, v3, vm0, $0xb8;
	[tilespmem:$0x10080] =	vst v63  }
0x6d: {  	_ = 	snop  }
0x6e: {  	[tilespmem:s28], [sflag:$0x1] =	stream.indirect_vreg.gather [hbm4b:s4+s3], $0x80, v3, vm0, $0xb8;
	[tilespmem:$0x10080] =	vst v63  }
0x6f: {  	_ = 	snop  }
0x70: {  	[tilespmem:s29], [sflag:$0x1] =	stream.indirect_vreg.gather [hbm4b:s5+s3], $0x80, v3, vm0, $0xb8;
	[tilespmem:$0x10080] =	vst v63  }
0x71: {  	_ = 	snop  }
0x72: {  	[tilespmem:s30], [sflag:$0x1] =	stream.indirect_vreg.gather [hbm4b:s6+s3], $0x80, v3, vm0, $0xb8;
	[tilespmem:$0x10080] =	vst v63  }
0x73: {  	_ =	swait.ge [sflag:s31], $0x10000  }
0x74: {  	p0 =	sne.s32 s7, $0x1;
	[sflag:s31] =	ssyncset.done $0x0  }
.Ltmp0:
0x75: {  	s10 =	rddreg [dreg:$0x4];
	[sflag:s31] =	ssyncadd.s32 $0xFFFF0000;
	(pc) =	sbr.rel @p0 .LBB2_1-.Ltmp0, $4  }
0x76: {  	[hbm4b:s10+s3] =	stream.linear.scatter [tilespmem:s9], [sflag:$0x2], $0x10000, $0x38;
	[tilespmem:$0x10080] =	vst v63  }
0x77: {  	_ =	swait.ge [sflag:s1], $0x10000  }
0x78: {  	[sflag:s1] =	ssyncset.done $0x0  }
0x79: {  	s7 =	sadd.s32 $0xFFFFFFFF, s7;
	[sflag:s1] =	ssyncadd.s32 $0xFFFF0000  }
0x7a: {  	_ =	sfence.sel $0x180000  }
0x7b: {  	[bflag:$0x0] =	sbarrier.arrive $0xFFFF  }
0x7c: {  	_ =	strace $0x9000004A  }
0x7d: {  	s0 =	stileid.u32;
	[bflag:$0x2] =	sbarrier.arrive $0xFFFF  }
0x7e: {  	p0 =	sne.s32 s0, $0x0;
	s0 =	rddreg [dreg:$0x2]  }
0x7f: {  	s0 =	sadd.s32 @!p0 $0x100000, s0  }
0x80: {  	[sflag:s0] =	ssyncadd.tile.s32 @!p0 $0x1;
	_ =	shalt  }
.Lfunc_end2:
_tile_overlayer_lowered:
.L_overlay_start_2:
0x81: {  	(tag) =	ssettag $0x2  }
0x82: {  	s0 =	rddreg [dreg:$0x0];
	s2 =	stileid.u32  }
0x83: {  	s1 =	rddreg [dreg:$0x1];
	p0 =	sne.s32 s2, $0x0  }
0x84: {  	s3 =	rddreg [dreg:$0x2];
	[bflag:$0x3] =	sbarrier.arrive $0xFFFF;
	s2 =	simm.s32 @!p0 $0x1C03  }
0x85: {  	[timem:s3], [sflag:s2] =	dma.local @!p0 [hbm:s0], s1  }
0x86: {  	s0 =	simm.s32 @!p0 $0x3  }
0x87: {  	_ =	swait.ge @!p0 [sflag:s0], s1  }
0x88: {  	s1 =	ssub.s32 @!p0 $0x0, s1;
	[sflag:s0] =	ssyncset.done @!p0 $0x0  }
0x89: {  	[sflag:s0] =	ssyncadd.s32 @!p0 s1  }
0x8a: {  	[bflag:$0x3] =	sbarrier.arrive $0xFFFF  }
0x8b: {  	_ =	shalt  }

// kernel: kernel.17.cloned.1.call-start
scs
__scs_entry_jumppad:
0x0: {  	(pc) =	sbr.rel $0x88, $3  }
0x1: {  	(tag) =	ssettag $0x0;
	lr =	simm.s32 $0x1  }
0x2: {  	[smem:$0x3F9D] =	sst lr;
	_ =	strace $0xD0000000  }
0x3: {  	_ = 	snop  }
0x4: {  	_ = 	snop  }
0x5: {  	_ = 	snop  }
0x6: {  	_ = 	snop  }
0x7: {  	_ = 	snop  }
__scs_overlays_trampoline_lowered:
0x8: {  	[smem:$0x3FAC] =	sst s0  }
0x9: {  	[smem:$0x3FAD] =	sst s1  }
0xa: {  	[smem:$0x3FAE] =	sst s2  }
0xb: {  	[smem:$0x3FAF] =	sst s3  }
0xc: {  	[smem:$0x3FB0] =	sst s4  }
0xd: {  	[smem:$0x3FB1] =	sst s5  }
0xe: {  	[smem:$0x3FB2] =	sst s6  }
0xf: {  	[smem:$0x3FB3] =	sst s7  }
0x10: {  	[smem:$0x3FB4] =	sst s8  }
0x11: {  	[smem:$0x3FB5] =	sst s9;
	s0 =	simm.s32 @!p0 $0x0  }
0x12: {  	s1 =	sld [smem:$0x3F9B];
	s0 =	simm.s32 @p0 $0x1  }
0x13: {  	[smem:$0x3FB6] =	sst s0;
	s0 =	simm.s32 @!p1 $0x0  }
0x14: {  	s2 =	sld [smem:$0x3F9A];
	s0 =	simm.s32 @p1 $0x1  }
0x15: {  	[smem:$0x3FB7] =	sst s0;
	s0 =	simm.s32 @!p2 $0x0  }
0x16: {  	s3 =	sld [smem:$0x3FDB];
	s0 =	simm.s32 @p2 $0x1  }
0x17: {  	s4 =	simm.s32 $0x1BF5;
	[smem:$0x3FB9] =	sst s0  }
0x18: {  	s0 =	sld [smem:$0x3F9C];
	_ =	swait.ge [sflag:s4], $0x0  }
0x19: {  	s7 =	sld [smem:$0x3F9D]  }
0x1a: {  	s8 =	sadd.s32 $0xFFFFE003, lr  }
0x1b: {  	s9 =	sadd.s32 $0xFFFFFEF7, lr;
	s5 =	simm.s32 $0xFFFFFFFF;
	p2 =	slt.u32 s8, $0xFFFFF086  }
0x1c: {  	p1 =	slt.u32 s9, $0xF7A;
	s5 =	simm.s32 @!p2 $0x0  }
0x1d: {  	s5 =	simm.s32 @p1 $0x1;
	p0 =	seq.s32 s7, s2  }
0x1e: {  	s7 =	smul.u32 @!p0 $0xF7A, s2;
	p2 =	seq.s32 @!p0 s5, $0x0  }
0x1f: {  	s9 =	smul.u32 $0xF7A, s1;
	s8 =	simm.s32 @!p0 $0x1BF5;
	p2 =	por !p2, p0  }
0x20: {  	[sflag:s8] =	ssyncset.s32 @!p0 $0xFFFFF086;
	s6 =	sadd.s32 @!p0 s3, s7;
	s7 =	simm.s32 @!p0 $0x108  }
0x21: {  	s3 =	sadd.s32 s3, s9;
	s6 =	sadd.s32 @!p0 $0x88, s6;
	s7 =	simm.s32 @p2 $0x1082  }
0x22: {  	[simem:s7], [sflag:s8] =	dma.local @!p0 [hbm:s6], $0xF7A  }
0x23: {  	s9 =	sor.u32 $0xD0000000, s2;
	s6 =	simm.s32 $0x108;
	_ =	swait.ge @!p0 [sflag:s8], $0x0  }
0x24: {  	s3 =	sadd.s32 $0x88, s3;
	s6 =	simm.s32 @!p1 $0x1082;
	[sflag:s4] =	ssyncset.s32 $0xFFFFF086  }
0x25: {  	[simem:s6], [sflag:s4] =	dma.local [hbm:s3], $0xF7A  }
0x26: {  	[smem:$0x3F9D] =	sst s1;
	(tag) =	ssettag s2;
	_ =	strace s9  }
0x27: {  	s1 =	sld [smem:$0x3FAD]  }
0x28: {  	s2 =	sld [smem:$0x3FAE]  }
0x29: {  	s4 =	sld [smem:$0x3FB0]  }
0x2a: {  	p0 =	seq.s32 s5, $0x0;
	s5 =	sld [smem:$0x3FB1]  }
0x2b: {  	s6 =	sld [smem:$0x3FB2]  }
0x2c: {  	s7 =	sld [smem:$0x3FB3]  }
0x2d: {  	s3 =	simm.s32 $0x108;
	s8 =	sld [smem:$0x3FB4]  }
0x2e: {  	s3 =	simm.s32 @!p0 $0x1082;
	s9 =	sld [smem:$0x3FB5]  }
0x2f: {  	lr =	sadd.s32 s0, s3;
	s0 =	sld [smem:$0x3FAC]  }
0x30: {  	s3 =	sld [smem:$0x3FAF]  }
0x31: {  	[smem:$0x3FB8] =	sst s10  }
0x32: {  	s10 =	sld [smem:$0x3FB6];
	_ =	sdelay $0x3  }
0x33: {  	p0 =	seq.s32 s10, $0x1;
	s10 =	sld [smem:$0x3FB8];
	_ =	sdelay $0x3  }
0x34: {  	[smem:$0x3FB8] =	sst s10  }
0x35: {  	s10 =	sld [smem:$0x3FB7];
	_ =	sdelay $0x3  }
0x36: {  	p1 =	seq.s32 s10, $0x1;
	s10 =	sld [smem:$0x3FB8];
	_ =	sdelay $0x3  }
0x37: {  	[smem:$0x3FB8] =	sst s10  }
0x38: {  	s10 =	sld [smem:$0x3FB9]  }
0x39: {  	_ = 	snop;
	(pc) =	sbr.ind lr, $3  }
0x3a: {  	_ = 	snop  }
0x3b: {  	_ = 	snop  }
0x3c: {  	p2 =	seq.s32 s10, $0x1;
	s10 =	sld [smem:$0x3FB8]  }
0x3d: {  	_ =	shalt  }
0x3e: {  	_ =	shalt  }
0x3f: {  	_ =	shalt  }
0x40: {  	_ =	shalt  }
0x41: {  	_ =	shalt  }
0x42: {  	_ =	shalt  }
0x43: {  	_ =	shalt  }
0x44: {  	_ =	shalt  }
0x45: {  	_ =	shalt  }
0x46: {  	_ =	shalt  }
0x47: {  	_ =	shalt  }
0x48: {  	_ =	shalt  }
0x49: {  	_ =	shalt  }
0x4a: {  	_ =	shalt  }
0x4b: {  	_ =	shalt  }
0x4c: {  	_ =	shalt  }
0x4d: {  	_ =	shalt  }
0x4e: {  	_ =	shalt  }
0x4f: {  	_ =	shalt  }
0x50: {  	_ =	shalt  }
0x51: {  	_ =	shalt  }
0x52: {  	_ =	shalt  }
0x53: {  	_ =	shalt  }
0x54: {  	_ =	shalt  }
0x55: {  	_ =	shalt  }
0x56: {  	_ =	shalt  }
0x57: {  	_ =	shalt  }
0x58: {  	_ =	shalt  }
0x59: {  	_ =	shalt  }
0x5a: {  	_ =	shalt  }
0x5b: {  	_ =	shalt  }
0x5c: {  	_ =	shalt  }
0x5d: {  	_ =	shalt  }
0x5e: {  	_ =	shalt  }
0x5f: {  	_ =	shalt  }
0x60: {  	_ =	shalt  }
0x61: {  	_ =	shalt  }
0x62: {  	_ =	shalt  }
0x63: {  	_ =	shalt  }
0x64: {  	_ =	shalt  }
0x65: {  	_ =	shalt  }
0x66: {  	_ =	shalt  }
0x67: {  	_ =	shalt  }
0x68: {  	_ =	shalt  }
0x69: {  	_ =	shalt  }
0x6a: {  	_ =	shalt  }
0x6b: {  	_ =	shalt  }
0x6c: {  	_ =	shalt  }
0x6d: {  	_ =	shalt  }
0x6e: {  	_ =	shalt  }
0x6f: {  	_ =	shalt  }
0x70: {  	_ =	shalt  }
0x71: {  	_ =	shalt  }
0x72: {  	_ =	shalt  }
0x73: {  	_ =	shalt  }
0x74: {  	_ =	shalt  }
0x75: {  	_ =	shalt  }
0x76: {  	_ =	shalt  }
0x77: {  	_ =	shalt  }
0x78: {  	_ =	shalt  }
0x79: {  	_ =	shalt  }
0x7a: {  	_ =	shalt  }
0x7b: {  	_ =	shalt  }
0x7c: {  	_ =	shalt  }
0x7d: {  	_ =	shalt  }
0x7e: {  	_ =	shalt  }
0x7f: {  	_ =	shalt  }
0x80: {  	_ =	shalt  }
0x81: {  	_ =	shalt  }
0x82: {  	_ =	shalt  }
0x83: {  	_ =	shalt  }
0x84: {  	_ =	shalt  }
0x85: {  	_ =	shalt  }
0x86: {  	_ =	shalt  }
0x87: {  	_ =	shalt  }
.Lfunc_end0:
.L_simem_size_0:
called_computation.2_lowered:
.L_overlay_start_0:
0x88: {  	s2 =	sld [smem:$0x3FD9]  }
0x89: {  	s3 =	sld [smem:$0x3FFE];
	_ =	sdelay $0x1  }
0x8a: {  	s1 =	srdreg.scid  }
0x8b: {  	s0 =	sand.u32 $0x1, s1  }
0x8c: {  	s17 =	sshll.u32 s0, $0xA;
	s2 =	sadd.s32 s3, s2  }
0x8d: {  	s2 =	sadd.s32 s2, s17  }
0x8e: {  	[smem:$0x3FC4] =	sst s2  }
0x8f: {  	_ = 	snop  }
0x90: {  	s18 =	sld [smem:$0x3FC8];
	(tm) =	ssettm $0x1  }
0x91: {  	s19 =	sld [smem:$0x3FFB];
	_ =	sdelay $0x3  }
0x92: {  	_ =	strace s19  }
0x93: {  	s2 =	sld [smem:$0x3FFC];
	_ =	sdelay $0x3  }
0x94: {  	_ =	strace s2  }
0x95: {  	s2 =	sld [smem:$0x3FFD];
	_ =	sdelay $0x3  }
0x96: {  	_ =	strace s2  }
0x97: {  	_ =	strace $0x8FFFFFFF  }
0x98: {  	s20 =	sld [smem:$0x3FDB];
	_ =	sdelay $0x1  }
0x99: {  	s4 =	simm.s32 $_scs_section_size  }
0x9a: {  	s5 =	simm.s32 $_size__tile_overlayer_lowered;
	s6 =	simm.s32 $_tile_overlayer_lowered  }
0x9b: {  	s7 =	simm.s32 $0x1BFF;
	s21 =	sshll.u32 s6, $0x1;
	s4 =	sadd.s32 s4, s20  }
0x9c: {  	s22 =	simm.s32 $0x0;
	s5 =	sshll.u32 s5, $0x1;
	s6 =	sadd.s32 s21, s4  }
0x9d: {  	[timem:s22], [sflag:s7] =	dma.local [hbm:s6], s5  }
0x9e: {  	_ =	swait.ge [sflag:s7], s5  }
0x9f: {  	s5 =	ssub.s32 $0x0, s5;
	[sflag:s7] =	ssyncset.done $0x0  }
0xa0: {  	[sflag:s7] =	ssyncadd.s32 s5;
	_ =	sdelay $0x1  }
0xa1: {  	s23 =	simm.s32 $0x1B8B  }
0xa2: {  	_ =	swait.ge [sflag:s23], $0x1  }
0xa3: {  	[sflag:s23] =	ssyncset.done $0x0  }
0xa4: {  	[sflag:s23] =	ssyncadd.s32 $0xFFFFFFFF  }
0xa5: {  	s5 =	sld [smem:$0x0]  }
0xa6: {  	s6 =	sand.u32 $0xFFFFFFFE, s1  }
0xa7: {  	p0 =	sne.s32 s1, s6  }
0xa8: {  	s6 =	sshll.u32 @p0 s6, $0xE  }
0xa9: {  	s6 =	sadd.s32 @p0 $0x11B8D, s6;
	s7 =	sshll.u32 @p0 s5, $0x11  }
0xaa: {  	s6 =	sor.u32 @p0 s7, s6  }
0xab: {  	[sflag:s6] =	ssyncadd.remote.s32 @p0 $0x1;
	_ =	sdelay $0x1  }
0xac: {  	s6 =	simm.s32 @p0 $0x1B8D  }
0xad: {  	_ =	swait.eq @p0 [sflag:s6], $0x1  }
0xae: {  	[sflag:s6] =	ssyncadd.s32 @p0 $0xFFFFFFFF  }
0xaf: {  	s7 =	sshll.u32 @!p0 s1, $0xE  }
0xb0: {  	s7 =	sor.u32 @!p0 $0x4000, s7;
	s6 =	simm.s32 @!p0 $0x1B8D  }
0xb1: {  	s5 =	sshll.u32 @!p0 s5, $0x11;
	s7 =	sadd.s32 @!p0 $0x11B8D, s7;
	_ =	swait.eq @!p0 [sflag:s6], $0x1  }
0xb2: {  	s5 =	sor.u32 @!p0 s5, s7;
	[sflag:s6] =	ssyncadd.s32 @!p0 $0xFFFFFFFF  }
0xb3: {  	s25 =	simm.s32 $0x1B8E;
	s24 =	sld [smem:$0x3FFE];
	[sflag:s5] =	ssyncadd.remote.s32 @!p0 $0x1  }
0xb4: {  	s26 =	simm.s32 $execute0_lowered;
	[smem:$0x3FD2] =	sst s25  }
0xb5: {  	s6 =	sshll.u32 s26, $0x1;
	_ =	strace $0x8000004C;
	[dreg:$0x1] =	wrdreg $0xFFFFFFFF  }
0xb6: {  	s28 =	simm.s32 $_size_execute0_lowered;
	s4 =	sadd.s32 s4, s6;
	[dreg:$0x0] =	wrdreg $0x0  }
0xb7: {  	s6 =	sshll.u32 s28, $0x1;
	[dreg:$0x2] =	wrdreg s4  }
0xb8: {  	[dreg:$0x3] =	wrdreg s6  }
0xb9: {  	[dreg:$0x4] =	wrdreg $0xC0  }
0xba: {  	_ =	task [dreg:s22], $0x5FFFF  }
0xbb: {  	[dreg:$0x1] =	wrdreg $0xFFFFFFFF  }
0xbc: {  	[dreg:$0x0] =	wrdreg $0x60  }
0xbd: {  	[dreg:$0x2] =	wrdreg s18  }
0xbe: {  	[dreg:$0x3] =	wrdreg s24  }
0xbf: {  	[dreg:$0x4] =	wrdreg $0xB  }
0xc0: {  	_ =	task.clear_ibuf [dreg:s22], $0x5FFFF;
	_ =	strace $0x9000004C  }
0xc1: {  	s29 =	simm.s32 $0xB;
	_ =	strace $0x8000004E  }
0xc2: {  	_ =	swait.ge [sflag:s29], $0x1  }
0xc3: {  	[sflag:s29] =	ssyncadd.s32 $0xFFFFFFFF  }
0xc4: {  	_ =	strace $0x9000004E  }
0xc5: {  	_ =	sfence  }
0xc6: {  	s30 =	sld [smem:$0x0];
	_ =	sdelay $0x2  }
0xc7: {  	s31 =	sshll.u32 s1, $0xD;
	s1 =	sshrl.u32 s1, $0x2  }
0xc8: {  	s4 =	sand.u32 $0x4000, s31;
	s1 =	sadd.s32 s1, s30  }
0xc9: {  	s0 =	sor.u32 s4, s0;
	s1 =	sshll.u32 s1, $0x11  }
0xca: {  	s0 =	sor.u32 s1, s0  }
0xcb: {  	s0 =	sadd.s32 $0x8F2B, s0  }
0xcc: {  	[sflag:s0] =	ssyncadd.remote.s32 $0x1  }
0xcd: {  	_ =	sfence.sel $0xFFFF  }
0xce: {  	[dreg:$0x0] =	wrdreg $0xFFFFFFFF;
	(pc) =	sbr.abs _section_cstart, $3  }
0xcf: {  	[dreg:$0x1] =	wrdreg $0xFFFFFFFF  }
0xd0: {  	_ =	task.clear_ibuf [dreg:s22], $0x2FFFF;
	_ =	strace $0x9FFFFFFF  }
0xd1: {  	(tm) =	ssettm $0x7FFFFFFF  }
tec
execute0_lowered:
.L_overlay_start_1:
0x0: {  	(tag) =	ssettag $0x1  }
0x1: {  	s1 =	srdreg.scid;
	s2 =	rddreg [dreg:$0x0]  }
0x2: {  	s0 =	stileid.u32;
	s4 =	rddreg [dreg:$0x1]  }
0x3: {  	s17 =	simm.s32 $0x880;
	s18 =	simm.s32 $0x1080;
	s19 =	simm.s32 $0x1880  }
0x4: {  	s20 =	simm.s32 $0x2080;
	s22 =	simm.s32 $0x2880;
	s23 =	simm.s32 $0x3080  }
0x5: {  	s24 =	simm.s32 $0x3880;
	s1 =	sand.u32 $0x1, s1;
	s3 =	sshll.u32 s0, $0x1  }
0x6: {  	s7 =	simm.s32 $0x4080;
	s5 =	sor.u32 s1, s3;
	s3 =	simm.s32 $0x0  }
0x7: {  	s8 =	simm.s32 $0x4880;
	s25 =	simm.s32 $0x5080;
	[smem:$0x7FF] =	sst s3  }
0x8: {  	s26 =	simm.s32 $0x5880;
	_ =	strace $0x8000004D;
	[dreg:$0x5] =	wrdreg s17  }
0x9: {  	s9 =	simm.s32 $0x80;
	s11 =	simm.s32 $0x6880;
	[dreg:$0x6] =	wrdreg s18  }
0xa: {  	s12 =	simm.s32 $0x7080;
	s13 =	simm.s32 $0x7880;
	[dreg:$0x7] =	wrdreg s19  }
0xb: {  	s14 =	simm.s32 $0x8080;
	s15 =	simm.s32 $0x8880;
	[dreg:$0x8] =	wrdreg s20  }
0xc: {  	s28 =	simm.s32 $0xE880;
	s29 =	simm.s32 $0xF080;
	[dreg:$0x9] =	wrdreg s22  }
0xd: {  	s30 =	simm.s32 $0xF880;
	s31 =	simm.s32 $0x1;
	[dreg:$0xa] =	wrdreg s23  }
0xe: {  	s1 =	ssub.s32 $0x2, s1;
	s6 =	sshll.u32 s5, $0x4;
	[dreg:$0xb] =	wrdreg s24  }
0xf: {  	s5 =	sshll.u32 s5, $0xD;
	s21 =	sshrl.u32 s1, $0x1;
	[dreg:$0xc] =	wrdreg s7  }
0x10: {  	s6 =	sadd.s32 s6, s4;
	s4 =	sadd.s32 s5, s4;
	[dreg:$0xd] =	wrdreg s8  }
0x11: {  	s1 =	ssub.s32 s1, s21;
	s5 =	sadd.s32 $0x200, s2;
	[dreg:$0xe] =	wrdreg s25  }
0x12: {  	s8 =	simm.s32 $0x3;
	[dreg:$0xf] =	wrdreg s26;
	s17 =	simm.s32 $0x9880  }
0x13: {  	s18 =	simm.s32 $0xA080;
	s19 =	simm.s32 $0xA880;
	s20 =	simm.s32 $0xB080  }
0x14: {  	s21 =	simm.s32 $0xB880;
	s22 =	simm.s32 $0xC080;
	s23 =	simm.s32 $0xC880  }
0x15: {  	s24 =	simm.s32 $0xD080;
	s25 =	simm.s32 $0xD880;
	s26 =	simm.s32 $0xE080  }
0x16: {  	v2 =	vlaneseq.u32;
	s16 =	sadd.s32 $0x41400, s6;
	s4 =	sadd.s32 $0x41600, s4;
	s6 =	sadd.s32 $0x300, s2  }
0x17: {  	vm0 =	vmmov $0xffff;
	v1 =	vshrl.u32 v2, $0x3;
	s7 =	smax.u32 s1, $0x1;
	s1 =	simm.s32 $0x2;
	[dreg:$0x3] =	wrdreg s16  }
0x18: {  	v0 =	vand.u32 $0x7, v2;
	v2 =	vor.u32 $0x8, v2;
	v1 =	vmul.u32 $0x8, v1;
	[dreg:$0x4] =	wrdreg s4;
	s4 =	sadd.s32 $0x100, s2;
	s16 =	simm.s32 $0x9080  }
.LBB2_1:
0x19: {  	s0 =	rddreg [dreg:$0x3]  }
0x1a: {  	[tilespmem:s3], [sflag:$0x3] =	stream.linear.gather [hbm4b:s0+s3], $0x80, $0x38;
	[tilespmem:$0x10080] =	vst v63  }
0x1b: {  	_ =	swait.ge [sflag:s8], $0x80  }
0x1c: {  	[sflag:s8] =	ssyncset.done $0x0  }
0x1d: {  	[sflag:s8] =	ssyncadd.s32 $0xFFFFFF80  }
0x1e: {  	v3 =	vld [tilespmem:$0x0];
	_ =	sdelay $0x4  }
0x1f: {  	v4 =	vshll.u32 v3, $0x3  }
0x20: {  	v3 =	vand.u32 $0x7, v3;
	v4 =	vand.u32 $0xFFFFFFC0, v4  }
0x21: {  	v3 =	vor.u32 v3, v4  }
0x22: {  	v4 =	vperm.xlane v3, v0;
	_ =	sdelay $0x1  }
0x23: {  	v4 =	vadd.s32 v1, v4;
	_ =	sdelay $0x4  }
0x24: {  	[tilespmem:s9], [sflag:$0x1] =	stream.indirect_vreg.gather [hbm4b:s2+s3], $0x80, v4, vm0, $0xb8;
	[tilespmem:$0x10080] =	vst v63  }
0x25: {  	s0 =	rddreg [dreg:$0x5];
	v3 =	vperm.xlane v3, v2  }
0x26: {  	[tilespmem:s0], [sflag:$0x1] =	stream.indirect_vreg.gather [hbm4b:s4+s3], $0x80, v4, vm0, $0xb8;
	[tilespmem:$0x10080] =	vst v63  }
0x27: {  	s10 =	rddreg [dreg:$0x6];
	v3 =	vadd.s32 v1, v3  }
0x28: {  	[tilespmem:s10], [sflag:$0x1] =	stream.indirect_vreg.gather [hbm4b:s5+s3], $0x80, v4, vm0, $0xb8;
	[tilespmem:$0x10080] =	vst v63  }
0x29: {  	s0 =	rddreg [dreg:$0x7]  }
0x2a: {  	[tilespmem:s0], [sflag:$0x1] =	stream.indirect_vreg.gather [hbm4b:s6+s3], $0x80, v4, vm0, $0xb8;
	[tilespmem:$0x10080] =	vst v63  }
0x2b: {  	s10 =	rddreg [dreg:$0x8]  }
0x2c: {  	[tilespmem:s10], [sflag:$0x1] =	stream.indirect_vreg.gather [hbm4b:s2+s3], $0x80, v3, vm0, $0xb8;
	[tilespmem:$0x10080] =	vst v63  }
0x2d: {  	s0 =	rddreg [dreg:$0x9]  }
0x2e: {  	[tilespmem:s0], [sflag:$0x1] =	stream.indirect_vreg.gather [hbm4b:s4+s3], $0x80, v3, vm0, $0xb8;
	[tilespmem:$0x10080] =	vst v63  }
0x2f: {  	s10 =	rddreg [dreg:$0xa]  }
0x30: {  	[tilespmem:s10], [sflag:$0x1] =	stream.indirect_vreg.gather [hbm4b:s5+s3], $0x80, v3, vm0, $0xb8;
	[tilespmem:$0x10080] =	vst v63  }
0x31: {  	s0 =	rddreg [dreg:$0xb]  }
0x32: {  	[tilespmem:s0], [sflag:$0x1] =	stream.indirect_vreg.gather [hbm4b:s6+s3], $0x80, v3, vm0, $0xb8;
	[tilespmem:$0x10080] =	vst v63  }
0x33: {  	v3 =	vld [tilespmem:$0x10];
	_ =	sdelay $0x4  }
0x34: {  	v61 =	vshll.u32 v3, $0x3  }
0x35: {  	v3 =	vand.u32 $0x7, v3;
	v4 =	vand.u32 $0xFFFFFFC0, v61  }
0x36: {  	v3 =	vor.u32 v3, v4  }
0x37: {  	v4 =	vperm.xlane v3, v0;
	_ =	sdelay $0x1  }
0x38: {  	v4 =	vadd.s32 v1, v4;
	_ =	sdelay $0x3  }
0x39: {  	s0 =	rddreg [dreg:$0xc]  }
0x3a: {  	[tilespmem:s0], [sflag:$0x1] =	stream.indirect_vreg.gather [hbm4b:s2+s3], $0x80, v4, vm0, $0xb8;
	[tilespmem:$0x10080] =	vst v63  }
0x3b: {  	s10 =	rddreg [dreg:$0xd];
	v3 =	vperm.xlane v3, v2  }
0x3c: {  	[tilespmem:s10], [sflag:$0x1] =	stream.indirect_vreg.gather [hbm4b:s4+s3], $0x80, v4, vm0, $0xb8;
	[tilespmem:$0x10080] =	vst v63  }
0x3d: {  	v3 =	vadd.s32 v1, v3;
	s0 =	rddreg [dreg:$0xe]  }
0x3e: {  	[tilespmem:s0], [sflag:$0x1] =	stream.indirect_vreg.gather [hbm4b:s5+s3], $0x80, v4, vm0, $0xb8;
	[tilespmem:$0x10080] =	vst v63  }
0x3f: {  	s10 =	rddreg [dreg:$0xf]  }
0x40: {  	[tilespmem:s10], [sflag:$0x1] =	stream.indirect_vreg.gather [hbm4b:s6+s3], $0x80, v4, vm0, $0xb8;
	[tilespmem:$0x10080] =	vst v63  }
0x41: {  	s10 =	simm.s32 $0x6080  }
0x42: {  	[tilespmem:s10], [sflag:$0x1] =	stream.indirect_vreg.gather [hbm4b:s2+s3], $0x80, v3, vm0, $0xb8;
	[tilespmem:$0x10080] =	vst v63  }
0x43: {  	_ = 	snop  }
0x44: {  	[tilespmem:s11], [sflag:$0x1] =	stream.indirect_vreg.gather [hbm4b:s4+s3], $0x80, v3, vm0, $0xb8;
	[tilespmem:$0x10080] =	vst v63  }
0x45: {  	_ = 	snop  }
0x46: {  	[tilespmem:s12], [sflag:$0x1] =	stream.indirect_vreg.gather [hbm4b:s5+s3], $0x80, v3, vm0, $0xb8;
	[tilespmem:$0x10080] =	vst v63  }
0x47: {  	_ = 	snop  }
0x48: {  	[tilespmem:s13], [sflag:$0x1] =	stream.indirect_vreg.gather [hbm4b:s6+s3], $0x80, v3, vm0, $0xb8;
	[tilespmem:$0x10080] =	vst v63  }
0x49: {  	v3 =	vld [tilespmem:$0x20];
	_ =	sdelay $0x4  }
0x4a: {  	v62 =	vshll.u32 v3, $0x3  }
0x4b: {  	v3 =	vand.u32 $0x7, v3;
	v4 =	vand.u32 $0xFFFFFFC0, v62  }
0x4c: {  	v3 =	vor.u32 v3, v4  }
0x4d: {  	v4 =	vperm.xlane v3, v0;
	_ =	sdelay $0x1  }
0x4e: {  	v4 =	vadd.s32 v1, v4;
	_ =	sdelay $0x4  }
0x4f: {  	[tilespmem:s14], [sflag:$0x1] =	stream.indirect_vreg.gather [hbm4b:s2+s3], $0x80, v4, vm0, $0xb8;
	[tilespmem:$0x10080] =	vst v63  }
0x50: {  	v3 =	vperm.xlane v3, v2  }
0x51: {  	[tilespmem:s15], [sflag:$0x1] =	stream.indirect_vreg.gather [hbm4b:s4+s3], $0x80, v4, vm0, $0xb8;
	[tilespmem:$0x10080] =	vst v63  }
0x52: {  	v3 =	vadd.s32 v1, v3  }
0x53: {  	[tilespmem:s16], [sflag:$0x1] =	stream.indirect_vreg.gather [hbm4b:s5+s3], $0x80, v4, vm0, $0xb8;
	[tilespmem:$0x10080] =	vst v63  }
0x54: {  	_ = 	snop  }
0x55: {  	[tilespmem:s17], [sflag:$0x1] =	stream.indirect_vreg.gather [hbm4b:s6+s3], $0x80, v4, vm0, $0xb8;
	[tilespmem:$0x10080] =	vst v63  }
0x56: {  	_ = 	snop  }
0x57: {  	[tilespmem:s18], [sflag:$0x1] =	stream.indirect_vreg.gather [hbm4b:s2+s3], $0x80, v3, vm0, $0xb8;
	[tilespmem:$0x10080] =	vst v63  }
0x58: {  	_ = 	snop  }
0x59: {  	[tilespmem:s19], [sflag:$0x1] =	stream.indirect_vreg.gather [hbm4b:s4+s3], $0x80, v3, vm0, $0xb8;
	[tilespmem:$0x10080] =	vst v63  }
0x5a: {  	_ = 	snop  }
0x5b: {  	[tilespmem:s20], [sflag:$0x1] =	stream.indirect_vreg.gather [hbm4b:s5+s3], $0x80, v3, vm0, $0xb8;
	[tilespmem:$0x10080] =	vst v63  }
0x5c: {  	_ = 	snop  }
0x5d: {  	[tilespmem:s21], [sflag:$0x1] =	stream.indirect_vreg.gather [hbm4b:s6+s3], $0x80, v3, vm0, $0xb8;
	[tilespmem:$0x10080] =	vst v63  }
0x5e: {  	v3 =	vld [tilespmem:$0x30];
	_ =	sdelay $0x4  }
0x5f: {  	v63 =	vshll.u32 v3, $0x3  }
0x60: {  	v3 =	vand.u32 $0x7, v3;
	v4 =	vand.u32 $0xFFFFFFC0, v63  }
0x61: {  	v3 =	vor.u32 v3, v4  }
0x62: {  	v4 =	vperm.xlane v3, v0;
	_ =	sdelay $0x1  }
0x63: {  	v4 =	vadd.s32 v1, v4;
	_ =	sdelay $0x4  }
0x64: {  	[tilespmem:s22], [sflag:$0x1] =	stream.indirect_vreg.gather [hbm4b:s2+s3], $0x80, v4, vm0, $0xb8;
	[tilespmem:$0x10080] =	vst v63  }
0x65: {  	v3 =	vperm.xlane v3, v2  }
0x66: {  	[tilespmem:s23], [sflag:$0x1] =	stream.indirect_vreg.gather [hbm4b:s4+s3], $0x80, v4, vm0, $0xb8;
	[tilespmem:$0x10080] =	vst v63  }
0x67: {  	v3 =	vadd.s32 v1, v3  }
0x68: {  	[tilespmem:s24], [sflag:$0x1] =	stream.indirect_vreg.gather [hbm4b:s5+s3], $0x80, v4, vm0, $0xb8;
	[tilespmem:$0x10080] =	vst v63  }
0x69: {  	_ = 	snop  }
0x6a: {  	[tilespmem:s25], [sflag:$0x1] =	stream.indirect_vreg.gather [hbm4b:s6+s3], $0x80, v4, vm0, $0xb8;
	[tilespmem:$0x10080] =	vst v63  }
0x6b: {  	_ = 	snop  }
0x6c: {  	[tilespmem:s26], [sflag:$0x1] =	stream.indirect_vreg.gather [hbm4b:s2+s3], $0x80, v3, vm0, $0xb8;
	[tilespmem:$0x10080] =	vst v63  }
0x6d: {  	_ = 	snop  }
0x6e: {  	[tilespmem:s28], [sflag:$0x1] =	stream.indirect_vreg.gather [hbm4b:s4+s3], $0x80, v3, vm0, $0xb8;
	[tilespmem:$0x10080] =	vst v63  }
0x6f: {  	_ = 	snop  }
0x70: {  	[tilespmem:s29], [sflag:$0x1] =	stream.indirect_vreg.gather [hbm4b:s5+s3], $0x80, v3, vm0, $0xb8;
	[tilespmem:$0x10080] =	vst v63  }
0x71: {  	_ = 	snop  }
0x72: {  	[tilespmem:s30], [sflag:$0x1] =	stream.indirect_vreg.gather [hbm4b:s6+s3], $0x80, v3, vm0, $0xb8;
	[tilespmem:$0x10080] =	vst v63  }
0x73: {  	_ =	swait.ge [sflag:s31], $0x10000  }
0x74: {  	p0 =	sne.s32 s7, $0x1;
	[sflag:s31] =	ssyncset.done $0x0  }
.Ltmp0:
0x75: {  	s10 =	rddreg [dreg:$0x4];
	[sflag:s31] =	ssyncadd.s32 $0xFFFF0000;
	(pc) =	sbr.rel @p0 .LBB2_1-.Ltmp0, $4  }
0x76: {  	[hbm4b:s10+s3] =	stream.linear.scatter [tilespmem:s9], [sflag:$0x2], $0x10000, $0x38;
	[tilespmem:$0x10080] =	vst v63  }
0x77: {  	_ =	swait.ge [sflag:s1], $0x10000  }
0x78: {  	[sflag:s1] =	ssyncset.done $0x0  }
0x79: {  	s7 =	sadd.s32 $0xFFFFFFFF, s7;
	[sflag:s1] =	ssyncadd.s32 $0xFFFF0000  }
0x7a: {  	_ =	sfence.sel $0x180000  }
0x7b: {  	[bflag:$0x0] =	sbarrier.arrive $0xFFFF  }
0x7c: {  	_ =	strace $0x9000004D  }
0x7d: {  	s0 =	stileid.u32;
	[bflag:$0x2] =	sbarrier.arrive $0xFFFF  }
0x7e: {  	p0 =	sne.s32 s0, $0x0;
	s0 =	rddreg [dreg:$0x2]  }
0x7f: {  	s0 =	sadd.s32 @!p0 $0x100000, s0  }
0x80: {  	[sflag:s0] =	ssyncadd.tile.s32 @!p0 $0x1;
	_ =	shalt  }
.Lfunc_end2:
_tile_overlayer_lowered:
.L_overlay_start_2:
0x81: {  	(tag) =	ssettag $0x2  }
0x82: {  	s0 =	rddreg [dreg:$0x0];
	s2 =	stileid.u32  }
0x83: {  	s1 =	rddreg [dreg:$0x1];
	p0 =	sne.s32 s2, $0x0  }
0x84: {  	s3 =	rddreg [dreg:$0x2];
	[bflag:$0x3] =	sbarrier.arrive $0xFFFF;
	s2 =	simm.s32 @!p0 $0x1C03  }
0x85: {  	[timem:s3], [sflag:s2] =	dma.local @!p0 [hbm:s0], s1  }
0x86: {  	s0 =	simm.s32 @!p0 $0x3  }
0x87: {  	_ =	swait.ge @!p0 [sflag:s0], s1  }
0x88: {  	s1 =	ssub.s32 @!p0 $0x0, s1;
	[sflag:s0] =	ssyncset.done @!p0 $0x0  }
0x89: {  	[sflag:s0] =	ssyncadd.s32 @!p0 s1  }
0x8a: {  	[bflag:$0x3] =	sbarrier.arrive $0xFFFF  }
0x8b: {  	_ =	shalt  }

// kernel: kernel.20.cloned.1.call-start
scs
__scs_entry_jumppad:
0x0: {  	(pc) =	sbr.rel $0x88, $3  }
0x1: {  	(tag) =	ssettag $0x0;
	lr =	simm.s32 $0x1  }
0x2: {  	[smem:$0x3F9D] =	sst lr;
	_ =	strace $0xD0000000  }
0x3: {  	_ = 	snop  }
0x4: {  	_ = 	snop  }
0x5: {  	_ = 	snop  }
0x6: {  	_ = 	snop  }
0x7: {  	_ = 	snop  }
__scs_overlays_trampoline_lowered:
0x8: {  	[smem:$0x3FAC] =	sst s0  }
0x9: {  	[smem:$0x3FAD] =	sst s1  }
0xa: {  	[smem:$0x3FAE] =	sst s2  }
0xb: {  	[smem:$0x3FAF] =	sst s3  }
0xc: {  	[smem:$0x3FB0] =	sst s4  }
0xd: {  	[smem:$0x3FB1] =	sst s5  }
0xe: {  	[smem:$0x3FB2] =	sst s6  }
0xf: {  	[smem:$0x3FB3] =	sst s7  }
0x10: {  	[smem:$0x3FB4] =	sst s8  }
0x11: {  	[smem:$0x3FB5] =	sst s9;
	s0 =	simm.s32 @!p0 $0x0  }
0x12: {  	s1 =	sld [smem:$0x3F9B];
	s0 =	simm.s32 @p0 $0x1  }
0x13: {  	[smem:$0x3FB6] =	sst s0;
	s0 =	simm.s32 @!p1 $0x0  }
0x14: {  	s2 =	sld [smem:$0x3F9A];
	s0 =	simm.s32 @p1 $0x1  }
0x15: {  	[smem:$0x3FB7] =	sst s0;
	s0 =	simm.s32 @!p2 $0x0  }
0x16: {  	s3 =	sld [smem:$0x3FDB];
	s0 =	simm.s32 @p2 $0x1  }
0x17: {  	s4 =	simm.s32 $0x1BF5;
	[smem:$0x3FB9] =	sst s0  }
0x18: {  	s0 =	sld [smem:$0x3F9C];
	_ =	swait.ge [sflag:s4], $0x0  }
0x19: {  	s7 =	sld [smem:$0x3F9D]  }
0x1a: {  	s8 =	sadd.s32 $0xFFFFE003, lr  }
0x1b: {  	s9 =	sadd.s32 $0xFFFFFEF7, lr;
	s5 =	simm.s32 $0xFFFFFFFF;
	p2 =	slt.u32 s8, $0xFFFFF086  }
0x1c: {  	p1 =	slt.u32 s9, $0xF7A;
	s5 =	simm.s32 @!p2 $0x0  }
0x1d: {  	s5 =	simm.s32 @p1 $0x1;
	p0 =	seq.s32 s7, s2  }
0x1e: {  	s7 =	smul.u32 @!p0 $0xF7A, s2;
	p2 =	seq.s32 @!p0 s5, $0x0  }
0x1f: {  	s9 =	smul.u32 $0xF7A, s1;
	s8 =	simm.s32 @!p0 $0x1BF5;
	p2 =	por !p2, p0  }
0x20: {  	[sflag:s8] =	ssyncset.s32 @!p0 $0xFFFFF086;
	s6 =	sadd.s32 @!p0 s3, s7;
	s7 =	simm.s32 @!p0 $0x108  }
0x21: {  	s3 =	sadd.s32 s3, s9;
	s6 =	sadd.s32 @!p0 $0x88, s6;
	s7 =	simm.s32 @p2 $0x1082  }
0x22: {  	[simem:s7], [sflag:s8] =	dma.local @!p0 [hbm:s6], $0xF7A  }
0x23: {  	s9 =	sor.u32 $0xD0000000, s2;
	s6 =	simm.s32 $0x108;
	_ =	swait.ge @!p0 [sflag:s8], $0x0  }
0x24: {  	s3 =	sadd.s32 $0x88, s3;
	s6 =	simm.s32 @!p1 $0x1082;
	[sflag:s4] =	ssyncset.s32 $0xFFFFF086  }
0x25: {  	[simem:s6], [sflag:s4] =	dma.local [hbm:s3], $0xF7A  }
0x26: {  	[smem:$0x3F9D] =	sst s1;
	(tag) =	ssettag s2;
	_ =	strace s9  }
0x27: {  	s1 =	sld [smem:$0x3FAD]  }
0x28: {  	s2 =	sld [smem:$0x3FAE]  }
0x29: {  	s4 =	sld [smem:$0x3FB0]  }
0x2a: {  	p0 =	seq.s32 s5, $0x0;
	s5 =	sld [smem:$0x3FB1]  }
0x2b: {  	s6 =	sld [smem:$0x3FB2]  }
0x2c: {  	s7 =	sld [smem:$0x3FB3]  }
0x2d: {  	s3 =	simm.s32 $0x108;
	s8 =	sld [smem:$0x3FB4]  }
0x2e: {  	s3 =	simm.s32 @!p0 $0x1082;
	s9 =	sld [smem:$0x3FB5]  }
0x2f: {  	lr =	sadd.s32 s0, s3;
	s0 =	sld [smem:$0x3FAC]  }
0x30: {  	s3 =	sld [smem:$0x3FAF]  }
0x31: {  	[smem:$0x3FB8] =	sst s10  }
0x32: {  	s10 =	sld [smem:$0x3FB6];
	_ =	sdelay $0x3  }
0x33: {  	p0 =	seq.s32 s10, $0x1;
	s10 =	sld [smem:$0x3FB8];
	_ =	sdelay $0x3  }
0x34: {  	[smem:$0x3FB8] =	sst s10  }
0x35: {  	s10 =	sld [smem:$0x3FB7];
	_ =	sdelay $0x3  }
0x36: {  	p1 =	seq.s32 s10, $0x1;
	s10 =	sld [smem:$0x3FB8];
	_ =	sdelay $0x3  }
0x37: {  	[smem:$0x3FB8] =	sst s10  }
0x38: {  	s10 =	sld [smem:$0x3FB9]  }
0x39: {  	_ = 	snop;
	(pc) =	sbr.ind lr, $3  }
0x3a: {  	_ = 	snop  }
0x3b: {  	_ = 	snop  }
0x3c: {  	p2 =	seq.s32 s10, $0x1;
	s10 =	sld [smem:$0x3FB8]  }
0x3d: {  	_ =	shalt  }
0x3e: {  	_ =	shalt  }
0x3f: {  	_ =	shalt  }
0x40: {  	_ =	shalt  }
0x41: {  	_ =	shalt  }
0x42: {  	_ =	shalt  }
0x43: {  	_ =	shalt  }
0x44: {  	_ =	shalt  }
0x45: {  	_ =	shalt  }
0x46: {  	_ =	shalt  }
0x47: {  	_ =	shalt  }
0x48: {  	_ =	shalt  }
0x49: {  	_ =	shalt  }
0x4a: {  	_ =	shalt  }
0x4b: {  	_ =	shalt  }
0x4c: {  	_ =	shalt  }
0x4d: {  	_ =	shalt  }
0x4e: {  	_ =	shalt  }
0x4f: {  	_ =	shalt  }
0x50: {  	_ =	shalt  }
0x51: {  	_ =	shalt  }
0x52: {  	_ =	shalt  }
0x53: {  	_ =	shalt  }
0x54: {  	_ =	shalt  }
0x55: {  	_ =	shalt  }
0x56: {  	_ =	shalt  }
0x57: {  	_ =	shalt  }
0x58: {  	_ =	shalt  }
0x59: {  	_ =	shalt  }
0x5a: {  	_ =	shalt  }
0x5b: {  	_ =	shalt  }
0x5c: {  	_ =	shalt  }
0x5d: {  	_ =	shalt  }
0x5e: {  	_ =	shalt  }
0x5f: {  	_ =	shalt  }
0x60: {  	_ =	shalt  }
0x61: {  	_ =	shalt  }
0x62: {  	_ =	shalt  }
0x63: {  	_ =	shalt  }
0x64: {  	_ =	shalt  }
0x65: {  	_ =	shalt  }
0x66: {  	_ =	shalt  }
0x67: {  	_ =	shalt  }
0x68: {  	_ =	shalt  }
0x69: {  	_ =	shalt  }
0x6a: {  	_ =	shalt  }
0x6b: {  	_ =	shalt  }
0x6c: {  	_ =	shalt  }
0x6d: {  	_ =	shalt  }
0x6e: {  	_ =	shalt  }
0x6f: {  	_ =	shalt  }
0x70: {  	_ =	shalt  }
0x71: {  	_ =	shalt  }
0x72: {  	_ =	shalt  }
0x73: {  	_ =	shalt  }
0x74: {  	_ =	shalt  }
0x75: {  	_ =	shalt  }
0x76: {  	_ =	shalt  }
0x77: {  	_ =	shalt  }
0x78: {  	_ =	shalt  }
0x79: {  	_ =	shalt  }
0x7a: {  	_ =	shalt  }
0x7b: {  	_ =	shalt  }
0x7c: {  	_ =	shalt  }
0x7d: {  	_ =	shalt  }
0x7e: {  	_ =	shalt  }
0x7f: {  	_ =	shalt  }
0x80: {  	_ =	shalt  }
0x81: {  	_ =	shalt  }
0x82: {  	_ =	shalt  }
0x83: {  	_ =	shalt  }
0x84: {  	_ =	shalt  }
0x85: {  	_ =	shalt  }
0x86: {  	_ =	shalt  }
0x87: {  	_ =	shalt  }
.Lfunc_end0:
.L_simem_size_0:
called_computation.3_lowered:
.L_overlay_start_0:
0x88: {  	s2 =	sld [smem:$0x3FD9]  }
0x89: {  	s3 =	sld [smem:$0x3FFE];
	_ =	sdelay $0x1  }
0x8a: {  	s1 =	srdreg.scid  }
0x8b: {  	s0 =	sand.u32 $0x1, s1  }
0x8c: {  	s17 =	sshll.u32 s0, $0xA;
	s2 =	sadd.s32 s3, s2  }
0x8d: {  	s2 =	sadd.s32 s2, s17  }
0x8e: {  	[smem:$0x3FC4] =	sst s2  }
0x8f: {  	_ = 	snop  }
0x90: {  	s18 =	sld [smem:$0x3FC8];
	(tm) =	ssettm $0x1  }
0x91: {  	s19 =	sld [smem:$0x3FFB];
	_ =	sdelay $0x3  }
0x92: {  	_ =	strace s19  }
0x93: {  	s2 =	sld [smem:$0x3FFC];
	_ =	sdelay $0x3  }
0x94: {  	_ =	strace s2  }
0x95: {  	s2 =	sld [smem:$0x3FFD];
	_ =	sdelay $0x3  }
0x96: {  	_ =	strace s2  }
0x97: {  	_ =	strace $0x8FFFFFFF  }
0x98: {  	s20 =	sld [smem:$0x3FDB];
	_ =	sdelay $0x1  }
0x99: {  	s4 =	simm.s32 $_scs_section_size  }
0x9a: {  	s5 =	simm.s32 $_size__tile_overlayer_lowered;
	s6 =	simm.s32 $_tile_overlayer_lowered  }
0x9b: {  	s7 =	simm.s32 $0x1BFF;
	s21 =	sshll.u32 s6, $0x1;
	s4 =	sadd.s32 s4, s20  }
0x9c: {  	s22 =	simm.s32 $0x0;
	s5 =	sshll.u32 s5, $0x1;
	s6 =	sadd.s32 s21, s4  }
0x9d: {  	[timem:s22], [sflag:s7] =	dma.local [hbm:s6], s5  }
0x9e: {  	_ =	swait.ge [sflag:s7], s5  }
0x9f: {  	s5 =	ssub.s32 $0x0, s5;
	[sflag:s7] =	ssyncset.done $0x0  }
0xa0: {  	[sflag:s7] =	ssyncadd.s32 s5;
	_ =	sdelay $0x1  }
0xa1: {  	s23 =	simm.s32 $0x1B8B  }
0xa2: {  	_ =	swait.ge [sflag:s23], $0x1  }
0xa3: {  	[sflag:s23] =	ssyncset.done $0x0  }
0xa4: {  	[sflag:s23] =	ssyncadd.s32 $0xFFFFFFFF  }
0xa5: {  	s5 =	sld [smem:$0x0]  }
0xa6: {  	s6 =	sand.u32 $0xFFFFFFFE, s1  }
0xa7: {  	p0 =	sne.s32 s1, s6  }
0xa8: {  	s6 =	sshll.u32 @p0 s6, $0xE  }
0xa9: {  	s6 =	sadd.s32 @p0 $0x11B8D, s6;
	s7 =	sshll.u32 @p0 s5, $0x11  }
0xaa: {  	s6 =	sor.u32 @p0 s7, s6  }
0xab: {  	[sflag:s6] =	ssyncadd.remote.s32 @p0 $0x1;
	_ =	sdelay $0x1  }
0xac: {  	s6 =	simm.s32 @p0 $0x1B8D  }
0xad: {  	_ =	swait.eq @p0 [sflag:s6], $0x1  }
0xae: {  	[sflag:s6] =	ssyncadd.s32 @p0 $0xFFFFFFFF  }
0xaf: {  	s7 =	sshll.u32 @!p0 s1, $0xE  }
0xb0: {  	s7 =	sor.u32 @!p0 $0x4000, s7;
	s6 =	simm.s32 @!p0 $0x1B8D  }
0xb1: {  	s5 =	sshll.u32 @!p0 s5, $0x11;
	s7 =	sadd.s32 @!p0 $0x11B8D, s7;
	_ =	swait.eq @!p0 [sflag:s6], $0x1  }
0xb2: {  	s5 =	sor.u32 @!p0 s5, s7;
	[sflag:s6] =	ssyncadd.s32 @!p0 $0xFFFFFFFF  }
0xb3: {  	s25 =	simm.s32 $0x1B8E;
	s24 =	sld [smem:$0x3FFE];
	[sflag:s5] =	ssyncadd.remote.s32 @!p0 $0x1  }
0xb4: {  	s26 =	simm.s32 $execute0_lowered;
	[smem:$0x3FD2] =	sst s25  }
0xb5: {  	s6 =	sshll.u32 s26, $0x1;
	_ =	strace $0x8000004F;
	[dreg:$0x1] =	wrdreg $0xFFFFFFFF  }
0xb6: {  	s28 =	simm.s32 $_size_execute0_lowered;
	s4 =	sadd.s32 s4, s6;
	[dreg:$0x0] =	wrdreg $0x0  }
0xb7: {  	s6 =	sshll.u32 s28, $0x1;
	[dreg:$0x2] =	wrdreg s4  }
0xb8: {  	[dreg:$0x3] =	wrdreg s6  }
0xb9: {  	[dreg:$0x4] =	wrdreg $0xC0  }
0xba: {  	_ =	task [dreg:s22], $0x5FFFF  }
0xbb: {  	[dreg:$0x1] =	wrdreg $0xFFFFFFFF  }
0xbc: {  	[dreg:$0x0] =	wrdreg $0x60  }
0xbd: {  	[dreg:$0x2] =	wrdreg s18  }
0xbe: {  	[dreg:$0x3] =	wrdreg s24  }
0xbf: {  	[dreg:$0x4] =	wrdreg $0xC  }
0xc0: {  	_ =	task.clear_ibuf [dreg:s22], $0x5FFFF;
	_ =	strace $0x9000004F  }
0xc1: {  	s29 =	simm.s32 $0xC;
	_ =	strace $0x80000051  }
0xc2: {  	_ =	swait.ge [sflag:s29], $0x1  }
0xc3: {  	[sflag:s29] =	ssyncadd.s32 $0xFFFFFFFF  }
0xc4: {  	_ =	strace $0x90000051  }
0xc5: {  	_ =	sfence  }
0xc6: {  	s30 =	sld [smem:$0x0];
	_ =	sdelay $0x2  }
0xc7: {  	s31 =	sshll.u32 s1, $0xD;
	s1 =	sshrl.u32 s1, $0x2  }
0xc8: {  	s4 =	sand.u32 $0x4000, s31;
	s1 =	sadd.s32 s1, s30  }
0xc9: {  	s0 =	sor.u32 s4, s0;
	s1 =	sshll.u32 s1, $0x11  }
0xca: {  	s0 =	sor.u32 s1, s0  }
0xcb: {  	s0 =	sadd.s32 $0x8F2B, s0  }
0xcc: {  	[sflag:s0] =	ssyncadd.remote.s32 $0x1  }
0xcd: {  	_ =	sfence.sel $0xFFFF  }
0xce: {  	[dreg:$0x0] =	wrdreg $0xFFFFFFFF;
	(pc) =	sbr.abs _section_cstart, $3  }
0xcf: {  	[dreg:$0x1] =	wrdreg $0xFFFFFFFF  }
0xd0: {  	_ =	task.clear_ibuf [dreg:s22], $0x2FFFF;
	_ =	strace $0x9FFFFFFF  }
0xd1: {  	(tm) =	ssettm $0x7FFFFFFF  }
tec
execute0_lowered:
.L_overlay_start_1:
0x0: {  	(tag) =	ssettag $0x1  }
0x1: {  	s1 =	srdreg.scid;
	s2 =	rddreg [dreg:$0x0]  }
0x2: {  	s0 =	stileid.u32;
	s4 =	rddreg [dreg:$0x1]  }
0x3: {  	s17 =	simm.s32 $0x880;
	s18 =	simm.s32 $0x1080;
	s19 =	simm.s32 $0x1880  }
0x4: {  	s20 =	simm.s32 $0x2080;
	s22 =	simm.s32 $0x2880;
	s23 =	simm.s32 $0x3080  }
0x5: {  	s24 =	simm.s32 $0x3880;
	s1 =	sand.u32 $0x1, s1;
	s3 =	sshll.u32 s0, $0x1  }
0x6: {  	s7 =	simm.s32 $0x4080;
	s5 =	sor.u32 s1, s3;
	s3 =	simm.s32 $0x0  }
0x7: {  	s8 =	simm.s32 $0x4880;
	s25 =	simm.s32 $0x5080;
	[smem:$0x7FF] =	sst s3  }
0x8: {  	s26 =	simm.s32 $0x5880;
	_ =	strace $0x80000050;
	[dreg:$0x5] =	wrdreg s17  }
0x9: {  	s9 =	simm.s32 $0x80;
	s11 =	simm.s32 $0x6880;
	[dreg:$0x6] =	wrdreg s18  }
0xa: {  	s12 =	simm.s32 $0x7080;
	s13 =	simm.s32 $0x7880;
	[dreg:$0x7] =	wrdreg s19  }
0xb: {  	s14 =	simm.s32 $0x8080;
	s15 =	simm.s32 $0x8880;
	[dreg:$0x8] =	wrdreg s20  }
0xc: {  	s28 =	simm.s32 $0xE880;
	s29 =	simm.s32 $0xF080;
	[dreg:$0x9] =	wrdreg s22  }
0xd: {  	s30 =	simm.s32 $0xF880;
	s31 =	simm.s32 $0x1;
	[dreg:$0xa] =	wrdreg s23  }
0xe: {  	s1 =	ssub.s32 $0x2, s1;
	s6 =	sshll.u32 s5, $0x4;
	[dreg:$0xb] =	wrdreg s24  }
0xf: {  	s5 =	sshll.u32 s5, $0xD;
	s21 =	sshrl.u32 s1, $0x1;
	[dreg:$0xc] =	wrdreg s7  }
0x10: {  	s6 =	sadd.s32 s6, s4;
	s4 =	sadd.s32 s5, s4;
	[dreg:$0xd] =	wrdreg s8  }
0x11: {  	s1 =	ssub.s32 s1, s21;
	s5 =	sadd.s32 $0x200, s2;
	[dreg:$0xe] =	wrdreg s25  }
0x12: {  	s8 =	simm.s32 $0x3;
	[dreg:$0xf] =	wrdreg s26;
	s17 =	simm.s32 $0x9880  }
0x13: {  	s18 =	simm.s32 $0xA080;
	s19 =	simm.s32 $0xA880;
	s20 =	simm.s32 $0xB080  }
0x14: {  	s21 =	simm.s32 $0xB880;
	s22 =	simm.s32 $0xC080;
	s23 =	simm.s32 $0xC880  }
0x15: {  	s24 =	simm.s32 $0xD080;
	s25 =	simm.s32 $0xD880;
	s26 =	simm.s32 $0xE080  }
0x16: {  	v2 =	vlaneseq.u32;
	s16 =	sadd.s32 $0x81600, s6;
	s4 =	sadd.s32 $0x81800, s4;
	s6 =	sadd.s32 $0x300, s2  }
0x17: {  	vm0 =	vmmov $0xffff;
	v1 =	vshrl.u32 v2, $0x3;
	s7 =	smax.u32 s1, $0x1;
	s1 =	simm.s32 $0x2;
	[dreg:$0x3] =	wrdreg s16  }
0x18: {  	v0 =	vand.u32 $0x7, v2;
	v2 =	vor.u32 $0x8, v2;
	v1 =	vmul.u32 $0x8, v1;
	[dreg:$0x4] =	wrdreg s4;
	s4 =	sadd.s32 $0x100, s2;
	s16 =	simm.s32 $0x9080  }
.LBB2_1:
0x19: {  	s0 =	rddreg [dreg:$0x3]  }
0x1a: {  	[tilespmem:s3], [sflag:$0x3] =	stream.linear.gather [hbm4b:s0+s3], $0x80, $0x38;
	[tilespmem:$0x10080] =	vst v63  }
0x1b: {  	_ =	swait.ge [sflag:s8], $0x80  }
0x1c: {  	[sflag:s8] =	ssyncset.done $0x0  }
0x1d: {  	[sflag:s8] =	ssyncadd.s32 $0xFFFFFF80  }
0x1e: {  	v3 =	vld [tilespmem:$0x0];
	_ =	sdelay $0x4  }
0x1f: {  	v4 =	vshll.u32 v3, $0x3  }
0x20: {  	v3 =	vand.u32 $0x7, v3;
	v4 =	vand.u32 $0xFFFFFFC0, v4  }
0x21: {  	v3 =	vor.u32 v3, v4  }
0x22: {  	v4 =	vperm.xlane v3, v0;
	_ =	sdelay $0x1  }
0x23: {  	v4 =	vadd.s32 v1, v4;
	_ =	sdelay $0x4  }
0x24: {  	[tilespmem:s9], [sflag:$0x1] =	stream.indirect_vreg.gather [hbm4b:s2+s3], $0x80, v4, vm0, $0xb8;
	[tilespmem:$0x10080] =	vst v63  }
0x25: {  	s0 =	rddreg [dreg:$0x5];
	v3 =	vperm.xlane v3, v2  }
0x26: {  	[tilespmem:s0], [sflag:$0x1] =	stream.indirect_vreg.gather [hbm4b:s4+s3], $0x80, v4, vm0, $0xb8;
	[tilespmem:$0x10080] =	vst v63  }
0x27: {  	s10 =	rddreg [dreg:$0x6];
	v3 =	vadd.s32 v1, v3  }
0x28: {  	[tilespmem:s10], [sflag:$0x1] =	stream.indirect_vreg.gather [hbm4b:s5+s3], $0x80, v4, vm0, $0xb8;
	[tilespmem:$0x10080] =	vst v63  }
0x29: {  	s0 =	rddreg [dreg:$0x7]  }
0x2a: {  	[tilespmem:s0], [sflag:$0x1] =	stream.indirect_vreg.gather [hbm4b:s6+s3], $0x80, v4, vm0, $0xb8;
	[tilespmem:$0x10080] =	vst v63  }
0x2b: {  	s10 =	rddreg [dreg:$0x8]  }
0x2c: {  	[tilespmem:s10], [sflag:$0x1] =	stream.indirect_vreg.gather [hbm4b:s2+s3], $0x80, v3, vm0, $0xb8;
	[tilespmem:$0x10080] =	vst v63  }
0x2d: {  	s0 =	rddreg [dreg:$0x9]  }
0x2e: {  	[tilespmem:s0], [sflag:$0x1] =	stream.indirect_vreg.gather [hbm4b:s4+s3], $0x80, v3, vm0, $0xb8;
	[tilespmem:$0x10080] =	vst v63  }
0x2f: {  	s10 =	rddreg [dreg:$0xa]  }
0x30: {  	[tilespmem:s10], [sflag:$0x1] =	stream.indirect_vreg.gather [hbm4b:s5+s3], $0x80, v3, vm0, $0xb8;
	[tilespmem:$0x10080] =	vst v63  }
0x31: {  	s0 =	rddreg [dreg:$0xb]  }
0x32: {  	[tilespmem:s0], [sflag:$0x1] =	stream.indirect_vreg.gather [hbm4b:s6+s3], $0x80, v3, vm0, $0xb8;
	[tilespmem:$0x10080] =	vst v63  }
0x33: {  	v3 =	vld [tilespmem:$0x10];
	_ =	sdelay $0x4  }
0x34: {  	v61 =	vshll.u32 v3, $0x3  }
0x35: {  	v3 =	vand.u32 $0x7, v3;
	v4 =	vand.u32 $0xFFFFFFC0, v61  }
0x36: {  	v3 =	vor.u32 v3, v4  }
0x37: {  	v4 =	vperm.xlane v3, v0;
	_ =	sdelay $0x1  }
0x38: {  	v4 =	vadd.s32 v1, v4;
	_ =	sdelay $0x3  }
0x39: {  	s0 =	rddreg [dreg:$0xc]  }
0x3a: {  	[tilespmem:s0], [sflag:$0x1] =	stream.indirect_vreg.gather [hbm4b:s2+s3], $0x80, v4, vm0, $0xb8;
	[tilespmem:$0x10080] =	vst v63  }
0x3b: {  	s10 =	rddreg [dreg:$0xd];
	v3 =	vperm.xlane v3, v2  }
0x3c: {  	[tilespmem:s10], [sflag:$0x1] =	stream.indirect_vreg.gather [hbm4b:s4+s3], $0x80, v4, vm0, $0xb8;
	[tilespmem:$0x10080] =	vst v63  }
0x3d: {  	v3 =	vadd.s32 v1, v3;
	s0 =	rddreg [dreg:$0xe]  }
0x3e: {  	[tilespmem:s0], [sflag:$0x1] =	stream.indirect_vreg.gather [hbm4b:s5+s3], $0x80, v4, vm0, $0xb8;
	[tilespmem:$0x10080] =	vst v63  }
0x3f: {  	s10 =	rddreg [dreg:$0xf]  }
0x40: {  	[tilespmem:s10], [sflag:$0x1] =	stream.indirect_vreg.gather [hbm4b:s6+s3], $0x80, v4, vm0, $0xb8;
	[tilespmem:$0x10080] =	vst v63  }
0x41: {  	s10 =	simm.s32 $0x6080  }
0x42: {  	[tilespmem:s10], [sflag:$0x1] =	stream.indirect_vreg.gather [hbm4b:s2+s3], $0x80, v3, vm0, $0xb8;
	[tilespmem:$0x10080] =	vst v63  }
0x43: {  	_ = 	snop  }
0x44: {  	[tilespmem:s11], [sflag:$0x1] =	stream.indirect_vreg.gather [hbm4b:s4+s3], $0x80, v3, vm0, $0xb8;
	[tilespmem:$0x10080] =	vst v63  }
0x45: {  	_ = 	snop  }
0x46: {  	[tilespmem:s12], [sflag:$0x1] =	stream.indirect_vreg.gather [hbm4b:s5+s3], $0x80, v3, vm0, $0xb8;
	[tilespmem:$0x10080] =	vst v63  }
0x47: {  	_ = 	snop  }
0x48: {  	[tilespmem:s13], [sflag:$0x1] =	stream.indirect_vreg.gather [hbm4b:s6+s3], $0x80, v3, vm0, $0xb8;
	[tilespmem:$0x10080] =	vst v63  }
0x49: {  	v3 =	vld [tilespmem:$0x20];
	_ =	sdelay $0x4  }
0x4a: {  	v62 =	vshll.u32 v3, $0x3  }
0x4b: {  	v3 =	vand.u32 $0x7, v3;
	v4 =	vand.u32 $0xFFFFFFC0, v62  }
0x4c: {  	v3 =	vor.u32 v3, v4  }
0x4d: {  	v4 =	vperm.xlane v3, v0;
	_ =	sdelay $0x1  }
0x4e: {  	v4 =	vadd.s32 v1, v4;
	_ =	sdelay $0x4  }
0x4f: {  	[tilespmem:s14], [sflag:$0x1] =	stream.indirect_vreg.gather [hbm4b:s2+s3], $0x80, v4, vm0, $0xb8;
	[tilespmem:$0x10080] =	vst v63  }
0x50: {  	v3 =	vperm.xlane v3, v2  }
0x51: {  	[tilespmem:s15], [sflag:$0x1] =	stream.indirect_vreg.gather [hbm4b:s4+s3], $0x80, v4, vm0, $0xb8;
	[tilespmem:$0x10080] =	vst v63  }
0x52: {  	v3 =	vadd.s32 v1, v3  }
0x53: {  	[tilespmem:s16], [sflag:$0x1] =	stream.indirect_vreg.gather [hbm4b:s5+s3], $0x80, v4, vm0, $0xb8;
	[tilespmem:$0x10080] =	vst v63  }
0x54: {  	_ = 	snop  }
0x55: {  	[tilespmem:s17], [sflag:$0x1] =	stream.indirect_vreg.gather [hbm4b:s6+s3], $0x80, v4, vm0, $0xb8;
	[tilespmem:$0x10080] =	vst v63  }
0x56: {  	_ = 	snop  }
0x57: {  	[tilespmem:s18], [sflag:$0x1] =	stream.indirect_vreg.gather [hbm4b:s2+s3], $0x80, v3, vm0, $0xb8;
	[tilespmem:$0x10080] =	vst v63  }
0x58: {  	_ = 	snop  }
0x59: {  	[tilespmem:s19], [sflag:$0x1] =	stream.indirect_vreg.gather [hbm4b:s4+s3], $0x80, v3, vm0, $0xb8;
	[tilespmem:$0x10080] =	vst v63  }
0x5a: {  	_ = 	snop  }
0x5b: {  	[tilespmem:s20], [sflag:$0x1] =	stream.indirect_vreg.gather [hbm4b:s5+s3], $0x80, v3, vm0, $0xb8;
	[tilespmem:$0x10080] =	vst v63  }
0x5c: {  	_ = 	snop  }
0x5d: {  	[tilespmem:s21], [sflag:$0x1] =	stream.indirect_vreg.gather [hbm4b:s6+s3], $0x80, v3, vm0, $0xb8;
	[tilespmem:$0x10080] =	vst v63  }
0x5e: {  	v3 =	vld [tilespmem:$0x30];
	_ =	sdelay $0x4  }
0x5f: {  	v63 =	vshll.u32 v3, $0x3  }
0x60: {  	v3 =	vand.u32 $0x7, v3;
	v4 =	vand.u32 $0xFFFFFFC0, v63  }
0x61: {  	v3 =	vor.u32 v3, v4  }
0x62: {  	v4 =	vperm.xlane v3, v0;
	_ =	sdelay $0x1  }
0x63: {  	v4 =	vadd.s32 v1, v4;
	_ =	sdelay $0x4  }
0x64: {  	[tilespmem:s22], [sflag:$0x1] =	stream.indirect_vreg.gather [hbm4b:s2+s3], $0x80, v4, vm0, $0xb8;
	[tilespmem:$0x10080] =	vst v63  }
0x65: {  	v3 =	vperm.xlane v3, v2  }
0x66: {  	[tilespmem:s23], [sflag:$0x1] =	stream.indirect_vreg.gather [hbm4b:s4+s3], $0x80, v4, vm0, $0xb8;
	[tilespmem:$0x10080] =	vst v63  }
0x67: {  	v3 =	vadd.s32 v1, v3  }
0x68: {  	[tilespmem:s24], [sflag:$0x1] =	stream.indirect_vreg.gather [hbm4b:s5+s3], $0x80, v4, vm0, $0xb8;
	[tilespmem:$0x10080] =	vst v63  }
0x69: {  	_ = 	snop  }
0x6a: {  	[tilespmem:s25], [sflag:$0x1] =	stream.indirect_vreg.gather [hbm4b:s6+s3], $0x80, v4, vm0, $0xb8;
	[tilespmem:$0x10080] =	vst v63  }
0x6b: {  	_ = 	snop  }
0x6c: {  	[tilespmem:s26], [sflag:$0x1] =	stream.indirect_vreg.gather [hbm4b:s2+s3], $0x80, v3, vm0, $0xb8;
	[tilespmem:$0x10080] =	vst v63  }
0x6d: {  	_ = 	snop  }
0x6e: {  	[tilespmem:s28], [sflag:$0x1] =	stream.indirect_vreg.gather [hbm4b:s4+s3], $0x80, v3, vm0, $0xb8;
	[tilespmem:$0x10080] =	vst v63  }
0x6f: {  	_ = 	snop  }
0x70: {  	[tilespmem:s29], [sflag:$0x1] =	stream.indirect_vreg.gather [hbm4b:s5+s3], $0x80, v3, vm0, $0xb8;
	[tilespmem:$0x10080] =	vst v63  }
0x71: {  	_ = 	snop  }
0x72: {  	[tilespmem:s30], [sflag:$0x1] =	stream.indirect_vreg.gather [hbm4b:s6+s3], $0x80, v3, vm0, $0xb8;
	[tilespmem:$0x10080] =	vst v63  }
0x73: {  	_ =	swait.ge [sflag:s31], $0x10000  }
0x74: {  	p0 =	sne.s32 s7, $0x1;
	[sflag:s31] =	ssyncset.done $0x0  }
.Ltmp0:
0x75: {  	s10 =	rddreg [dreg:$0x4];
	[sflag:s31] =	ssyncadd.s32 $0xFFFF0000;
	(pc) =	sbr.rel @p0 .LBB2_1-.Ltmp0, $4  }
0x76: {  	[hbm4b:s10+s3] =	stream.linear.scatter [tilespmem:s9], [sflag:$0x2], $0x10000, $0x38;
	[tilespmem:$0x10080] =	vst v63  }
0x77: {  	_ =	swait.ge [sflag:s1], $0x10000  }
0x78: {  	[sflag:s1] =	ssyncset.done $0x0  }
0x79: {  	s7 =	sadd.s32 $0xFFFFFFFF, s7;
	[sflag:s1] =	ssyncadd.s32 $0xFFFF0000  }
0x7a: {  	_ =	sfence.sel $0x180000  }
0x7b: {  	[bflag:$0x0] =	sbarrier.arrive $0xFFFF  }
0x7c: {  	_ =	strace $0x90000050  }
0x7d: {  	s0 =	stileid.u32;
	[bflag:$0x2] =	sbarrier.arrive $0xFFFF  }
0x7e: {  	p0 =	sne.s32 s0, $0x0;
	s0 =	rddreg [dreg:$0x2]  }
0x7f: {  	s0 =	sadd.s32 @!p0 $0x100000, s0  }
0x80: {  	[sflag:s0] =	ssyncadd.tile.s32 @!p0 $0x1;
	_ =	shalt  }
.Lfunc_end2:
_tile_overlayer_lowered:
.L_overlay_start_2:
0x81: {  	(tag) =	ssettag $0x2  }
0x82: {  	s0 =	rddreg [dreg:$0x0];
	s2 =	stileid.u32  }
0x83: {  	s1 =	rddreg [dreg:$0x1];
	p0 =	sne.s32 s2, $0x0  }
0x84: {  	s3 =	rddreg [dreg:$0x2];
	[bflag:$0x3] =	sbarrier.arrive $0xFFFF;
	s2 =	simm.s32 @!p0 $0x1C03  }
0x85: {  	[timem:s3], [sflag:s2] =	dma.local @!p0 [hbm:s0], s1  }
0x86: {  	s0 =	simm.s32 @!p0 $0x3  }
0x87: {  	_ =	swait.ge @!p0 [sflag:s0], s1  }
0x88: {  	s1 =	ssub.s32 @!p0 $0x0, s1;
	[sflag:s0] =	ssyncset.done @!p0 $0x0  }
0x89: {  	[sflag:s0] =	ssyncadd.s32 @!p0 s1  }
0x8a: {  	[bflag:$0x3] =	sbarrier.arrive $0xFFFF  }
0x8b: {  	_ =	shalt  }

</sc_bundles>
